<compile_context>
chip_gen: v7x
topology: tpu7x:2x2x1
jax: 0.10.2.dev20260603
libtpu: 0.0.44.dev20260713+nightly
codegen_flags: <defaults>
</compile_context>

<pallas_src>
import functools

import jax
import jax.numpy as jnp
from jax import lax
from jax.experimental import pallas as pl
from jax.experimental.pallas import tpu as pltpu
from jax.experimental.pallas import tpu_sc as plsc

B, S, D = 1, 2048, 1024
FF = 2048
E = 8
K = 2

BLK = 512
NB = (S * K) // BLK + E
PADMAX = NB * BLK
FT2 = 512
NF2 = FF // FT2


def _routing_body(x_ref, gw_ref, gb_ref, ei_ref, pw_ref):
    g = jnp.dot(x_ref[...], gw_ref[...], preferred_element_type=jnp.float32)
    g = g + gb_ref[...]
    idx = jax.lax.broadcasted_iota(jnp.int32, (S, E), 1)
    m1 = jnp.max(g, axis=1, keepdims=True)
    i1 = jnp.min(jnp.where(g == m1, idx, E), axis=1, keepdims=True)
    gm = jnp.where(idx == i1, -1e30, g)
    m2 = jnp.max(gm, axis=1, keepdims=True)
    i2 = jnp.min(jnp.where(gm == m2, idx, E), axis=1, keepdims=True)
    z = jnp.exp(m2 - m1)
    p1 = 1.0 / (1.0 + z)
    ei_ref[...] = jnp.concatenate([i1, i2], axis=1)
    pw_ref[...] = jnp.concatenate([p1, 1.0 - p1], axis=1)


def _routing(x2d, gate_w, gate_b):
    return pl.pallas_call(
        _routing_body,
        out_shape=(
            jax.ShapeDtypeStruct((S, K), jnp.int32),
            jax.ShapeDtypeStruct((S, K), jnp.float32),
        ),
    )(x2d, gate_w, gate_b.reshape(1, E))


def _ffn_a_body(be_ref, nb_ref, xs_ref, w1_ref, w2_ref, b1_ref, b2_ref,
                p_ref):
    b = pl.program_id(0)

    @pl.when(b < nb_ref[0])
    def _():
        xs = xs_ref[...]
        x1 = jnp.dot(xs, w1_ref[0], preferred_element_type=jnp.float32)
        x1 = x1 + b1_ref[0]
        x2 = jnp.dot(xs, w2_ref[0], preferred_element_type=jnp.float32)
        x2 = x2 + b2_ref[0]
        p_ref[...] = (x1 * x2).astype(jnp.bfloat16)


def _ffn_b_body(be_ref, nb_ref, p_ref, wsig_ref, w3_ref, bsig_ref, b3_ref,
                wrow_ref, out_ref):
    b = pl.program_id(0)

    @pl.when(b < nb_ref[0])
    def _():
        h = jnp.dot(p_ref[...], wsig_ref[0], preferred_element_type=jnp.float32)
        h = h + bsig_ref[0]
        h = h * jax.nn.sigmoid(h)
        eo = jnp.dot(h, w3_ref[0], preferred_element_type=jnp.float32)
        out_ref[...] = (eo + b3_ref[0]) * wrow_ref[0]


def _grouped_ffn(block_expert, nblocks, xs, w_sorted,
                 w1, b1, w2, b2, w3, b3, wsig, bsig):
    spec_a = pltpu.PrefetchScalarGridSpec(
        num_scalar_prefetch=2,
        grid=(NB,),
        in_specs=[
            pl.BlockSpec((BLK, D), lambda b, be, nb: (b, 0)),
            pl.BlockSpec((1, D, FF), lambda b, be, nb: (be[b], 0, 0)),
            pl.BlockSpec((1, D, FF), lambda b, be, nb: (be[b], 0, 0)),
            pl.BlockSpec((1, 1, FF), lambda b, be, nb: (be[b], 0, 0)),
            pl.BlockSpec((1, 1, FF), lambda b, be, nb: (be[b], 0, 0)),
        ],
        out_specs=pl.BlockSpec((BLK, FF), lambda b, be, nb: (b, 0)),
    )
    p = pl.pallas_call(
        _ffn_a_body,
        grid_spec=spec_a,
        out_shape=jax.ShapeDtypeStruct((PADMAX, FF), jnp.bfloat16),
        compiler_params=pltpu.CompilerParams(
            dimension_semantics=("arbitrary",),
            vmem_limit_bytes=61_439_000,
        ),
    )(block_expert, nblocks, xs, w1, w2,
      b1.reshape(E, 1, FF), b2.reshape(E, 1, FF))

    spec_b = pltpu.PrefetchScalarGridSpec(
        num_scalar_prefetch=2,
        grid=(NB,),
        in_specs=[
            pl.BlockSpec((BLK, FF), lambda b, be, nb: (b, 0),
                         pipeline_mode=pl.Buffered(buffer_count=1)),
            pl.BlockSpec((1, FF, FF), lambda b, be, nb: (be[b], 0, 0)),
            pl.BlockSpec((1, FF, D), lambda b, be, nb: (be[b], 0, 0)),
            pl.BlockSpec((1, 1, FF), lambda b, be, nb: (be[b], 0, 0)),
            pl.BlockSpec((1, 1, D), lambda b, be, nb: (be[b], 0, 0)),
            pl.BlockSpec((1, BLK, 1), lambda b, be, nb: (b, 0, 0)),
        ],
        out_specs=pl.BlockSpec((BLK, D), lambda b, be, nb: (b, 0),
                               pipeline_mode=pl.Buffered(buffer_count=1)),
    )
    return pl.pallas_call(
        _ffn_b_body,
        grid_spec=spec_b,
        out_shape=jax.ShapeDtypeStruct((PADMAX, D), jnp.float32),
        compiler_params=pltpu.CompilerParams(
            dimension_semantics=("arbitrary",),
            vmem_limit_bytes=61_439_000,
        ),
    )(block_expert, nblocks, p, wsig, w3,
      bsig.reshape(E, 1, FF), b3.reshape(E, 1, D),
      w_sorted.reshape(NB, BLK, 1))


NW = 32
TPW = S // NW
CH = 32


def _dispatch_body(x_hbm, d1_hbm, d2_hbm, xs_hbm,
                   idx1_v, idx2_v, rows_v, sem1, sem2):
    wid = lax.axis_index("s") * 2 + lax.axis_index("c")
    base = wid * TPW
    pltpu.sync_copy(x_hbm.at[pl.ds(base, TPW)], rows_v)
    pltpu.sync_copy(d1_hbm.at[pl.ds(base, TPW)], idx1_v)
    pltpu.sync_copy(d2_hbm.at[pl.ds(base, TPW)], idx2_v)
    cp1 = pltpu.async_copy(rows_v, xs_hbm.at[idx1_v], sem1)
    cp2 = pltpu.async_copy(rows_v, xs_hbm.at[idx2_v], sem2)
    cp1.wait()
    cp2.wait()


def _dispatch(x2d, dest1, dest2):
    mesh = plsc.VectorSubcoreMesh(core_axis_name="c", subcore_axis_name="s")
    f = functools.partial(
        pl.kernel,
        mesh=mesh,
        out_type=jax.ShapeDtypeStruct((PADMAX, D), jnp.float32),
        scratch_types=[
            pltpu.VMEM((TPW,), jnp.int32),
            pltpu.VMEM((TPW,), jnp.int32),
            pltpu.VMEM((TPW, D), jnp.float32),
            pltpu.SemaphoreType.DMA,
            pltpu.SemaphoreType.DMA,
        ],
    )(_dispatch_body)
    return f(x2d, dest1, dest2)


def _combine_body(rows_hbm, pos1_hbm, pos2_hbm, out_hbm,
                  idx1_v, idx2_v, r1_v, r2_v, sem1, sem2):
    wid = lax.axis_index("s") * 2 + lax.axis_index("c")
    for c in range(TPW // CH):
        base = wid * TPW + c * CH
        pltpu.sync_copy(pos1_hbm.at[pl.ds(base, CH)], idx1_v)
        pltpu.sync_copy(pos2_hbm.at[pl.ds(base, CH)], idx2_v)
        cp1 = pltpu.async_copy(rows_hbm.at[idx1_v], r1_v, sem1)
        cp2 = pltpu.async_copy(rows_hbm.at[idx2_v], r2_v, sem2)
        cp1.wait()
        cp2.wait()

        def body(i, carry):
            for j in range(D // 16):
                sl = pl.ds(j * 16, 16)
                r1_v[i, sl] = r1_v[i, sl] + r2_v[i, sl]
            return carry

        lax.fori_loop(0, CH, body, 0)
        pltpu.sync_copy(r1_v, out_hbm.at[pl.ds(base, CH)])


def _combine(rows, pos1, pos2):
    mesh = plsc.VectorSubcoreMesh(core_axis_name="c", subcore_axis_name="s")
    f = functools.partial(
        pl.kernel,
        mesh=mesh,
        out_type=jax.ShapeDtypeStruct((S, D), jnp.float32),
        scratch_types=[
            pltpu.VMEM((CH,), jnp.int32),
            pltpu.VMEM((CH,), jnp.int32),
            pltpu.VMEM((CH, D), jnp.float32),
            pltpu.VMEM((CH, D), jnp.float32),
            pltpu.SemaphoreType.DMA,
            pltpu.SemaphoreType.DMA,
        ],
    )(_combine_body)
    return f(rows, pos1, pos2)


def kernel(x, gate_w, gate_b, w1, b1, w2, b2, w3, b3, wsig, bsig):
    x2d = x.reshape(S, D)
    ei, pw = _routing(x2d, gate_w, gate_b)

    flat_e = ei.reshape(-1)
    oh = (flat_e[:, None] == jnp.arange(E)[None, :]).astype(jnp.int32)
    csum = jnp.cumsum(oh, axis=0)
    rank = jnp.sum((csum - 1) * oh, axis=1)
    counts = csum[-1]
    blocks_per_e = (counts + BLK - 1) // BLK
    blk_start = jnp.concatenate(
        [jnp.zeros((1,), jnp.int32), jnp.cumsum(blocks_per_e)[:-1]])
    nb = jnp.sum(blocks_per_e).astype(jnp.int32)
    dest = blk_start[flat_e] * BLK + rank

    w_sorted = jnp.zeros((PADMAX,), jnp.float32).at[dest].set(pw.reshape(-1))
    pos = dest.reshape(S, K)
    xs = _dispatch(x2d, pos[:, 0], pos[:, 1])

    bidx = jnp.arange(NB, dtype=jnp.int32)
    block_expert = jnp.sum(
        (bidx[:, None] >= blk_start[None, :]).astype(jnp.int32), axis=1) - 1
    block_expert = jnp.clip(block_expert, 0, E - 1)
    last_e = block_expert[jnp.maximum(nb - 1, 0)]
    block_expert = jnp.where(bidx < nb, block_expert, last_e)

    rows = _grouped_ffn(block_expert, nb.reshape(1), xs, w_sorted,
                        w1, b1, w2, b2, w3, b3, wsig, bsig)

    out = _combine(rows, pos[:, 0], pos[:, 1])
    return out.reshape(B, S, D)

# --- scband reference (transcript-rebuilt; emitter-appended) ---
"""Pipeline reference for scband-moe-layer-1906965480028 (READ-ONLY COPY).

The authoritative reference and input builder live on the scoring server;
editing this copy changes nothing except your own understanding.
"""

import jax, jax.numpy as jnp
import numpy as np

B, S, D = 1, 2048, 1024
FF = 2048
E = 8
K = 2


def setup_inputs(seed: int = 0) -> dict:
    key = jax.random.key(seed)
    ks = jax.random.split(key, 12)
    scale = 0.02
    x = jax.random.normal(ks[0], (B, S, D), dtype=jnp.float32)
    gate_w = jax.random.normal(ks[1], (D, E), dtype=jnp.float32) * scale
    gate_b = jnp.zeros((E,), dtype=jnp.float32)
    w1 = jax.random.normal(ks[2], (E, D, FF), dtype=jnp.float32) * scale
    b1 = jnp.zeros((E, FF), dtype=jnp.float32)
    w2 = jax.random.normal(ks[3], (E, D, FF), dtype=jnp.float32) * scale
    b2 = jnp.zeros((E, FF), dtype=jnp.float32)
    w3 = jax.random.normal(ks[4], (E, FF, D), dtype=jnp.float32) * scale
    b3 = jnp.zeros((E, D), dtype=jnp.float32)
    wsig = jax.random.normal(ks[5], (E, FF, FF), dtype=jnp.float32) * scale
    bsig = jnp.zeros((E, FF), dtype=jnp.float32)
    return {"x": x, "gate_w": gate_w, "gate_b": gate_b, "w1": w1, "b1": b1,
            "w2": w2, "b2": b2, "w3": w3, "b3": b3, "wsig": wsig, "bsig": bsig}


def _expert_ffn(xs, w1_i, b1_i, w2_i, b2_i, w3_i, b3_i, wsig_i, bsig_i):
    x1 = xs @ w1_i + b1_i
    x2 = xs @ w2_i + b2_i
    h = (x1 * x2) @ wsig_i + bsig_i
    h = h * jax.nn.sigmoid(h)  # SiGLU: Linear(d_ff, d_ff) followed by SiLU gating
    return h @ w3_i + b3_i


def reference(x, gate_w, gate_b, w1, b1, w2, b2, w3, b3, wsig, bsig):
    gout = x @ gate_w + gate_b                      # [B, S, E]
    topk_values, topk_indexes = jax.lax.top_k(gout, K)  # [B, S, K]
    topk_weights = jax.nn.softmax(topk_values, axis=-1)
    out = jnp.zeros_like(x)
    for i in range(E):
        mask = topk_indexes == i                    # [B, S, K]
        w = jnp.sum(jnp.where(mask, topk_weights, 0.0), axis=-1)[..., None]  # [B, S, 1]
        eo = _expert_ffn(x, w1[i], b1[i], w2[i], b2[i], w3[i], b3[i], wsig[i], bsig[i])
        out = out + w * eo
    return out

if __name__ == "__main__":
    import jax
    _d = setup_inputs()
    print(jax.jit(kernel)(*tuple(_d.values())))

</pallas_src>

<mosaic_0001>
#map = affine_map<(d0, d1) -> (0, 0)>
#map1 = affine_map<(d0, d1) -> (0)>
module attributes {stable_mosaic.version = 14 : i64} {
  func.func @_combine_body(%arg0: i32, %arg1: i32, %arg2: memref<8192x1024xf32, #tpu.memory_space<hbm>>, %arg3: memref<2048xi32, #tpu.memory_space<hbm>>, %arg4: memref<2048xi32, #tpu.memory_space<hbm>>, %arg5: memref<2048x1024xf32, #tpu.memory_space<hbm>>, %arg6: memref<32xi32, #tpu.memory_space<vmem>>, %arg7: memref<32xi32, #tpu.memory_space<vmem>>, %arg8: memref<32x1024xf32, #tpu.memory_space<vmem>>, %arg9: memref<32x1024xf32, #tpu.memory_space<vmem>>, %arg10: memref<!tpu.dma_semaphore, #tpu.memory_space<semaphore_mem>>, %arg11: memref<!tpu.dma_semaphore, #tpu.memory_space<semaphore_mem>>) attributes {dimension_semantics = [#tpu.dimension_semantics<core_parallel>, #tpu.dimension_semantics<subcore_parallel>], iteration_bounds = array<i64: 2, 16>, scalar_prefetch = 0 : i64, scratch_operands = 6 : i64, tpu.core_type = #tpu.core_type<sc_vector_subcore>, window_params = [{transform_indices = #map}, {transform_indices = #map1}, {transform_indices = #map1}, {transform_indices = #map}]} {
    %mul3A = arith.constant 2 : i32
    %mul3A_0 = arith.muli %arg1, %mul3A : i32
    %add3A = arith.addi %mul3A_0, %arg0 : i32
    %mul3A_1 = arith.constant 64 : i32
    %mul3A_2 = arith.muli %add3A, %mul3A_1 : i32
    %add3A_3 = arith.constant 0 : i32
    %add3A_4 = arith.addi %mul3A_2, %add3A_3 : i32
    "tpu.region"() ({
      %run_scoped3A = tpu.sem_alloc : memref<!tpu.dma_semaphore, #tpu.memory_space<semaphore_mem>>
      %dma_start3A_42 = tpu.memref_slice %arg3[%add3A_4] : memref<2048xi32, #tpu.memory_space<hbm>> -> memref<32xi32, #tpu.memory_space<hbm>>
      %dma_start3A_43 = tpu.memref_slice %arg3[%add3A_4] : memref<2048xi32, #tpu.memory_space<hbm>> -> memref<32xi32, #tpu.memory_space<hbm>>
      tpu.enqueue_dma source(%dma_start3A_43 : memref<32xi32, #tpu.memory_space<hbm>>) target(%arg6 : memref<32xi32, #tpu.memory_space<vmem>>) target_semaphore(%run_scoped3A : memref<!tpu.dma_semaphore, #tpu.memory_space<semaphore_mem>>)
      %dma_wait3A_44 = tpu.memref_slice %arg3[%add3A_4] : memref<2048xi32, #tpu.memory_space<hbm>> -> memref<32xi32, #tpu.memory_space<hbm>>
      %dma_wait3A_45 = tpu.memref_slice %arg3[%add3A_4] : memref<2048xi32, #tpu.memory_space<hbm>> -> memref<32xi32, #tpu.memory_space<hbm>>
      tpu.wait_dma2 semaphore(%run_scoped3A : memref<!tpu.dma_semaphore, #tpu.memory_space<semaphore_mem>>) src(%dma_wait3A_45 : memref<32xi32, #tpu.memory_space<hbm>>) dst(%arg6 : memref<32xi32, #tpu.memory_space<vmem>>)
      tpu.yield
    }) : () -> ()
    "tpu.region"() ({
      %run_scoped3A = tpu.sem_alloc : memref<!tpu.dma_semaphore, #tpu.memory_space<semaphore_mem>>
      %dma_start3A_42 = tpu.memref_slice %arg4[%add3A_4] : memref<2048xi32, #tpu.memory_space<hbm>> -> memref<32xi32, #tpu.memory_space<hbm>>
      %dma_start3A_43 = tpu.memref_slice %arg4[%add3A_4] : memref<2048xi32, #tpu.memory_space<hbm>> -> memref<32xi32, #tpu.memory_space<hbm>>
      tpu.enqueue_dma source(%dma_start3A_43 : memref<32xi32, #tpu.memory_space<hbm>>) target(%arg7 : memref<32xi32, #tpu.memory_space<vmem>>) target_semaphore(%run_scoped3A : memref<!tpu.dma_semaphore, #tpu.memory_space<semaphore_mem>>)
      %dma_wait3A_44 = tpu.memref_slice %arg4[%add3A_4] : memref<2048xi32, #tpu.memory_space<hbm>> -> memref<32xi32, #tpu.memory_space<hbm>>
      %dma_wait3A_45 = tpu.memref_slice %arg4[%add3A_4] : memref<2048xi32, #tpu.memory_space<hbm>> -> memref<32xi32, #tpu.memory_space<hbm>>
      tpu.wait_dma2 semaphore(%run_scoped3A : memref<!tpu.dma_semaphore, #tpu.memory_space<semaphore_mem>>) src(%dma_wait3A_45 : memref<32xi32, #tpu.memory_space<hbm>>) dst(%arg7 : memref<32xi32, #tpu.memory_space<vmem>>)
      tpu.yield
    }) : () -> ()
    %dma_start3A = arith.constant 0 : i32
    %dma_start3A_5 = arith.constant 0 : i32
    %dma_start3A_6 = tpu.memref_slice %arg2[%dma_start3A, %dma_start3A_5] : memref<8192x1024xf32, #tpu.memory_space<hbm>> -> memref<8192x1024xf32, #tpu.memory_space<hbm>>
    tpu.enqueue_indirect_dma source(%dma_start3A_6 : memref<8192x1024xf32, #tpu.memory_space<hbm>>) target(%arg8 : memref<32x1024xf32, #tpu.memory_space<vmem>>) offsets(%arg6 : memref<32xi32, #tpu.memory_space<vmem>>) semaphore(%arg10 : memref<!tpu.dma_semaphore, #tpu.memory_space<semaphore_mem>>)
    %dma_start3A_7 = arith.constant 0 : i32
    %dma_start3A_8 = arith.constant 0 : i32
    %dma_start3A_9 = tpu.memref_slice %arg2[%dma_start3A_7, %dma_start3A_8] : memref<8192x1024xf32, #tpu.memory_space<hbm>> -> memref<8192x1024xf32, #tpu.memory_space<hbm>>
    tpu.enqueue_indirect_dma source(%dma_start3A_9 : memref<8192x1024xf32, #tpu.memory_space<hbm>>) target(%arg9 : memref<32x1024xf32, #tpu.memory_space<vmem>>) offsets(%arg7 : memref<32xi32, #tpu.memory_space<vmem>>) semaphore(%arg11 : memref<!tpu.dma_semaphore, #tpu.memory_space<semaphore_mem>>)
    %dma_wait3A = arith.constant 0 : i32
    %dma_wait3A_10 = arith.constant 0 : i32
    %dma_wait3A_11 = tpu.memref_slice %arg2[%dma_wait3A, %dma_wait3A_10] : memref<8192x1024xf32, #tpu.memory_space<hbm>> -> memref<8192x1024xf32, #tpu.memory_space<hbm>>
    tpu.wait_indirect_dma semaphore(%arg10 : memref<!tpu.dma_semaphore, #tpu.memory_space<semaphore_mem>>) src(%dma_wait3A_11 : memref<8192x1024xf32, #tpu.memory_space<hbm>>) dst(%arg8 : memref<32x1024xf32, #tpu.memory_space<vmem>>)
    %dma_wait3A_12 = arith.constant 0 : i32
    %dma_wait3A_13 = arith.constant 0 : i32
    %dma_wait3A_14 = tpu.memref_slice %arg2[%dma_wait3A_12, %dma_wait3A_13] : memref<8192x1024xf32, #tpu.memory_space<hbm>> -> memref<8192x1024xf32, #tpu.memory_space<hbm>>
    tpu.wait_indirect_dma semaphore(%arg11 : memref<!tpu.dma_semaphore, #tpu.memory_space<semaphore_mem>>) src(%dma_wait3A_14 : memref<8192x1024xf32, #tpu.memory_space<hbm>>) dst(%arg9 : memref<32x1024xf32, #tpu.memory_space<vmem>>)
    %scan3A = arith.constant 0 : i32
    %scan3A_15 = arith.constant 0 : i32
    %scan3A_16 = arith.constant 32 : i32
    %scan3A_17 = arith.addi %scan3A_15, %scan3A_16 : i32
    %scan3A_18 = arith.constant 1 : i32
    scf.for %scan3A_42 = %scan3A_15 to %scan3A_17 step %scan3A_18  : i32 {
      %get3A = arith.index_cast %scan3A_42 : i32 to index
      %get3A_43 = arith.constant 0 : index
      %get3A_44 = tpu.vector_load %arg8[%get3A, %get3A_43] {strides = array<i32>} : memref<32x1024xf32, #tpu.memory_space<vmem>>, vector<1x16xf32>,
      %get3A_45 = vector.shape_cast %get3A_44 : vector<1x16xf32> to vector<16xf32>
      %get3A_46 = arith.index_cast %scan3A_42 : i32 to index
      %get3A_47 = arith.constant 0 : index
      %get3A_48 = tpu.vector_load %arg9[%get3A_46, %get3A_47] {strides = array<i32>} : memref<32x1024xf32, #tpu.memory_space<vmem>>, vector<1x16xf32>,
      %get3A_49 = vector.shape_cast %get3A_48 : vector<1x16xf32> to vector<16xf32>
      %add3A_50 = arith.addf %get3A_45, %get3A_49 : vector<16xf32>
      %swap3A = arith.index_cast %scan3A_42 : i32 to index
      %swap3A_51 = arith.constant 0 : index
      %swap3A_52 = tpu.vector_load %arg8[%swap3A, %swap3A_51] {strides = array<i32>} : memref<32x1024xf32, #tpu.memory_space<vmem>>, vector<1x16xf32>,
      %swap3A_53 = vector.shape_cast %swap3A_52 : vector<1x16xf32> to vector<16xf32>
      %swap3A_54 = vector.shape_cast %add3A_50 : vector<16xf32> to vector<1x16xf32>
      tpu.vector_store %arg8[%swap3A, %swap3A_51], %swap3A_54 {strides = array<i32>} : memref<32x1024xf32, #tpu.memory_space<vmem>>, vector<1x16xf32>,
      %get3A_55 = arith.index_cast %scan3A_42 : i32 to index
      %get3A_56 = arith.constant 16 : index
      %get3A_57 = tpu.vector_load %arg8[%get3A_55, %get3A_56] {strides = array<i32>} : memref<32x1024xf32, #tpu.memory_space<vmem>>, vector<1x16xf32>,
      %get3A_58 = vector.shape_cast %get3A_57 : vector<1x16xf32> to vector<16xf32>
      %get3A_59 = arith.index_cast %scan3A_42 : i32 to index
      %get3A_60 = arith.constant 16 : index
      %get3A_61 = tpu.vector_load %arg9[%get3A_59, %get3A_60] {strides = array<i32>} : memref<32x1024xf32, #tpu.memory_space<vmem>>, vector<1x16xf32>,
      %get3A_62 = vector.shape_cast %get3A_61 : vector<1x16xf32> to vector<16xf32>
      %add3A_63 = arith.addf %get3A_58, %get3A_62 : vector<16xf32>
      %swap3A_64 = arith.index_cast %scan3A_42 : i32 to index
      %swap3A_65 = arith.constant 16 : index
      %swap3A_66 = tpu.vector_load %arg8[%swap3A_64, %swap3A_65] {strides = array<i32>} : memref<32x1024xf32, #tpu.memory_space<vmem>>, vector<1x16xf32>,
      %swap3A_67 = vector.shape_cast %swap3A_66 : vector<1x16xf32> to vector<16xf32>
      %swap3A_68 = vector.shape_cast %add3A_63 : vector<16xf32> to vector<1x16xf32>
      tpu.vector_store %arg8[%swap3A_64, %swap3A_65], %swap3A_68 {strides = array<i32>} : memref<32x1024xf32, #tpu.memory_space<vmem>>, vector<1x16xf32>,
      %get3A_69 = arith.index_cast %scan3A_42 : i32 to index
      %get3A_70 = arith.constant 32 : index
      %get3A_71 = tpu.vector_load %arg8[%get3A_69, %get3A_70] {strides = array<i32>} : memref<32x1024xf32, #tpu.memory_space<vmem>>, vector<1x16xf32>,
      %get3A_72 = vector.shape_cast %get3A_71 : vector<1x16xf32> to vector<16xf32>
      %get3A_73 = arith.index_cast %scan3A_42 : i32 to index
      %get3A_74 = arith.constant 32 : index
      %get3A_75 = tpu.vector_load %arg9[%get3A_73, %get3A_74] {strides = array<i32>} : memref<32x1024xf32, #tpu.memory_space<vmem>>, vector<1x16xf32>,
      %get3A_76 = vector.shape_cast %get3A_75 : vector<1x16xf32> to vector<16xf32>
      %add3A_77 = arith.addf %get3A_72, %get3A_76 : vector<16xf32>
      %swap3A_78 = arith.index_cast %scan3A_42 : i32 to index
      %swap3A_79 = arith.constant 32 : index
      %swap3A_80 = tpu.vector_load %arg8[%swap3A_78, %swap3A_79] {strides = array<i32>} : memref<32x1024xf32, #tpu.memory_space<vmem>>, vector<1x16xf32>,
      %swap3A_81 = vector.shape_cast %swap3A_80 : vector<1x16xf32> to vector<16xf32>
      %swap3A_82 = vector.shape_cast %add3A_77 : vector<16xf32> to vector<1x16xf32>
      tpu.vector_store %arg8[%swap3A_78, %swap3A_79], %swap3A_82 {strides = array<i32>} : memref<32x1024xf32, #tpu.memory_space<vmem>>, vector<1x16xf32>,
      %get3A_83 = arith.index_cast %scan3A_42 : i32 to index
      %get3A_84 = arith.constant 48 : index
      %get3A_85 = tpu.vector_load %arg8[%get3A_83, %get3A_84] {strides = array<i32>} : memref<32x1024xf32, #tpu.memory_space<vmem>>, vector<1x16xf32>,
      %get3A_86 = vector.shape_cast %get3A_85 : vector<1x16xf32> to vector<16xf32>
      %get3A_87 = arith.index_cast %scan3A_42 : i32 to index
      %get3A_88 = arith.constant 48 : index
      %get3A_89 = tpu.vector_load %arg9[%get3A_87, %get3A_88] {strides = array<i32>} : memref<32x1024xf32, #tpu.memory_space<vmem>>, vector<1x16xf32>,
      %get3A_90 = vector.shape_cast %get3A_89 : vector<1x16xf32> to vector<16xf32>
      %add3A_91 = arith.addf %get3A_86, %get3A_90 : vector<16xf32>
      %swap3A_92 = arith.index_cast %scan3A_42 : i32 to index
      %swap3A_93 = arith.constant 48 : index
      %swap3A_94 = tpu.vector_load %arg8[%swap3A_92, %swap3A_93] {strides = array<i32>} : memref<32x1024xf32, #tpu.memory_space<vmem>>, vector<1x16xf32>,
      %swap3A_95 = vector.shape_cast %swap3A_94 : vector<1x16xf32> to vector<16xf32>
      %swap3A_96 = vector.shape_cast %add3A_91 : vector<16xf32> to vector<1x16xf32>
      tpu.vector_store %arg8[%swap3A_92, %swap3A_93], %swap3A_96 {strides = array<i32>} : memref<32x1024xf32, #tpu.memory_space<vmem>>, vector<1x16xf32>,
      %get3A_97 = arith.index_cast %scan3A_42 : i32 to index
      %get3A_98 = arith.constant 64 : index
      %get3A_99 = tpu.vector_load %arg8[%get3A_97, %get3A_98] {strides = array<i32>} : memref<32x1024xf32, #tpu.memory_space<vmem>>, vector<1x16xf32>,
      %get3A_100 = vector.shape_cast %get3A_99 : vector<1x16xf32> to vector<16xf32>
      %get3A_101 = arith.index_cast %scan3A_42 : i32 to index
      %get3A_102 = arith.constant 64 : index
      %get3A_103 = tpu.vector_load %arg9[%get3A_101, %get3A_102] {strides = array<i32>} : memref<32x1024xf32, #tpu.memory_space<vmem>>, vector<1x16xf32>,
      %get3A_104 = vector.shape_cast %get3A_103 : vector<1x16xf32> to vector<16xf32>
      %add3A_105 = arith.addf %get3A_100, %get3A_104 : vector<16xf32>
      %swap3A_106 = arith.index_cast %scan3A_42 : i32 to index
      %swap3A_107 = arith.constant 64 : index
      %swap3A_108 = tpu.vector_load %arg8[%swap3A_106, %swap3A_107] {strides = array<i32>} : memref<32x1024xf32, #tpu.memory_space<vmem>>, vector<1x16xf32>,
      %swap3A_109 = vector.shape_cast %swap3A_108 : vector<1x16xf32> to vector<16xf32>
      %swap3A_110 = vector.shape_cast %add3A_105 : vector<16xf32> to vector<1x16xf32>
      tpu.vector_store %arg8[%swap3A_106, %swap3A_107], %swap3A_110 {strides = array<i32>} : memref<32x1024xf32, #tpu.memory_space<vmem>>, vector<1x16xf32>,
      %get3A_111 = arith.index_cast %scan3A_42 : i32 to index
      %get3A_112 = arith.constant 80 : index
      %get3A_113 = tpu.vector_load %arg8[%get3A_111, %get3A_112] {strides = array<i32>} : memref<32x1024xf32, #tpu.memory_space<vmem>>, vector<1x16xf32>,
      %get3A_114 = vector.shape_cast %get3A_113 : vector<1x16xf32> to vector<16xf32>
      %get3A_115 = arith.index_cast %scan3A_42 : i32 to index
      %get3A_116 = arith.constant 80 : index
      %get3A_117 = tpu.vector_load %arg9[%get3A_115, %get3A_116] {strides = array<i32>} : memref<32x1024xf32, #tpu.memory_space<vmem>>, vector<1x16xf32>,
      %get3A_118 = vector.shape_cast %get3A_117 : vector<1x16xf32> to vector<16xf32>
      %add3A_119 = arith.addf %get3A_114, %get3A_118 : vector<16xf32>
      %swap3A_120 = arith.index_cast %scan3A_42 : i32 to index
      %swap3A_121 = arith.constant 80 : index
      %swap3A_122 = tpu.vector_load %arg8[%swap3A_120, %swap3A_121] {strides = array<i32>} : memref<32x1024xf32, #tpu.memory_space<vmem>>, vector<1x16xf32>,
      %swap3A_123 = vector.shape_cast %swap3A_122 : vector<1x16xf32> to vector<16xf32>
      %swap3A_124 = vector.shape_cast %add3A_119 : vector<16xf32> to vector<1x16xf32>
      tpu.vector_store %arg8[%swap3A_120, %swap3A_121], %swap3A_124 {strides = array<i32>} : memref<32x1024xf32, #tpu.memory_space<vmem>>, vector<1x16xf32>,
      %get3A_125 = arith.index_cast %scan3A_42 : i32 to index
      %get3A_126 = arith.constant 96 : index
      %get3A_127 = tpu.vector_load %arg8[%get3A_125, %get3A_126] {strides = array<i32>} : memref<32x1024xf32, #tpu.memory_space<vmem>>, vector<1x16xf32>,
      %get3A_128 = vector.shape_cast %get3A_127 : vector<1x16xf32> to vector<16xf32>
      %get3A_129 = arith.index_cast %scan3A_42 : i32 to index
      %get3A_130 = arith.constant 96 : index
      %get3A_131 = tpu.vector_load %arg9[%get3A_129, %get3A_130] {strides = array<i32>} : memref<32x1024xf32, #tpu.memory_space<vmem>>, vector<1x16xf32>,
      %get3A_132 = vector.shape_cast %get3A_131 : vector<1x16xf32> to vector<16xf32>
      %add3A_133 = arith.addf %get3A_128, %get3A_132 : vector<16xf32>
      %swap3A_134 = arith.index_cast %scan3A_42 : i32 to index
      %swap3A_135 = arith.constant 96 : index
      %swap3A_136 = tpu.vector_load %arg8[%swap3A_134, %swap3A_135] {strides = array<i32>} : memref<32x1024xf32, #tpu.memory_space<vmem>>, vector<1x16xf32>,
      %swap3A_137 = vector.shape_cast %swap3A_136 : vector<1x16xf32> to vector<16xf32>
      %swap3A_138 = vector.shape_cast %add3A_133 : vector<16xf32> to vector<1x16xf32>
      tpu.vector_store %arg8[%swap3A_134, %swap3A_135], %swap3A_138 {strides = array<i32>} : memref<32x1024xf32, #tpu.memory_space<vmem>>, vector<1x16xf32>,
      %get3A_139 = arith.index_cast %scan3A_42 : i32 to index
      %get3A_140 = arith.constant 112 : index
      %get3A_141 = tpu.vector_load %arg8[%get3A_139, %get3A_140] {strides = array<i32>} : memref<32x1024xf32, #tpu.memory_space<vmem>>, vector<1x16xf32>,
      %get3A_142 = vector.shape_cast %get3A_141 : vector<1x16xf32> to vector<16xf32>
      %get3A_143 = arith.index_cast %scan3A_42 : i32 to index
      %get3A_144 = arith.constant 112 : index
      %get3A_145 = tpu.vector_load %arg9[%get3A_143, %get3A_144] {strides = array<i32>} : memref<32x1024xf32, #tpu.memory_space<vmem>>, vector<1x16xf32>,
      %get3A_146 = vector.shape_cast %get3A_145 : vector<1x16xf32> to vector<16xf32>
      %add3A_147 = arith.addf %get3A_142, %get3A_146 : vector<16xf32>
      %swap3A_148 = arith.index_cast %scan3A_42 : i32 to index
      %swap3A_149 = arith.constant 112 : index
      %swap3A_150 = tpu.vector_load %arg8[%swap3A_148, %swap3A_149] {strides = array<i32>} : memref<32x1024xf32, #tpu.memory_space<vmem>>, vector<1x16xf32>,
      %swap3A_151 = vector.shape_cast %swap3A_150 : vector<1x16xf32> to vector<16xf32>
      %swap3A_152 = vector.shape_cast %add3A_147 : vector<16xf32> to vector<1x16xf32>
      tpu.vector_store %arg8[%swap3A_148, %swap3A_149], %swap3A_152 {strides = array<i32>} : memref<32x1024xf32, #tpu.memory_space<vmem>>, vector<1x16xf32>,
      %get3A_153 = arith.index_cast %scan3A_42 : i32 to index
      %get3A_154 = arith.constant 128 : index
      %get3A_155 = tpu.vector_load %arg8[%get3A_153, %get3A_154] {strides = array<i32>} : memref<32x1024xf32, #tpu.memory_space<vmem>>, vector<1x16xf32>,
      %get3A_156 = vector.shape_cast %get3A_155 : vector<1x16xf32> to vector<16xf32>
      %get3A_157 = arith.index_cast %scan3A_42 : i32 to index
      %get3A_158 = arith.constant 128 : index
      %get3A_159 = tpu.vector_load %arg9[%get3A_157, %get3A_158] {strides = array<i32>} : memref<32x1024xf32, #tpu.memory_space<vmem>>, vector<1x16xf32>,
      %get3A_160 = vector.shape_cast %get3A_159 : vector<1x16xf32> to vector<16xf32>
      %add3A_161 = arith.addf %get3A_156, %get3A_160 : vector<16xf32>
      %swap3A_162 = arith.index_cast %scan3A_42 : i32 to index
      %swap3A_163 = arith.constant 128 : index
      %swap3A_164 = tpu.vector_load %arg8[%swap3A_162, %swap3A_163] {strides = array<i32>} : memref<32x1024xf32, #tpu.memory_space<vmem>>, vector<1x16xf32>,
      %swap3A_165 = vector.shape_cast %swap3A_164 : vector<1x16xf32> to vector<16xf32>
      %swap3A_166 = vector.shape_cast %add3A_161 : vector<16xf32> to vector<1x16xf32>
      tpu.vector_store %arg8[%swap3A_162, %swap3A_163], %swap3A_166 {strides = array<i32>} : memref<32x1024xf32, #tpu.memory_space<vmem>>, vector<1x16xf32>,
      %get3A_167 = arith.index_cast %scan3A_42 : i32 to index
      %get3A_168 = arith.constant 144 : index
      %get3A_169 = tpu.vector_load %arg8[%get3A_167, %get3A_168] {strides = array<i32>} : memref<32x1024xf32, #tpu.memory_space<vmem>>, vector<1x16xf32>,
      %get3A_170 = vector.shape_cast %get3A_169 : vector<1x16xf32> to vector<16xf32>
      %get3A_171 = arith.index_cast %scan3A_42 : i32 to index
      %get3A_172 = arith.constant 144 : index
      %get3A_173 = tpu.vector_load %arg9[%get3A_171, %get3A_172] {strides = array<i32>} : memref<32x1024xf32, #tpu.memory_space<vmem>>, vector<1x16xf32>,
      %get3A_174 = vector.shape_cast %get3A_173 : vector<1x16xf32> to vector<16xf32>
      %add3A_175 = arith.addf %get3A_170, %get3A_174 : vector<16xf32>
      %swap3A_176 = arith.index_cast %scan3A_42 : i32 to index
      %swap3A_177 = arith.constant 144 : index
      %swap3A_178 = tpu.vector_load %arg8[%swap3A_176, %swap3A_177] {strides = array<i32>} : memref<32x1024xf32, #tpu.memory_space<vmem>>, vector<1x16xf32>,
      %swap3A_179 = vector.shape_cast %swap3A_178 : vector<1x16xf32> to vector<16xf32>
      %swap3A_180 = vector.shape_cast %add3A_175 : vector<16xf32> to vector<1x16xf32>
      tpu.vector_store %arg8[%swap3A_176, %swap3A_177], %swap3A_180 {strides = array<i32>} : memref<32x1024xf32, #tpu.memory_space<vmem>>, vector<1x16xf32>,
      %get3A_181 = arith.index_cast %scan3A_42 : i32 to index
      %get3A_182 = arith.constant 160 : index
      %get3A_183 = tpu.vector_load %arg8[%get3A_181, %get3A_182] {strides = array<i32>} : memref<32x1024xf32, #tpu.memory_space<vmem>>, vector<1x16xf32>,
      %get3A_184 = vector.shape_cast %get3A_183 : vector<1x16xf32> to vector<16xf32>
      %get3A_185 = arith.index_cast %scan3A_42 : i32 to index
      %get3A_186 = arith.constant 160 : index
      %get3A_187 = tpu.vector_load %arg9[%get3A_185, %get3A_186] {strides = array<i32>} : memref<32x1024xf32, #tpu.memory_space<vmem>>, vector<1x16xf32>,
      %get3A_188 = vector.shape_cast %get3A_187 : vector<1x16xf32> to vector<16xf32>
      %add3A_189 = arith.addf %get3A_184, %get3A_188 : vector<16xf32>
      %swap3A_190 = arith.index_cast %scan3A_42 : i32 to index
      %swap3A_191 = arith.constant 160 : index
      %swap3A_192 = tpu.vector_load %arg8[%swap3A_190, %swap3A_191] {strides = array<i32>} : memref<32x1024xf32, #tpu.memory_space<vmem>>, vector<1x16xf32>,
      %swap3A_193 = vector.shape_cast %swap3A_192 : vector<1x16xf32> to vector<16xf32>
      %swap3A_194 = vector.shape_cast %add3A_189 : vector<16xf32> to vector<1x16xf32>
      tpu.vector_store %arg8[%swap3A_190, %swap3A_191], %swap3A_194 {strides = array<i32>} : memref<32x1024xf32, #tpu.memory_space<vmem>>, vector<1x16xf32>,
      %get3A_195 = arith.index_cast %scan3A_42 : i32 to index
      %get3A_196 = arith.constant 176 : index
      %get3A_197 = tpu.vector_load %arg8[%get3A_195, %get3A_196] {strides = array<i32>} : memref<32x1024xf32, #tpu.memory_space<vmem>>, vector<1x16xf32>,
      %get3A_198 = vector.shape_cast %get3A_197 : vector<1x16xf32> to vector<16xf32>
      %get3A_199 = arith.index_cast %scan3A_42 : i32 to index
      %get3A_200 = arith.constant 176 : index
      %get3A_201 = tpu.vector_load %arg9[%get3A_199, %get3A_200] {strides = array<i32>} : memref<32x1024xf32, #tpu.memory_space<vmem>>, vector<1x16xf32>,
      %get3A_202 = vector.shape_cast %get3A_201 : vector<1x16xf32> to vector<16xf32>
      %add3A_203 = arith.addf %get3A_198, %get3A_202 : vector<16xf32>
      %swap3A_204 = arith.index_cast %scan3A_42 : i32 to index
      %swap3A_205 = arith.constant 176 : index
      %swap3A_206 = tpu.vector_load %arg8[%swap3A_204, %swap3A_205] {strides = array<i32>} : memref<32x1024xf32, #tpu.memory_space<vmem>>, vector<1x16xf32>,
      %swap3A_207 = vector.shape_cast %swap3A_206 : vector<1x16xf32> to vector<16xf32>
      %swap3A_208 = vector.shape_cast %add3A_203 : vector<16xf32> to vector<1x16xf32>
      tpu.vector_store %arg8[%swap3A_204, %swap3A_205], %swap3A_208 {strides = array<i32>} : memref<32x1024xf32, #tpu.memory_space<vmem>>, vector<1x16xf32>,
      %get3A_209 = arith.index_cast %scan3A_42 : i32 to index
      %get3A_210 = arith.constant 192 : index
      %get3A_211 = tpu.vector_load %arg8[%get3A_209, %get3A_210] {strides = array<i32>} : memref<32x1024xf32, #tpu.memory_space<vmem>>, vector<1x16xf32>,
      %get3A_212 = vector.shape_cast %get3A_211 : vector<1x16xf32> to vector<16xf32>
      %get3A_213 = arith.index_cast %scan3A_42 : i32 to index
      %get3A_214 = arith.constant 192 : index
      %get3A_215 = tpu.vector_load %arg9[%get3A_213, %get3A_214] {strides = array<i32>} : memref<32x1024xf32, #tpu.memory_space<vmem>>, vector<1x16xf32>,
      %get3A_216 = vector.shape_cast %get3A_215 : vector<1x16xf32> to vector<16xf32>
      %add3A_217 = arith.addf %get3A_212, %get3A_216 : vector<16xf32>
      %swap3A_218 = arith.index_cast %scan3A_42 : i32 to index
      %swap3A_219 = arith.constant 192 : index
      %swap3A_220 = tpu.vector_load %arg8[%swap3A_218, %swap3A_219] {strides = array<i32>} : memref<32x1024xf32, #tpu.memory_space<vmem>>, vector<1x16xf32>,
      %swap3A_221 = vector.shape_cast %swap3A_220 : vector<1x16xf32> to vector<16xf32>
      %swap3A_222 = vector.shape_cast %add3A_217 : vector<16xf32> to vector<1x16xf32>
      tpu.vector_store %arg8[%swap3A_218, %swap3A_219], %swap3A_222 {strides = array<i32>} : memref<32x1024xf32, #tpu.memory_space<vmem>>, vector<1x16xf32>,
      %get3A_223 = arith.index_cast %scan3A_42 : i32 to index
      %get3A_224 = arith.constant 208 : index
      %get3A_225 = tpu.vector_load %arg8[%get3A_223, %get3A_224] {strides = array<i32>} : memref<32x1024xf32, #tpu.memory_space<vmem>>, vector<1x16xf32>,
      %get3A_226 = vector.shape_cast %get3A_225 : vector<1x16xf32> to vector<16xf32>
      %get3A_227 = arith.index_cast %scan3A_42 : i32 to index
      %get3A_228 = arith.constant 208 : index
      %get3A_229 = tpu.vector_load %arg9[%get3A_227, %get3A_228] {strides = array<i32>} : memref<32x1024xf32, #tpu.memory_space<vmem>>, vector<1x16xf32>,
      %get3A_230 = vector.shape_cast %get3A_229 : vector<1x16xf32> to vector<16xf32>
      %add3A_231 = arith.addf %get3A_226, %get3A_230 : vector<16xf32>
      %swap3A_232 = arith.index_cast %scan3A_42 : i32 to index
      %swap3A_233 = arith.constant 208 : index
      %swap3A_234 = tpu.vector_load %arg8[%swap3A_232, %swap3A_233] {strides = array<i32>} : memref<32x1024xf32, #tpu.memory_space<vmem>>, vector<1x16xf32>,
      %swap3A_235 = vector.shape_cast %swap3A_234 : vector<1x16xf32> to vector<16xf32>
      %swap3A_236 = vector.shape_cast %add3A_231 : vector<16xf32> to vector<1x16xf32>
      tpu.vector_store %arg8[%swap3A_232, %swap3A_233], %swap3A_236 {strides = array<i32>} : memref<32x1024xf32, #tpu.memory_space<vmem>>, vector<1x16xf32>,
      %get3A_237 = arith.index_cast %scan3A_42 : i32 to index
      %get3A_238 = arith.constant 224 : index
      %get3A_239 = tpu.vector_load %arg8[%get3A_237, %get3A_238] {strides = array<i32>} : memref<32x1024xf32, #tpu.memory_space<vmem>>, vector<1x16xf32>,
      %get3A_240 = vector.shape_cast %get3A_239 : vector<1x16xf32> to vector<16xf32>
      %get3A_241 = arith.index_cast %scan3A_42 : i32 to index
      %get3A_242 = arith.constant 224 : index
      %get3A_243 = tpu.vector_load %arg9[%get3A_241, %get3A_242] {strides = array<i32>} : memref<32x1024xf32, #tpu.memory_space<vmem>>, vector<1x16xf32>,
      %get3A_244 = vector.shape_cast %get3A_243 : vector<1x16xf32> to vector<16xf32>
      %add3A_245 = arith.addf %get3A_240, %get3A_244 : vector<16xf32>
      %swap3A_246 = arith.index_cast %scan3A_42 : i32 to index
      %swap3A_247 = arith.constant 224 : index
      %swap3A_248 = tpu.vector_load %arg8[%swap3A_246, %swap3A_247] {strides = array<i32>} : memref<32x1024xf32, #tpu.memory_space<vmem>>, vector<1x16xf32>,
      %swap3A_249 = vector.shape_cast %swap3A_248 : vector<1x16xf32> to vector<16xf32>
      %swap3A_250 = vector.shape_cast %add3A_245 : vector<16xf32> to vector<1x16xf32>
      tpu.vector_store %arg8[%swap3A_246, %swap3A_247], %swap3A_250 {strides = array<i32>} : memref<32x1024xf32, #tpu.memory_space<vmem>>, vector<1x16xf32>,
      %get3A_251 = arith.index_cast %scan3A_42 : i32 to index
      %get3A_252 = arith.constant 240 : index
      %get3A_253 = tpu.vector_load %arg8[%get3A_251, %get3A_252] {strides = array<i32>} : memref<32x1024xf32, #tpu.memory_space<vmem>>, vector<1x16xf32>,
      %get3A_254 = vector.shape_cast %get3A_253 : vector<1x16xf32> to vector<16xf32>
      %get3A_255 = arith.index_cast %scan3A_42 : i32 to index
      %get3A_256 = arith.constant 240 : index
      %get3A_257 = tpu.vector_load %arg9[%get3A_255, %get3A_256] {strides = array<i32>} : memref<32x1024xf32, #tpu.memory_space<vmem>>, vector<1x16xf32>,
      %get3A_258 = vector.shape_cast %get3A_257 : vector<1x16xf32> to vector<16xf32>
      %add3A_259 = arith.addf %get3A_254, %get3A_258 : vector<16xf32>
      %swap3A_260 = arith.index_cast %scan3A_42 : i32 to index
      %swap3A_261 = arith.constant 240 : index
      %swap3A_262 = tpu.vector_load %arg8[%swap3A_260, %swap3A_261] {strides = array<i32>} : memref<32x1024xf32, #tpu.memory_space<vmem>>, vector<1x16xf32>,
      %swap3A_263 = vector.shape_cast %swap3A_262 : vector<1x16xf32> to vector<16xf32>
      %swap3A_264 = vector.shape_cast %add3A_259 : vector<16xf32> to vector<1x16xf32>
      tpu.vector_store %arg8[%swap3A_260, %swap3A_261], %swap3A_264 {strides = array<i32>} : memref<32x1024xf32, #tpu.memory_space<vmem>>, vector<1x16xf32>,
      %get3A_265 = arith.index_cast %scan3A_42 : i32 to index
      %get3A_266 = arith.constant 256 : index
      %get3A_267 = tpu.vector_load %arg8[%get3A_265, %get3A_266] {strides = array<i32>} : memref<32x1024xf32, #tpu.memory_space<vmem>>, vector<1x16xf32>,
      %get3A_268 = vector.shape_cast %get3A_267 : vector<1x16xf32> to vector<16xf32>
      %get3A_269 = arith.index_cast %scan3A_42 : i32 to index
      %get3A_270 = arith.constant 256 : index
      %get3A_271 = tpu.vector_load %arg9[%get3A_269, %get3A_270] {strides = array<i32>} : memref<32x1024xf32, #tpu.memory_space<vmem>>, vector<1x16xf32>,
      %get3A_272 = vector.shape_cast %get3A_271 : vector<1x16xf32> to vector<16xf32>
      %add3A_273 = arith.addf %get3A_268, %get3A_272 : vector<16xf32>
      %swap3A_274 = arith.index_cast %scan3A_42 : i32 to index
      %swap3A_275 = arith.constant 256 : index
      %swap3A_276 = tpu.vector_load %arg8[%swap3A_274, %swap3A_275] {strides = array<i32>} : memref<32x1024xf32, #tpu.memory_space<vmem>>, vector<1x16xf32>,
      %swap3A_277 = vector.shape_cast %swap3A_276 : vector<1x16xf32> to vector<16xf32>
      %swap3A_278 = vector.shape_cast %add3A_273 : vector<16xf32> to vector<1x16xf32>
      tpu.vector_store %arg8[%swap3A_274, %swap3A_275], %swap3A_278 {strides = array<i32>} : memref<32x1024xf32, #tpu.memory_space<vmem>>, vector<1x16xf32>,
      %get3A_279 = arith.index_cast %scan3A_42 : i32 to index
      %get3A_280 = arith.constant 272 : index
      %get3A_281 = tpu.vector_load %arg8[%get3A_279, %get3A_280] {strides = array<i32>} : memref<32x1024xf32, #tpu.memory_space<vmem>>, vector<1x16xf32>,
      %get3A_282 = vector.shape_cast %get3A_281 : vector<1x16xf32> to vector<16xf32>
      %get3A_283 = arith.index_cast %scan3A_42 : i32 to index
      %get3A_284 = arith.constant 272 : index
      %get3A_285 = tpu.vector_load %arg9[%get3A_283, %get3A_284] {strides = array<i32>} : memref<32x1024xf32, #tpu.memory_space<vmem>>, vector<1x16xf32>,
      %get3A_286 = vector.shape_cast %get3A_285 : vector<1x16xf32> to vector<16xf32>
      %add3A_287 = arith.addf %get3A_282, %get3A_286 : vector<16xf32>
      %swap3A_288 = arith.index_cast %scan3A_42 : i32 to index
      %swap3A_289 = arith.constant 272 : index
      %swap3A_290 = tpu.vector_load %arg8[%swap3A_288, %swap3A_289] {strides = array<i32>} : memref<32x1024xf32, #tpu.memory_space<vmem>>, vector<1x16xf32>,
      %swap3A_291 = vector.shape_cast %swap3A_290 : vector<1x16xf32> to vector<16xf32>
      %swap3A_292 = vector.shape_cast %add3A_287 : vector<16xf32> to vector<1x16xf32>
      tpu.vector_store %arg8[%swap3A_288, %swap3A_289], %swap3A_292 {strides = array<i32>} : memref<32x1024xf32, #tpu.memory_space<vmem>>, vector<1x16xf32>,
      %get3A_293 = arith.index_cast %scan3A_42 : i32 to index
      %get3A_294 = arith.constant 288 : index
      %get3A_295 = tpu.vector_load %arg8[%get3A_293, %get3A_294] {strides = array<i32>} : memref<32x1024xf32, #tpu.memory_space<vmem>>, vector<1x16xf32>,
      %get3A_296 = vector.shape_cast %get3A_295 : vector<1x16xf32> to vector<16xf32>
      %get3A_297 = arith.index_cast %scan3A_42 : i32 to index
      %get3A_298 = arith.constant 288 : index
      %get3A_299 = tpu.vector_load %arg9[%get3A_297, %get3A_298] {strides = array<i32>} : memref<32x1024xf32, #tpu.memory_space<vmem>>, vector<1x16xf32>,
      %get3A_300 = vector.shape_cast %get3A_299 : vector<1x16xf32> to vector<16xf32>
      %add3A_301 = arith.addf %get3A_296, %get3A_300 : vector<16xf32>
      %swap3A_302 = arith.index_cast %scan3A_42 : i32 to index
      %swap3A_303 = arith.constant 288 : index
      %swap3A_304 = tpu.vector_load %arg8[%swap3A_302, %swap3A_303] {strides = array<i32>} : memref<32x1024xf32, #tpu.memory_space<vmem>>, vector<1x16xf32>,
      %swap3A_305 = vector.shape_cast %swap3A_304 : vector<1x16xf32> to vector<16xf32>
      %swap3A_306 = vector.shape_cast %add3A_301 : vector<16xf32> to vector<1x16xf32>
      tpu.vector_store %arg8[%swap3A_302, %swap3A_303], %swap3A_306 {strides = array<i32>} : memref<32x1024xf32, #tpu.memory_space<vmem>>, vector<1x16xf32>,
      %get3A_307 = arith.index_cast %scan3A_42 : i32 to index
      %get3A_308 = arith.constant 304 : index
      %get3A_309 = tpu.vector_load %arg8[%get3A_307, %get3A_308] {strides = array<i32>} : memref<32x1024xf32, #tpu.memory_space<vmem>>, vector<1x16xf32>,
      %get3A_310 = vector.shape_cast %get3A_309 : vector<1x16xf32> to vector<16xf32>
      %get3A_311 = arith.index_cast %scan3A_42 : i32 to index
      %get3A_312 = arith.constant 304 : index
      %get3A_313 = tpu.vector_load %arg9[%get3A_311, %get3A_312] {strides = array<i32>} : memref<32x1024xf32, #tpu.memory_space<vmem>>, vector<1x16xf32>,
      %get3A_314 = vector.shape_cast %get3A_313 : vector<1x16xf32> to vector<16xf32>
      %add3A_315 = arith.addf %get3A_310, %get3A_314 : vector<16xf32>
      %swap3A_316 = arith.index_cast %scan3A_42 : i32 to index
      %swap3A_317 = arith.constant 304 : index
      %swap3A_318 = tpu.vector_load %arg8[%swap3A_316, %swap3A_317] {strides = array<i32>} : memref<32x1024xf32, #tpu.memory_space<vmem>>, vector<1x16xf32>,
      %swap3A_319 = vector.shape_cast %swap3A_318 : vector<1x16xf32> to vector<16xf32>
      %swap3A_320 = vector.shape_cast %add3A_315 : vector<16xf32> to vector<1x16xf32>
      tpu.vector_store %arg8[%swap3A_316, %swap3A_317], %swap3A_320 {strides = array<i32>} : memref<32x1024xf32, #tpu.memory_space<vmem>>, vector<1x16xf32>,
      %get3A_321 = arith.index_cast %scan3A_42 : i32 to index
      %get3A_322 = arith.constant 320 : index
      %get3A_323 = tpu.vector_load %arg8[%get3A_321, %get3A_322] {strides = array<i32>} : memref<32x1024xf32, #tpu.memory_space<vmem>>, vector<1x16xf32>,
      %get3A_324 = vector.shape_cast %get3A_323 : vector<1x16xf32> to vector<16xf32>
      %get3A_325 = arith.index_cast %scan3A_42 : i32 to index
      %get3A_326 = arith.constant 320 : index
      %get3A_327 = tpu.vector_load %arg9[%get3A_325, %get3A_326] {strides = array<i32>} : memref<32x1024xf32, #tpu.memory_space<vmem>>, vector<1x16xf32>,
      %get3A_328 = vector.shape_cast %get3A_327 : vector<1x16xf32> to vector<16xf32>
      %add3A_329 = arith.addf %get3A_324, %get3A_328 : vector<16xf32>
      %swap3A_330 = arith.index_cast %scan3A_42 : i32 to index
      %swap3A_331 = arith.constant 320 : index
      %swap3A_332 = tpu.vector_load %arg8[%swap3A_330, %swap3A_331] {strides = array<i32>} : memref<32x1024xf32, #tpu.memory_space<vmem>>, vector<1x16xf32>,
      %swap3A_333 = vector.shape_cast %swap3A_332 : vector<1x16xf32> to vector<16xf32>
      %swap3A_334 = vector.shape_cast %add3A_329 : vector<16xf32> to vector<1x16xf32>
      tpu.vector_store %arg8[%swap3A_330, %swap3A_331], %swap3A_334 {strides = array<i32>} : memref<32x1024xf32, #tpu.memory_space<vmem>>, vector<1x16xf32>,
      %get3A_335 = arith.index_cast %scan3A_42 : i32 to index
      %get3A_336 = arith.constant 336 : index
      %get3A_337 = tpu.vector_load %arg8[%get3A_335, %get3A_336] {strides = array<i32>} : memref<32x1024xf32, #tpu.memory_space<vmem>>, vector<1x16xf32>,
      %get3A_338 = vector.shape_cast %get3A_337 : vector<1x16xf32> to vector<16xf32>
      %get3A_339 = arith.index_cast %scan3A_42 : i32 to index
      %get3A_340 = arith.constant 336 : index
      %get3A_341 = tpu.vector_load %arg9[%get3A_339, %get3A_340] {strides = array<i32>} : memref<32x1024xf32, #tpu.memory_space<vmem>>, vector<1x16xf32>,
      %get3A_342 = vector.shape_cast %get3A_341 : vector<1x16xf32> to vector<16xf32>
      %add3A_343 = arith.addf %get3A_338, %get3A_342 : vector<16xf32>
      %swap3A_344 = arith.index_cast %scan3A_42 : i32 to index
      %swap3A_345 = arith.constant 336 : index
      %swap3A_346 = tpu.vector_load %arg8[%swap3A_344, %swap3A_345] {strides = array<i32>} : memref<32x1024xf32, #tpu.memory_space<vmem>>, vector<1x16xf32>,
      %swap3A_347 = vector.shape_cast %swap3A_346 : vector<1x16xf32> to vector<16xf32>
      %swap3A_348 = vector.shape_cast %add3A_343 : vector<16xf32> to vector<1x16xf32>
      tpu.vector_store %arg8[%swap3A_344, %swap3A_345], %swap3A_348 {strides = array<i32>} : memref<32x1024xf32, #tpu.memory_space<vmem>>, vector<1x16xf32>,
      %get3A_349 = arith.index_cast %scan3A_42 : i32 to index
      %get3A_350 = arith.constant 352 : index
      %get3A_351 = tpu.vector_load %arg8[%get3A_349, %get3A_350] {strides = array<i32>} : memref<32x1024xf32, #tpu.memory_space<vmem>>, vector<1x16xf32>,
      %get3A_352 = vector.shape_cast %get3A_351 : vector<1x16xf32> to vector<16xf32>
      %get3A_353 = arith.index_cast %scan3A_42 : i32 to index
      %get3A_354 = arith.constant 352 : index
      %get3A_355 = tpu.vector_load %arg9[%get3A_353, %get3A_354] {strides = array<i32>} : memref<32x1024xf32, #tpu.memory_space<vmem>>, vector<1x16xf32>,
      %get3A_356 = vector.shape_cast %get3A_355 : vector<1x16xf32> to vector<16xf32>
      %add3A_357 = arith.addf %get3A_352, %get3A_356 : vector<16xf32>
      %swap3A_358 = arith.index_cast %scan3A_42 : i32 to index
      %swap3A_359 = arith.constant 352 : index
      %swap3A_360 = tpu.vector_load %arg8[%swap3A_358, %swap3A_359] {strides = array<i32>} : memref<32x1024xf32, #tpu.memory_space<vmem>>, vector<1x16xf32>,
      %swap3A_361 = vector.shape_cast %swap3A_360 : vector<1x16xf32> to vector<16xf32>
      %swap3A_362 = vector.shape_cast %add3A_357 : vector<16xf32> to vector<1x16xf32>
      tpu.vector_store %arg8[%swap3A_358, %swap3A_359], %swap3A_362 {strides = array<i32>} : memref<32x1024xf32, #tpu.memory_space<vmem>>, vector<1x16xf32>,
      %get3A_363 = arith.index_cast %scan3A_42 : i32 to index
      %get3A_364 = arith.constant 368 : index
      %get3A_365 = tpu.vector_load %arg8[%get3A_363, %get3A_364] {strides = array<i32>} : memref<32x1024xf32, #tpu.memory_space<vmem>>, vector<1x16xf32>,
      %get3A_366 = vector.shape_cast %get3A_365 : vector<1x16xf32> to vector<16xf32>
      %get3A_367 = arith.index_cast %scan3A_42 : i32 to index
      %get3A_368 = arith.constant 368 : index
      %get3A_369 = tpu.vector_load %arg9[%get3A_367, %get3A_368] {strides = array<i32>} : memref<32x1024xf32, #tpu.memory_space<vmem>>, vector<1x16xf32>,
      %get3A_370 = vector.shape_cast %get3A_369 : vector<1x16xf32> to vector<16xf32>
      %add3A_371 = arith.addf %get3A_366, %get3A_370 : vector<16xf32>
      %swap3A_372 = arith.index_cast %scan3A_42 : i32 to index
      %swap3A_373 = arith.constant 368 : index
      %swap3A_374 = tpu.vector_load %arg8[%swap3A_372, %swap3A_373] {strides = array<i32>} : memref<32x1024xf32, #tpu.memory_space<vmem>>, vector<1x16xf32>,
      %swap3A_375 = vector.shape_cast %swap3A_374 : vector<1x16xf32> to vector<16xf32>
      %swap3A_376 = vector.shape_cast %add3A_371 : vector<16xf32> to vector<1x16xf32>
      tpu.vector_store %arg8[%swap3A_372, %swap3A_373], %swap3A_376 {strides = array<i32>} : memref<32x1024xf32, #tpu.memory_space<vmem>>, vector<1x16xf32>,
      %get3A_377 = arith.index_cast %scan3A_42 : i32 to index
      %get3A_378 = arith.constant 384 : index
      %get3A_379 = tpu.vector_load %arg8[%get3A_377, %get3A_378] {strides = array<i32>} : memref<32x1024xf32, #tpu.memory_space<vmem>>, vector<1x16xf32>,
      %get3A_380 = vector.shape_cast %get3A_379 : vector<1x16xf32> to vector<16xf32>
      %get3A_381 = arith.index_cast %scan3A_42 : i32 to index
      %get3A_382 = arith.constant 384 : index
      %get3A_383 = tpu.vector_load %arg9[%get3A_381, %get3A_382] {strides = array<i32>} : memref<32x1024xf32, #tpu.memory_space<vmem>>, vector<1x16xf32>,
      %get3A_384 = vector.shape_cast %get3A_383 : vector<1x16xf32> to vector<16xf32>
      %add3A_385 = arith.addf %get3A_380, %get3A_384 : vector<16xf32>
      %swap3A_386 = arith.index_cast %scan3A_42 : i32 to index
      %swap3A_387 = arith.constant 384 : index
      %swap3A_388 = tpu.vector_load %arg8[%swap3A_386, %swap3A_387] {strides = array<i32>} : memref<32x1024xf32, #tpu.memory_space<vmem>>, vector<1x16xf32>,
      %swap3A_389 = vector.shape_cast %swap3A_388 : vector<1x16xf32> to vector<16xf32>
      %swap3A_390 = vector.shape_cast %add3A_385 : vector<16xf32> to vector<1x16xf32>
      tpu.vector_store %arg8[%swap3A_386, %swap3A_387], %swap3A_390 {strides = array<i32>} : memref<32x1024xf32, #tpu.memory_space<vmem>>, vector<1x16xf32>,
      %get3A_391 = arith.index_cast %scan3A_42 : i32 to index
      %get3A_392 = arith.constant 400 : index
      %get3A_393 = tpu.vector_load %arg8[%get3A_391, %get3A_392] {strides = array<i32>} : memref<32x1024xf32, #tpu.memory_space<vmem>>, vector<1x16xf32>,
      %get3A_394 = vector.shape_cast %get3A_393 : vector<1x16xf32> to vector<16xf32>
      %get3A_395 = arith.index_cast %scan3A_42 : i32 to index
      %get3A_396 = arith.constant 400 : index
      %get3A_397 = tpu.vector_load %arg9[%get3A_395, %get3A_396] {strides = array<i32>} : memref<32x1024xf32, #tpu.memory_space<vmem>>, vector<1x16xf32>,
      %get3A_398 = vector.shape_cast %get3A_397 : vector<1x16xf32> to vector<16xf32>
      %add3A_399 = arith.addf %get3A_394, %get3A_398 : vector<16xf32>
      %swap3A_400 = arith.index_cast %scan3A_42 : i32 to index
      %swap3A_401 = arith.constant 400 : index
      %swap3A_402 = tpu.vector_load %arg8[%swap3A_400, %swap3A_401] {strides = array<i32>} : memref<32x1024xf32, #tpu.memory_space<vmem>>, vector<1x16xf32>,
      %swap3A_403 = vector.shape_cast %swap3A_402 : vector<1x16xf32> to vector<16xf32>
      %swap3A_404 = vector.shape_cast %add3A_399 : vector<16xf32> to vector<1x16xf32>
      tpu.vector_store %arg8[%swap3A_400, %swap3A_401], %swap3A_404 {strides = array<i32>} : memref<32x1024xf32, #tpu.memory_space<vmem>>, vector<1x16xf32>,
      %get3A_405 = arith.index_cast %scan3A_42 : i32 to index
      %get3A_406 = arith.constant 416 : index
      %get3A_407 = tpu.vector_load %arg8[%get3A_405, %get3A_406] {strides = array<i32>} : memref<32x1024xf32, #tpu.memory_space<vmem>>, vector<1x16xf32>,
      %get3A_408 = vector.shape_cast %get3A_407 : vector<1x16xf32> to vector<16xf32>
      %get3A_409 = arith.index_cast %scan3A_42 : i32 to index
      %get3A_410 = arith.constant 416 : index
      %get3A_411 = tpu.vector_load %arg9[%get3A_409, %get3A_410] {strides = array<i32>} : memref<32x1024xf32, #tpu.memory_space<vmem>>, vector<1x16xf32>,
      %get3A_412 = vector.shape_cast %get3A_411 : vector<1x16xf32> to vector<16xf32>
      %add3A_413 = arith.addf %get3A_408, %get3A_412 : vector<16xf32>
      %swap3A_414 = arith.index_cast %scan3A_42 : i32 to index
      %swap3A_415 = arith.constant 416 : index
      %swap3A_416 = tpu.vector_load %arg8[%swap3A_414, %swap3A_415] {strides = array<i32>} : memref<32x1024xf32, #tpu.memory_space<vmem>>, vector<1x16xf32>,
      %swap3A_417 = vector.shape_cast %swap3A_416 : vector<1x16xf32> to vector<16xf32>
      %swap3A_418 = vector.shape_cast %add3A_413 : vector<16xf32> to vector<1x16xf32>
      tpu.vector_store %arg8[%swap3A_414, %swap3A_415], %swap3A_418 {strides = array<i32>} : memref<32x1024xf32, #tpu.memory_space<vmem>>, vector<1x16xf32>,
      %get3A_419 = arith.index_cast %scan3A_42 : i32 to index
      %get3A_420 = arith.constant 432 : index
      %get3A_421 = tpu.vector_load %arg8[%get3A_419, %get3A_420] {strides = array<i32>} : memref<32x1024xf32, #tpu.memory_space<vmem>>, vector<1x16xf32>,
      %get3A_422 = vector.shape_cast %get3A_421 : vector<1x16xf32> to vector<16xf32>
      %get3A_423 = arith.index_cast %scan3A_42 : i32 to index
      %get3A_424 = arith.constant 432 : index
      %get3A_425 = tpu.vector_load %arg9[%get3A_423, %get3A_424] {strides = array<i32>} : memref<32x1024xf32, #tpu.memory_space<vmem>>, vector<1x16xf32>,
      %get3A_426 = vector.shape_cast %get3A_425 : vector<1x16xf32> to vector<16xf32>
      %add3A_427 = arith.addf %get3A_422, %get3A_426 : vector<16xf32>
      %swap3A_428 = arith.index_cast %scan3A_42 : i32 to index
      %swap3A_429 = arith.constant 432 : index
      %swap3A_430 = tpu.vector_load %arg8[%swap3A_428, %swap3A_429] {strides = array<i32>} : memref<32x1024xf32, #tpu.memory_space<vmem>>, vector<1x16xf32>,
      %swap3A_431 = vector.shape_cast %swap3A_430 : vector<1x16xf32> to vector<16xf32>
      %swap3A_432 = vector.shape_cast %add3A_427 : vector<16xf32> to vector<1x16xf32>
      tpu.vector_store %arg8[%swap3A_428, %swap3A_429], %swap3A_432 {strides = array<i32>} : memref<32x1024xf32, #tpu.memory_space<vmem>>, vector<1x16xf32>,
      %get3A_433 = arith.index_cast %scan3A_42 : i32 to index
      %get3A_434 = arith.constant 448 : index
      %get3A_435 = tpu.vector_load %arg8[%get3A_433, %get3A_434] {strides = array<i32>} : memref<32x1024xf32, #tpu.memory_space<vmem>>, vector<1x16xf32>,
      %get3A_436 = vector.shape_cast %get3A_435 : vector<1x16xf32> to vector<16xf32>
      %get3A_437 = arith.index_cast %scan3A_42 : i32 to index
      %get3A_438 = arith.constant 448 : index
      %get3A_439 = tpu.vector_load %arg9[%get3A_437, %get3A_438] {strides = array<i32>} : memref<32x1024xf32, #tpu.memory_space<vmem>>, vector<1x16xf32>,
      %get3A_440 = vector.shape_cast %get3A_439 : vector<1x16xf32> to vector<16xf32>
      %add3A_441 = arith.addf %get3A_436, %get3A_440 : vector<16xf32>
      %swap3A_442 = arith.index_cast %scan3A_42 : i32 to index
      %swap3A_443 = arith.constant 448 : index
      %swap3A_444 = tpu.vector_load %arg8[%swap3A_442, %swap3A_443] {strides = array<i32>} : memref<32x1024xf32, #tpu.memory_space<vmem>>, vector<1x16xf32>,
      %swap3A_445 = vector.shape_cast %swap3A_444 : vector<1x16xf32> to vector<16xf32>
      %swap3A_446 = vector.shape_cast %add3A_441 : vector<16xf32> to vector<1x16xf32>
      tpu.vector_store %arg8[%swap3A_442, %swap3A_443], %swap3A_446 {strides = array<i32>} : memref<32x1024xf32, #tpu.memory_space<vmem>>, vector<1x16xf32>,
      %get3A_447 = arith.index_cast %scan3A_42 : i32 to index
      %get3A_448 = arith.constant 464 : index
      %get3A_449 = tpu.vector_load %arg8[%get3A_447, %get3A_448] {strides = array<i32>} : memref<32x1024xf32, #tpu.memory_space<vmem>>, vector<1x16xf32>,
      %get3A_450 = vector.shape_cast %get3A_449 : vector<1x16xf32> to vector<16xf32>
      %get3A_451 = arith.index_cast %scan3A_42 : i32 to index
      %get3A_452 = arith.constant 464 : index
      %get3A_453 = tpu.vector_load %arg9[%get3A_451, %get3A_452] {strides = array<i32>} : memref<32x1024xf32, #tpu.memory_space<vmem>>, vector<1x16xf32>,
      %get3A_454 = vector.shape_cast %get3A_453 : vector<1x16xf32> to vector<16xf32>
      %add3A_455 = arith.addf %get3A_450, %get3A_454 : vector<16xf32>
      %swap3A_456 = arith.index_cast %scan3A_42 : i32 to index
      %swap3A_457 = arith.constant 464 : index
      %swap3A_458 = tpu.vector_load %arg8[%swap3A_456, %swap3A_457] {strides = array<i32>} : memref<32x1024xf32, #tpu.memory_space<vmem>>, vector<1x16xf32>,
      %swap3A_459 = vector.shape_cast %swap3A_458 : vector<1x16xf32> to vector<16xf32>
      %swap3A_460 = vector.shape_cast %add3A_455 : vector<16xf32> to vector<1x16xf32>
      tpu.vector_store %arg8[%swap3A_456, %swap3A_457], %swap3A_460 {strides = array<i32>} : memref<32x1024xf32, #tpu.memory_space<vmem>>, vector<1x16xf32>,
      %get3A_461 = arith.index_cast %scan3A_42 : i32 to index
      %get3A_462 = arith.constant 480 : index
      %get3A_463 = tpu.vector_load %arg8[%get3A_461, %get3A_462] {strides = array<i32>} : memref<32x1024xf32, #tpu.memory_space<vmem>>, vector<1x16xf32>,
      %get3A_464 = vector.shape_cast %get3A_463 : vector<1x16xf32> to vector<16xf32>
      %get3A_465 = arith.index_cast %scan3A_42 : i32 to index
      %get3A_466 = arith.constant 480 : index
      %get3A_467 = tpu.vector_load %arg9[%get3A_465, %get3A_466] {strides = array<i32>} : memref<32x1024xf32, #tpu.memory_space<vmem>>, vector<1x16xf32>,
      %get3A_468 = vector.shape_cast %get3A_467 : vector<1x16xf32> to vector<16xf32>
      %add3A_469 = arith.addf %get3A_464, %get3A_468 : vector<16xf32>
      %swap3A_470 = arith.index_cast %scan3A_42 : i32 to index
      %swap3A_471 = arith.constant 480 : index
      %swap3A_472 = tpu.vector_load %arg8[%swap3A_470, %swap3A_471] {strides = array<i32>} : memref<32x1024xf32, #tpu.memory_space<vmem>>, vector<1x16xf32>,
      %swap3A_473 = vector.shape_cast %swap3A_472 : vector<1x16xf32> to vector<16xf32>
      %swap3A_474 = vector.shape_cast %add3A_469 : vector<16xf32> to vector<1x16xf32>
      tpu.vector_store %arg8[%swap3A_470, %swap3A_471], %swap3A_474 {strides = array<i32>} : memref<32x1024xf32, #tpu.memory_space<vmem>>, vector<1x16xf32>,
      %get3A_475 = arith.index_cast %scan3A_42 : i32 to index
      %get3A_476 = arith.constant 496 : index
      %get3A_477 = tpu.vector_load %arg8[%get3A_475, %get3A_476] {strides = array<i32>} : memref<32x1024xf32, #tpu.memory_space<vmem>>, vector<1x16xf32>,
      %get3A_478 = vector.shape_cast %get3A_477 : vector<1x16xf32> to vector<16xf32>
      %get3A_479 = arith.index_cast %scan3A_42 : i32 to index
      %get3A_480 = arith.constant 496 : index
      %get3A_481 = tpu.vector_load %arg9[%get3A_479, %get3A_480] {strides = array<i32>} : memref<32x1024xf32, #tpu.memory_space<vmem>>, vector<1x16xf32>,
      %get3A_482 = vector.shape_cast %get3A_481 : vector<1x16xf32> to vector<16xf32>
      %add3A_483 = arith.addf %get3A_478, %get3A_482 : vector<16xf32>
      %swap3A_484 = arith.index_cast %scan3A_42 : i32 to index
      %swap3A_485 = arith.constant 496 : index
      %swap3A_486 = tpu.vector_load %arg8[%swap3A_484, %swap3A_485] {strides = array<i32>} : memref<32x1024xf32, #tpu.memory_space<vmem>>, vector<1x16xf32>,
      %swap3A_487 = vector.shape_cast %swap3A_486 : vector<1x16xf32> to vector<16xf32>
      %swap3A_488 = vector.shape_cast %add3A_483 : vector<16xf32> to vector<1x16xf32>
      tpu.vector_store %arg8[%swap3A_484, %swap3A_485], %swap3A_488 {strides = array<i32>} : memref<32x1024xf32, #tpu.memory_space<vmem>>, vector<1x16xf32>,
      %get3A_489 = arith.index_cast %scan3A_42 : i32 to index
      %get3A_490 = arith.constant 512 : index
      %get3A_491 = tpu.vector_load %arg8[%get3A_489, %get3A_490] {strides = array<i32>} : memref<32x1024xf32, #tpu.memory_space<vmem>>, vector<1x16xf32>,
      %get3A_492 = vector.shape_cast %get3A_491 : vector<1x16xf32> to vector<16xf32>
      %get3A_493 = arith.index_cast %scan3A_42 : i32 to index
      %get3A_494 = arith.constant 512 : index
      %get3A_495 = tpu.vector_load %arg9[%get3A_493, %get3A_494] {strides = array<i32>} : memref<32x1024xf32, #tpu.memory_space<vmem>>, vector<1x16xf32>,
      %get3A_496 = vector.shape_cast %get3A_495 : vector<1x16xf32> to vector<16xf32>
      %add3A_497 = arith.addf %get3A_492, %get3A_496 : vector<16xf32>
      %swap3A_498 = arith.index_cast %scan3A_42 : i32 to index
      %swap3A_499 = arith.constant 512 : index
      %swap3A_500 = tpu.vector_load %arg8[%swap3A_498, %swap3A_499] {strides = array<i32>} : memref<32x1024xf32, #tpu.memory_space<vmem>>, vector<1x16xf32>,
      %swap3A_501 = vector.shape_cast %swap3A_500 : vector<1x16xf32> to vector<16xf32>
      %swap3A_502 = vector.shape_cast %add3A_497 : vector<16xf32> to vector<1x16xf32>
      tpu.vector_store %arg8[%swap3A_498, %swap3A_499], %swap3A_502 {strides = array<i32>} : memref<32x1024xf32, #tpu.memory_space<vmem>>, vector<1x16xf32>,
      %get3A_503 = arith.index_cast %scan3A_42 : i32 to index
      %get3A_504 = arith.constant 528 : index
      %get3A_505 = tpu.vector_load %arg8[%get3A_503, %get3A_504] {strides = array<i32>} : memref<32x1024xf32, #tpu.memory_space<vmem>>, vector<1x16xf32>,
      %get3A_506 = vector.shape_cast %get3A_505 : vector<1x16xf32> to vector<16xf32>
      %get3A_507 = arith.index_cast %scan3A_42 : i32 to index
      %get3A_508 = arith.constant 528 : index
      %get3A_509 = tpu.vector_load %arg9[%get3A_507, %get3A_508] {strides = array<i32>} : memref<32x1024xf32, #tpu.memory_space<vmem>>, vector<1x16xf32>,
      %get3A_510 = vector.shape_cast %get3A_509 : vector<1x16xf32> to vector<16xf32>
      %add3A_511 = arith.addf %get3A_506, %get3A_510 : vector<16xf32>
      %swap3A_512 = arith.index_cast %scan3A_42 : i32 to index
      %swap3A_513 = arith.constant 528 : index
      %swap3A_514 = tpu.vector_load %arg8[%swap3A_512, %swap3A_513] {strides = array<i32>} : memref<32x1024xf32, #tpu.memory_space<vmem>>, vector<1x16xf32>,
      %swap3A_515 = vector.shape_cast %swap3A_514 : vector<1x16xf32> to vector<16xf32>
      %swap3A_516 = vector.shape_cast %add3A_511 : vector<16xf32> to vector<1x16xf32>
      tpu.vector_store %arg8[%swap3A_512, %swap3A_513], %swap3A_516 {strides = array<i32>} : memref<32x1024xf32, #tpu.memory_space<vmem>>, vector<1x16xf32>,
      %get3A_517 = arith.index_cast %scan3A_42 : i32 to index
      %get3A_518 = arith.constant 544 : index
      %get3A_519 = tpu.vector_load %arg8[%get3A_517, %get3A_518] {strides = array<i32>} : memref<32x1024xf32, #tpu.memory_space<vmem>>, vector<1x16xf32>,
      %get3A_520 = vector.shape_cast %get3A_519 : vector<1x16xf32> to vector<16xf32>
      %get3A_521 = arith.index_cast %scan3A_42 : i32 to index
      %get3A_522 = arith.constant 544 : index
      %get3A_523 = tpu.vector_load %arg9[%get3A_521, %get3A_522] {strides = array<i32>} : memref<32x1024xf32, #tpu.memory_space<vmem>>, vector<1x16xf32>,
      %get3A_524 = vector.shape_cast %get3A_523 : vector<1x16xf32> to vector<16xf32>
      %add3A_525 = arith.addf %get3A_520, %get3A_524 : vector<16xf32>
      %swap3A_526 = arith.index_cast %scan3A_42 : i32 to index
      %swap3A_527 = arith.constant 544 : index
      %swap3A_528 = tpu.vector_load %arg8[%swap3A_526, %swap3A_527] {strides = array<i32>} : memref<32x1024xf32, #tpu.memory_space<vmem>>, vector<1x16xf32>,
      %swap3A_529 = vector.shape_cast %swap3A_528 : vector<1x16xf32> to vector<16xf32>
      %swap3A_530 = vector.shape_cast %add3A_525 : vector<16xf32> to vector<1x16xf32>
      tpu.vector_store %arg8[%swap3A_526, %swap3A_527], %swap3A_530 {strides = array<i32>} : memref<32x1024xf32, #tpu.memory_space<vmem>>, vector<1x16xf32>,
      %get3A_531 = arith.index_cast %scan3A_42 : i32 to index
      %get3A_532 = arith.constant 560 : index
      %get3A_533 = tpu.vector_load %arg8[%get3A_531, %get3A_532] {strides = array<i32>} : memref<32x1024xf32, #tpu.memory_space<vmem>>, vector<1x16xf32>,
      %get3A_534 = vector.shape_cast %get3A_533 : vector<1x16xf32> to vector<16xf32>
      %get3A_535 = arith.index_cast %scan3A_42 : i32 to index
      %get3A_536 = arith.constant 560 : index
      %get3A_537 = tpu.vector_load %arg9[%get3A_535, %get3A_536] {strides = array<i32>} : memref<32x1024xf32, #tpu.memory_space<vmem>>, vector<1x16xf32>,
      %get3A_538 = vector.shape_cast %get3A_537 : vector<1x16xf32> to vector<16xf32>
      %add3A_539 = arith.addf %get3A_534, %get3A_538 : vector<16xf32>
      %swap3A_540 = arith.index_cast %scan3A_42 : i32 to index
      %swap3A_541 = arith.constant 560 : index
      %swap3A_542 = tpu.vector_load %arg8[%swap3A_540, %swap3A_541] {strides = array<i32>} : memref<32x1024xf32, #tpu.memory_space<vmem>>, vector<1x16xf32>,
      %swap3A_543 = vector.shape_cast %swap3A_542 : vector<1x16xf32> to vector<16xf32>
      %swap3A_544 = vector.shape_cast %add3A_539 : vector<16xf32> to vector<1x16xf32>
      tpu.vector_store %arg8[%swap3A_540, %swap3A_541], %swap3A_544 {strides = array<i32>} : memref<32x1024xf32, #tpu.memory_space<vmem>>, vector<1x16xf32>,
      %get3A_545 = arith.index_cast %scan3A_42 : i32 to index
      %get3A_546 = arith.constant 576 : index
      %get3A_547 = tpu.vector_load %arg8[%get3A_545, %get3A_546] {strides = array<i32>} : memref<32x1024xf32, #tpu.memory_space<vmem>>, vector<1x16xf32>,
      %get3A_548 = vector.shape_cast %get3A_547 : vector<1x16xf32> to vector<16xf32>
      %get3A_549 = arith.index_cast %scan3A_42 : i32 to index
      %get3A_550 = arith.constant 576 : index
      %get3A_551 = tpu.vector_load %arg9[%get3A_549, %get3A_550] {strides = array<i32>} : memref<32x1024xf32, #tpu.memory_space<vmem>>, vector<1x16xf32>,
      %get3A_552 = vector.shape_cast %get3A_551 : vector<1x16xf32> to vector<16xf32>
      %add3A_553 = arith.addf %get3A_548, %get3A_552 : vector<16xf32>
      %swap3A_554 = arith.index_cast %scan3A_42 : i32 to index
      %swap3A_555 = arith.constant 576 : index
      %swap3A_556 = tpu.vector_load %arg8[%swap3A_554, %swap3A_555] {strides = array<i32>} : memref<32x1024xf32, #tpu.memory_space<vmem>>, vector<1x16xf32>,
      %swap3A_557 = vector.shape_cast %swap3A_556 : vector<1x16xf32> to vector<16xf32>
      %swap3A_558 = vector.shape_cast %add3A_553 : vector<16xf32> to vector<1x16xf32>
      tpu.vector_store %arg8[%swap3A_554, %swap3A_555], %swap3A_558 {strides = array<i32>} : memref<32x1024xf32, #tpu.memory_space<vmem>>, vector<1x16xf32>,
      %get3A_559 = arith.index_cast %scan3A_42 : i32 to index
      %get3A_560 = arith.constant 592 : index
      %get3A_561 = tpu.vector_load %arg8[%get3A_559, %get3A_560] {strides = array<i32>} : memref<32x1024xf32, #tpu.memory_space<vmem>>, vector<1x16xf32>,
      %get3A_562 = vector.shape_cast %get3A_561 : vector<1x16xf32> to vector<16xf32>
      %get3A_563 = arith.index_cast %scan3A_42 : i32 to index
      %get3A_564 = arith.constant 592 : index
      %get3A_565 = tpu.vector_load %arg9[%get3A_563, %get3A_564] {strides = array<i32>} : memref<32x1024xf32, #tpu.memory_space<vmem>>, vector<1x16xf32>,
      %get3A_566 = vector.shape_cast %get3A_565 : vector<1x16xf32> to vector<16xf32>
      %add3A_567 = arith.addf %get3A_562, %get3A_566 : vector<16xf32>
      %swap3A_568 = arith.index_cast %scan3A_42 : i32 to index
      %swap3A_569 = arith.constant 592 : index
      %swap3A_570 = tpu.vector_load %arg8[%swap3A_568, %swap3A_569] {strides = array<i32>} : memref<32x1024xf32, #tpu.memory_space<vmem>>, vector<1x16xf32>,
      %swap3A_571 = vector.shape_cast %swap3A_570 : vector<1x16xf32> to vector<16xf32>
      %swap3A_572 = vector.shape_cast %add3A_567 : vector<16xf32> to vector<1x16xf32>
      tpu.vector_store %arg8[%swap3A_568, %swap3A_569], %swap3A_572 {strides = array<i32>} : memref<32x1024xf32, #tpu.memory_space<vmem>>, vector<1x16xf32>,
      %get3A_573 = arith.index_cast %scan3A_42 : i32 to index
      %get3A_574 = arith.constant 608 : index
      %get3A_575 = tpu.vector_load %arg8[%get3A_573, %get3A_574] {strides = array<i32>} : memref<32x1024xf32, #tpu.memory_space<vmem>>, vector<1x16xf32>,
      %get3A_576 = vector.shape_cast %get3A_575 : vector<1x16xf32> to vector<16xf32>
      %get3A_577 = arith.index_cast %scan3A_42 : i32 to index
      %get3A_578 = arith.constant 608 : index
      %get3A_579 = tpu.vector_load %arg9[%get3A_577, %get3A_578] {strides = array<i32>} : memref<32x1024xf32, #tpu.memory_space<vmem>>, vector<1x16xf32>,
      %get3A_580 = vector.shape_cast %get3A_579 : vector<1x16xf32> to vector<16xf32>
      %add3A_581 = arith.addf %get3A_576, %get3A_580 : vector<16xf32>
      %swap3A_582 = arith.index_cast %scan3A_42 : i32 to index
      %swap3A_583 = arith.constant 608 : index
      %swap3A_584 = tpu.vector_load %arg8[%swap3A_582, %swap3A_583] {strides = array<i32>} : memref<32x1024xf32, #tpu.memory_space<vmem>>, vector<1x16xf32>,
      %swap3A_585 = vector.shape_cast %swap3A_584 : vector<1x16xf32> to vector<16xf32>
      %swap3A_586 = vector.shape_cast %add3A_581 : vector<16xf32> to vector<1x16xf32>
      tpu.vector_store %arg8[%swap3A_582, %swap3A_583], %swap3A_586 {strides = array<i32>} : memref<32x1024xf32, #tpu.memory_space<vmem>>, vector<1x16xf32>,
      %get3A_587 = arith.index_cast %scan3A_42 : i32 to index
      %get3A_588 = arith.constant 624 : index
      %get3A_589 = tpu.vector_load %arg8[%get3A_587, %get3A_588] {strides = array<i32>} : memref<32x1024xf32, #tpu.memory_space<vmem>>, vector<1x16xf32>,
      %get3A_590 = vector.shape_cast %get3A_589 : vector<1x16xf32> to vector<16xf32>
      %get3A_591 = arith.index_cast %scan3A_42 : i32 to index
      %get3A_592 = arith.constant 624 : index
      %get3A_593 = tpu.vector_load %arg9[%get3A_591, %get3A_592] {strides = array<i32>} : memref<32x1024xf32, #tpu.memory_space<vmem>>, vector<1x16xf32>,
      %get3A_594 = vector.shape_cast %get3A_593 : vector<1x16xf32> to vector<16xf32>
      %add3A_595 = arith.addf %get3A_590, %get3A_594 : vector<16xf32>
      %swap3A_596 = arith.index_cast %scan3A_42 : i32 to index
      %swap3A_597 = arith.constant 624 : index
      %swap3A_598 = tpu.vector_load %arg8[%swap3A_596, %swap3A_597] {strides = array<i32>} : memref<32x1024xf32, #tpu.memory_space<vmem>>, vector<1x16xf32>,
      %swap3A_599 = vector.shape_cast %swap3A_598 : vector<1x16xf32> to vector<16xf32>
      %swap3A_600 = vector.shape_cast %add3A_595 : vector<16xf32> to vector<1x16xf32>
      tpu.vector_store %arg8[%swap3A_596, %swap3A_597], %swap3A_600 {strides = array<i32>} : memref<32x1024xf32, #tpu.memory_space<vmem>>, vector<1x16xf32>,
      %get3A_601 = arith.index_cast %scan3A_42 : i32 to index
      %get3A_602 = arith.constant 640 : index
      %get3A_603 = tpu.vector_load %arg8[%get3A_601, %get3A_602] {strides = array<i32>} : memref<32x1024xf32, #tpu.memory_space<vmem>>, vector<1x16xf32>,
      %get3A_604 = vector.shape_cast %get3A_603 : vector<1x16xf32> to vector<16xf32>
      %get3A_605 = arith.index_cast %scan3A_42 : i32 to index
      %get3A_606 = arith.constant 640 : index
      %get3A_607 = tpu.vector_load %arg9[%get3A_605, %get3A_606] {strides = array<i32>} : memref<32x1024xf32, #tpu.memory_space<vmem>>, vector<1x16xf32>,
      %get3A_608 = vector.shape_cast %get3A_607 : vector<1x16xf32> to vector<16xf32>
      %add3A_609 = arith.addf %get3A_604, %get3A_608 : vector<16xf32>
      %swap3A_610 = arith.index_cast %scan3A_42 : i32 to index
      %swap3A_611 = arith.constant 640 : index
      %swap3A_612 = tpu.vector_load %arg8[%swap3A_610, %swap3A_611] {strides = array<i32>} : memref<32x1024xf32, #tpu.memory_space<vmem>>, vector<1x16xf32>,
      %swap3A_613 = vector.shape_cast %swap3A_612 : vector<1x16xf32> to vector<16xf32>
      %swap3A_614 = vector.shape_cast %add3A_609 : vector<16xf32> to vector<1x16xf32>
      tpu.vector_store %arg8[%swap3A_610, %swap3A_611], %swap3A_614 {strides = array<i32>} : memref<32x1024xf32, #tpu.memory_space<vmem>>, vector<1x16xf32>,
      %get3A_615 = arith.index_cast %scan3A_42 : i32 to index
      %get3A_616 = arith.constant 656 : index
      %get3A_617 = tpu.vector_load %arg8[%get3A_615, %get3A_616] {strides = array<i32>} : memref<32x1024xf32, #tpu.memory_space<vmem>>, vector<1x16xf32>,
      %get3A_618 = vector.shape_cast %get3A_617 : vector<1x16xf32> to vector<16xf32>
      %get3A_619 = arith.index_cast %scan3A_42 : i32 to index
      %get3A_620 = arith.constant 656 : index
      %get3A_621 = tpu.vector_load %arg9[%get3A_619, %get3A_620] {strides = array<i32>} : memref<32x1024xf32, #tpu.memory_space<vmem>>, vector<1x16xf32>,
      %get3A_622 = vector.shape_cast %get3A_621 : vector<1x16xf32> to vector<16xf32>
      %add3A_623 = arith.addf %get3A_618, %get3A_622 : vector<16xf32>
      %swap3A_624 = arith.index_cast %scan3A_42 : i32 to index
      %swap3A_625 = arith.constant 656 : index
      %swap3A_626 = tpu.vector_load %arg8[%swap3A_624, %swap3A_625] {strides = array<i32>} : memref<32x1024xf32, #tpu.memory_space<vmem>>, vector<1x16xf32>,
      %swap3A_627 = vector.shape_cast %swap3A_626 : vector<1x16xf32> to vector<16xf32>
      %swap3A_628 = vector.shape_cast %add3A_623 : vector<16xf32> to vector<1x16xf32>
      tpu.vector_store %arg8[%swap3A_624, %swap3A_625], %swap3A_628 {strides = array<i32>} : memref<32x1024xf32, #tpu.memory_space<vmem>>, vector<1x16xf32>,
      %get3A_629 = arith.index_cast %scan3A_42 : i32 to index
      %get3A_630 = arith.constant 672 : index
      %get3A_631 = tpu.vector_load %arg8[%get3A_629, %get3A_630] {strides = array<i32>} : memref<32x1024xf32, #tpu.memory_space<vmem>>, vector<1x16xf32>,
      %get3A_632 = vector.shape_cast %get3A_631 : vector<1x16xf32> to vector<16xf32>
      %get3A_633 = arith.index_cast %scan3A_42 : i32 to index
      %get3A_634 = arith.constant 672 : index
      %get3A_635 = tpu.vector_load %arg9[%get3A_633, %get3A_634] {strides = array<i32>} : memref<32x1024xf32, #tpu.memory_space<vmem>>, vector<1x16xf32>,
      %get3A_636 = vector.shape_cast %get3A_635 : vector<1x16xf32> to vector<16xf32>
      %add3A_637 = arith.addf %get3A_632, %get3A_636 : vector<16xf32>
      %swap3A_638 = arith.index_cast %scan3A_42 : i32 to index
      %swap3A_639 = arith.constant 672 : index
      %swap3A_640 = tpu.vector_load %arg8[%swap3A_638, %swap3A_639] {strides = array<i32>} : memref<32x1024xf32, #tpu.memory_space<vmem>>, vector<1x16xf32>,
      %swap3A_641 = vector.shape_cast %swap3A_640 : vector<1x16xf32> to vector<16xf32>
      %swap3A_642 = vector.shape_cast %add3A_637 : vector<16xf32> to vector<1x16xf32>
      tpu.vector_store %arg8[%swap3A_638, %swap3A_639], %swap3A_642 {strides = array<i32>} : memref<32x1024xf32, #tpu.memory_space<vmem>>, vector<1x16xf32>,
      %get3A_643 = arith.index_cast %scan3A_42 : i32 to index
      %get3A_644 = arith.constant 688 : index
      %get3A_645 = tpu.vector_load %arg8[%get3A_643, %get3A_644] {strides = array<i32>} : memref<32x1024xf32, #tpu.memory_space<vmem>>, vector<1x16xf32>,
      %get3A_646 = vector.shape_cast %get3A_645 : vector<1x16xf32> to vector<16xf32>
      %get3A_647 = arith.index_cast %scan3A_42 : i32 to index
      %get3A_648 = arith.constant 688 : index
      %get3A_649 = tpu.vector_load %arg9[%get3A_647, %get3A_648] {strides = array<i32>} : memref<32x1024xf32, #tpu.memory_space<vmem>>, vector<1x16xf32>,
      %get3A_650 = vector.shape_cast %get3A_649 : vector<1x16xf32> to vector<16xf32>
      %add3A_651 = arith.addf %get3A_646, %get3A_650 : vector<16xf32>
      %swap3A_652 = arith.index_cast %scan3A_42 : i32 to index
      %swap3A_653 = arith.constant 688 : index
      %swap3A_654 = tpu.vector_load %arg8[%swap3A_652, %swap3A_653] {strides = array<i32>} : memref<32x1024xf32, #tpu.memory_space<vmem>>, vector<1x16xf32>,
      %swap3A_655 = vector.shape_cast %swap3A_654 : vector<1x16xf32> to vector<16xf32>
      %swap3A_656 = vector.shape_cast %add3A_651 : vector<16xf32> to vector<1x16xf32>
      tpu.vector_store %arg8[%swap3A_652, %swap3A_653], %swap3A_656 {strides = array<i32>} : memref<32x1024xf32, #tpu.memory_space<vmem>>, vector<1x16xf32>,
      %get3A_657 = arith.index_cast %scan3A_42 : i32 to index
      %get3A_658 = arith.constant 704 : index
      %get3A_659 = tpu.vector_load %arg8[%get3A_657, %get3A_658] {strides = array<i32>} : memref<32x1024xf32, #tpu.memory_space<vmem>>, vector<1x16xf32>,
      %get3A_660 = vector.shape_cast %get3A_659 : vector<1x16xf32> to vector<16xf32>
      %get3A_661 = arith.index_cast %scan3A_42 : i32 to index
      %get3A_662 = arith.constant 704 : index
      %get3A_663 = tpu.vector_load %arg9[%get3A_661, %get3A_662] {strides = array<i32>} : memref<32x1024xf32, #tpu.memory_space<vmem>>, vector<1x16xf32>,
      %get3A_664 = vector.shape_cast %get3A_663 : vector<1x16xf32> to vector<16xf32>
      %add3A_665 = arith.addf %get3A_660, %get3A_664 : vector<16xf32>
      %swap3A_666 = arith.index_cast %scan3A_42 : i32 to index
      %swap3A_667 = arith.constant 704 : index
      %swap3A_668 = tpu.vector_load %arg8[%swap3A_666, %swap3A_667] {strides = array<i32>} : memref<32x1024xf32, #tpu.memory_space<vmem>>, vector<1x16xf32>,
      %swap3A_669 = vector.shape_cast %swap3A_668 : vector<1x16xf32> to vector<16xf32>
      %swap3A_670 = vector.shape_cast %add3A_665 : vector<16xf32> to vector<1x16xf32>
      tpu.vector_store %arg8[%swap3A_666, %swap3A_667], %swap3A_670 {strides = array<i32>} : memref<32x1024xf32, #tpu.memory_space<vmem>>, vector<1x16xf32>,
      %get3A_671 = arith.index_cast %scan3A_42 : i32 to index
      %get3A_672 = arith.constant 720 : index
      %get3A_673 = tpu.vector_load %arg8[%get3A_671, %get3A_672] {strides = array<i32>} : memref<32x1024xf32, #tpu.memory_space<vmem>>, vector<1x16xf32>,
      %get3A_674 = vector.shape_cast %get3A_673 : vector<1x16xf32> to vector<16xf32>
      %get3A_675 = arith.index_cast %scan3A_42 : i32 to index
      %get3A_676 = arith.constant 720 : index
      %get3A_677 = tpu.vector_load %arg9[%get3A_675, %get3A_676] {strides = array<i32>} : memref<32x1024xf32, #tpu.memory_space<vmem>>, vector<1x16xf32>,
      %get3A_678 = vector.shape_cast %get3A_677 : vector<1x16xf32> to vector<16xf32>
      %add3A_679 = arith.addf %get3A_674, %get3A_678 : vector<16xf32>
      %swap3A_680 = arith.index_cast %scan3A_42 : i32 to index
      %swap3A_681 = arith.constant 720 : index
      %swap3A_682 = tpu.vector_load %arg8[%swap3A_680, %swap3A_681] {strides = array<i32>} : memref<32x1024xf32, #tpu.memory_space<vmem>>, vector<1x16xf32>,
      %swap3A_683 = vector.shape_cast %swap3A_682 : vector<1x16xf32> to vector<16xf32>
      %swap3A_684 = vector.shape_cast %add3A_679 : vector<16xf32> to vector<1x16xf32>
      tpu.vector_store %arg8[%swap3A_680, %swap3A_681], %swap3A_684 {strides = array<i32>} : memref<32x1024xf32, #tpu.memory_space<vmem>>, vector<1x16xf32>,
      %get3A_685 = arith.index_cast %scan3A_42 : i32 to index
      %get3A_686 = arith.constant 736 : index
      %get3A_687 = tpu.vector_load %arg8[%get3A_685, %get3A_686] {strides = array<i32>} : memref<32x1024xf32, #tpu.memory_space<vmem>>, vector<1x16xf32>,
      %get3A_688 = vector.shape_cast %get3A_687 : vector<1x16xf32> to vector<16xf32>
      %get3A_689 = arith.index_cast %scan3A_42 : i32 to index
      %get3A_690 = arith.constant 736 : index
      %get3A_691 = tpu.vector_load %arg9[%get3A_689, %get3A_690] {strides = array<i32>} : memref<32x1024xf32, #tpu.memory_space<vmem>>, vector<1x16xf32>,
      %get3A_692 = vector.shape_cast %get3A_691 : vector<1x16xf32> to vector<16xf32>
      %add3A_693 = arith.addf %get3A_688, %get3A_692 : vector<16xf32>
      %swap3A_694 = arith.index_cast %scan3A_42 : i32 to index
      %swap3A_695 = arith.constant 736 : index
      %swap3A_696 = tpu.vector_load %arg8[%swap3A_694, %swap3A_695] {strides = array<i32>} : memref<32x1024xf32, #tpu.memory_space<vmem>>, vector<1x16xf32>,
      %swap3A_697 = vector.shape_cast %swap3A_696 : vector<1x16xf32> to vector<16xf32>
      %swap3A_698 = vector.shape_cast %add3A_693 : vector<16xf32> to vector<1x16xf32>
      tpu.vector_store %arg8[%swap3A_694, %swap3A_695], %swap3A_698 {strides = array<i32>} : memref<32x1024xf32, #tpu.memory_space<vmem>>, vector<1x16xf32>,
      %get3A_699 = arith.index_cast %scan3A_42 : i32 to index
      %get3A_700 = arith.constant 752 : index
      %get3A_701 = tpu.vector_load %arg8[%get3A_699, %get3A_700] {strides = array<i32>} : memref<32x1024xf32, #tpu.memory_space<vmem>>, vector<1x16xf32>,
      %get3A_702 = vector.shape_cast %get3A_701 : vector<1x16xf32> to vector<16xf32>
      %get3A_703 = arith.index_cast %scan3A_42 : i32 to index
      %get3A_704 = arith.constant 752 : index
      %get3A_705 = tpu.vector_load %arg9[%get3A_703, %get3A_704] {strides = array<i32>} : memref<32x1024xf32, #tpu.memory_space<vmem>>, vector<1x16xf32>,
      %get3A_706 = vector.shape_cast %get3A_705 : vector<1x16xf32> to vector<16xf32>
      %add3A_707 = arith.addf %get3A_702, %get3A_706 : vector<16xf32>
      %swap3A_708 = arith.index_cast %scan3A_42 : i32 to index
      %swap3A_709 = arith.constant 752 : index
      %swap3A_710 = tpu.vector_load %arg8[%swap3A_708, %swap3A_709] {strides = array<i32>} : memref<32x1024xf32, #tpu.memory_space<vmem>>, vector<1x16xf32>,
      %swap3A_711 = vector.shape_cast %swap3A_710 : vector<1x16xf32> to vector<16xf32>
      %swap3A_712 = vector.shape_cast %add3A_707 : vector<16xf32> to vector<1x16xf32>
      tpu.vector_store %arg8[%swap3A_708, %swap3A_709], %swap3A_712 {strides = array<i32>} : memref<32x1024xf32, #tpu.memory_space<vmem>>, vector<1x16xf32>,
      %get3A_713 = arith.index_cast %scan3A_42 : i32 to index
      %get3A_714 = arith.constant 768 : index
      %get3A_715 = tpu.vector_load %arg8[%get3A_713, %get3A_714] {strides = array<i32>} : memref<32x1024xf32, #tpu.memory_space<vmem>>, vector<1x16xf32>,
      %get3A_716 = vector.shape_cast %get3A_715 : vector<1x16xf32> to vector<16xf32>
      %get3A_717 = arith.index_cast %scan3A_42 : i32 to index
      %get3A_718 = arith.constant 768 : index
      %get3A_719 = tpu.vector_load %arg9[%get3A_717, %get3A_718] {strides = array<i32>} : memref<32x1024xf32, #tpu.memory_space<vmem>>, vector<1x16xf32>,
      %get3A_720 = vector.shape_cast %get3A_719 : vector<1x16xf32> to vector<16xf32>
      %add3A_721 = arith.addf %get3A_716, %get3A_720 : vector<16xf32>
      %swap3A_722 = arith.index_cast %scan3A_42 : i32 to index
      %swap3A_723 = arith.constant 768 : index
      %swap3A_724 = tpu.vector_load %arg8[%swap3A_722, %swap3A_723] {strides = array<i32>} : memref<32x1024xf32, #tpu.memory_space<vmem>>, vector<1x16xf32>,
      %swap3A_725 = vector.shape_cast %swap3A_724 : vector<1x16xf32> to vector<16xf32>
      %swap3A_726 = vector.shape_cast %add3A_721 : vector<16xf32> to vector<1x16xf32>
      tpu.vector_store %arg8[%swap3A_722, %swap3A_723], %swap3A_726 {strides = array<i32>} : memref<32x1024xf32, #tpu.memory_space<vmem>>, vector<1x16xf32>,
      %get3A_727 = arith.index_cast %scan3A_42 : i32 to index
      %get3A_728 = arith.constant 784 : index
      %get3A_729 = tpu.vector_load %arg8[%get3A_727, %get3A_728] {strides = array<i32>} : memref<32x1024xf32, #tpu.memory_space<vmem>>, vector<1x16xf32>,
      %get3A_730 = vector.shape_cast %get3A_729 : vector<1x16xf32> to vector<16xf32>
      %get3A_731 = arith.index_cast %scan3A_42 : i32 to index
      %get3A_732 = arith.constant 784 : index
      %get3A_733 = tpu.vector_load %arg9[%get3A_731, %get3A_732] {strides = array<i32>} : memref<32x1024xf32, #tpu.memory_space<vmem>>, vector<1x16xf32>,
      %get3A_734 = vector.shape_cast %get3A_733 : vector<1x16xf32> to vector<16xf32>
      %add3A_735 = arith.addf %get3A_730, %get3A_734 : vector<16xf32>
      %swap3A_736 = arith.index_cast %scan3A_42 : i32 to index
      %swap3A_737 = arith.constant 784 : index
      %swap3A_738 = tpu.vector_load %arg8[%swap3A_736, %swap3A_737] {strides = array<i32>} : memref<32x1024xf32, #tpu.memory_space<vmem>>, vector<1x16xf32>,
      %swap3A_739 = vector.shape_cast %swap3A_738 : vector<1x16xf32> to vector<16xf32>
      %swap3A_740 = vector.shape_cast %add3A_735 : vector<16xf32> to vector<1x16xf32>
      tpu.vector_store %arg8[%swap3A_736, %swap3A_737], %swap3A_740 {strides = array<i32>} : memref<32x1024xf32, #tpu.memory_space<vmem>>, vector<1x16xf32>,
      %get3A_741 = arith.index_cast %scan3A_42 : i32 to index
      %get3A_742 = arith.constant 800 : index
      %get3A_743 = tpu.vector_load %arg8[%get3A_741, %get3A_742] {strides = array<i32>} : memref<32x1024xf32, #tpu.memory_space<vmem>>, vector<1x16xf32>,
      %get3A_744 = vector.shape_cast %get3A_743 : vector<1x16xf32> to vector<16xf32>
      %get3A_745 = arith.index_cast %scan3A_42 : i32 to index
      %get3A_746 = arith.constant 800 : index
      %get3A_747 = tpu.vector_load %arg9[%get3A_745, %get3A_746] {strides = array<i32>} : memref<32x1024xf32, #tpu.memory_space<vmem>>, vector<1x16xf32>,
      %get3A_748 = vector.shape_cast %get3A_747 : vector<1x16xf32> to vector<16xf32>
      %add3A_749 = arith.addf %get3A_744, %get3A_748 : vector<16xf32>
      %swap3A_750 = arith.index_cast %scan3A_42 : i32 to index
      %swap3A_751 = arith.constant 800 : index
      %swap3A_752 = tpu.vector_load %arg8[%swap3A_750, %swap3A_751] {strides = array<i32>} : memref<32x1024xf32, #tpu.memory_space<vmem>>, vector<1x16xf32>,
      %swap3A_753 = vector.shape_cast %swap3A_752 : vector<1x16xf32> to vector<16xf32>
      %swap3A_754 = vector.shape_cast %add3A_749 : vector<16xf32> to vector<1x16xf32>
      tpu.vector_store %arg8[%swap3A_750, %swap3A_751], %swap3A_754 {strides = array<i32>} : memref<32x1024xf32, #tpu.memory_space<vmem>>, vector<1x16xf32>,
      %get3A_755 = arith.index_cast %scan3A_42 : i32 to index
      %get3A_756 = arith.constant 816 : index
      %get3A_757 = tpu.vector_load %arg8[%get3A_755, %get3A_756] {strides = array<i32>} : memref<32x1024xf32, #tpu.memory_space<vmem>>, vector<1x16xf32>,
      %get3A_758 = vector.shape_cast %get3A_757 : vector<1x16xf32> to vector<16xf32>
      %get3A_759 = arith.index_cast %scan3A_42 : i32 to index
      %get3A_760 = arith.constant 816 : index
      %get3A_761 = tpu.vector_load %arg9[%get3A_759, %get3A_760] {strides = array<i32>} : memref<32x1024xf32, #tpu.memory_space<vmem>>, vector<1x16xf32>,
      %get3A_762 = vector.shape_cast %get3A_761 : vector<1x16xf32> to vector<16xf32>
      %add3A_763 = arith.addf %get3A_758, %get3A_762 : vector<16xf32>
      %swap3A_764 = arith.index_cast %scan3A_42 : i32 to index
      %swap3A_765 = arith.constant 816 : index
      %swap3A_766 = tpu.vector_load %arg8[%swap3A_764, %swap3A_765] {strides = array<i32>} : memref<32x1024xf32, #tpu.memory_space<vmem>>, vector<1x16xf32>,
      %swap3A_767 = vector.shape_cast %swap3A_766 : vector<1x16xf32> to vector<16xf32>
      %swap3A_768 = vector.shape_cast %add3A_763 : vector<16xf32> to vector<1x16xf32>
      tpu.vector_store %arg8[%swap3A_764, %swap3A_765], %swap3A_768 {strides = array<i32>} : memref<32x1024xf32, #tpu.memory_space<vmem>>, vector<1x16xf32>,
      %get3A_769 = arith.index_cast %scan3A_42 : i32 to index
      %get3A_770 = arith.constant 832 : index
      %get3A_771 = tpu.vector_load %arg8[%get3A_769, %get3A_770] {strides = array<i32>} : memref<32x1024xf32, #tpu.memory_space<vmem>>, vector<1x16xf32>,
      %get3A_772 = vector.shape_cast %get3A_771 : vector<1x16xf32> to vector<16xf32>
      %get3A_773 = arith.index_cast %scan3A_42 : i32 to index
      %get3A_774 = arith.constant 832 : index
      %get3A_775 = tpu.vector_load %arg9[%get3A_773, %get3A_774] {strides = array<i32>} : memref<32x1024xf32, #tpu.memory_space<vmem>>, vector<1x16xf32>,
      %get3A_776 = vector.shape_cast %get3A_775 : vector<1x16xf32> to vector<16xf32>
      %add3A_777 = arith.addf %get3A_772, %get3A_776 : vector<16xf32>
      %swap3A_778 = arith.index_cast %scan3A_42 : i32 to index
      %swap3A_779 = arith.constant 832 : index
      %swap3A_780 = tpu.vector_load %arg8[%swap3A_778, %swap3A_779] {strides = array<i32>} : memref<32x1024xf32, #tpu.memory_space<vmem>>, vector<1x16xf32>,
      %swap3A_781 = vector.shape_cast %swap3A_780 : vector<1x16xf32> to vector<16xf32>
      %swap3A_782 = vector.shape_cast %add3A_777 : vector<16xf32> to vector<1x16xf32>
      tpu.vector_store %arg8[%swap3A_778, %swap3A_779], %swap3A_782 {strides = array<i32>} : memref<32x1024xf32, #tpu.memory_space<vmem>>, vector<1x16xf32>,
      %get3A_783 = arith.index_cast %scan3A_42 : i32 to index
      %get3A_784 = arith.constant 848 : index
      %get3A_785 = tpu.vector_load %arg8[%get3A_783, %get3A_784] {strides = array<i32>} : memref<32x1024xf32, #tpu.memory_space<vmem>>, vector<1x16xf32>,
      %get3A_786 = vector.shape_cast %get3A_785 : vector<1x16xf32> to vector<16xf32>
      %get3A_787 = arith.index_cast %scan3A_42 : i32 to index
      %get3A_788 = arith.constant 848 : index
      %get3A_789 = tpu.vector_load %arg9[%get3A_787, %get3A_788] {strides = array<i32>} : memref<32x1024xf32, #tpu.memory_space<vmem>>, vector<1x16xf32>,
      %get3A_790 = vector.shape_cast %get3A_789 : vector<1x16xf32> to vector<16xf32>
      %add3A_791 = arith.addf %get3A_786, %get3A_790 : vector<16xf32>
      %swap3A_792 = arith.index_cast %scan3A_42 : i32 to index
      %swap3A_793 = arith.constant 848 : index
      %swap3A_794 = tpu.vector_load %arg8[%swap3A_792, %swap3A_793] {strides = array<i32>} : memref<32x1024xf32, #tpu.memory_space<vmem>>, vector<1x16xf32>,
      %swap3A_795 = vector.shape_cast %swap3A_794 : vector<1x16xf32> to vector<16xf32>
      %swap3A_796 = vector.shape_cast %add3A_791 : vector<16xf32> to vector<1x16xf32>
      tpu.vector_store %arg8[%swap3A_792, %swap3A_793], %swap3A_796 {strides = array<i32>} : memref<32x1024xf32, #tpu.memory_space<vmem>>, vector<1x16xf32>,
      %get3A_797 = arith.index_cast %scan3A_42 : i32 to index
      %get3A_798 = arith.constant 864 : index
      %get3A_799 = tpu.vector_load %arg8[%get3A_797, %get3A_798] {strides = array<i32>} : memref<32x1024xf32, #tpu.memory_space<vmem>>, vector<1x16xf32>,
      %get3A_800 = vector.shape_cast %get3A_799 : vector<1x16xf32> to vector<16xf32>
      %get3A_801 = arith.index_cast %scan3A_42 : i32 to index
      %get3A_802 = arith.constant 864 : index
      %get3A_803 = tpu.vector_load %arg9[%get3A_801, %get3A_802] {strides = array<i32>} : memref<32x1024xf32, #tpu.memory_space<vmem>>, vector<1x16xf32>,
      %get3A_804 = vector.shape_cast %get3A_803 : vector<1x16xf32> to vector<16xf32>
      %add3A_805 = arith.addf %get3A_800, %get3A_804 : vector<16xf32>
      %swap3A_806 = arith.index_cast %scan3A_42 : i32 to index
      %swap3A_807 = arith.constant 864 : index
      %swap3A_808 = tpu.vector_load %arg8[%swap3A_806, %swap3A_807] {strides = array<i32>} : memref<32x1024xf32, #tpu.memory_space<vmem>>, vector<1x16xf32>,
      %swap3A_809 = vector.shape_cast %swap3A_808 : vector<1x16xf32> to vector<16xf32>
      %swap3A_810 = vector.shape_cast %add3A_805 : vector<16xf32> to vector<1x16xf32>
      tpu.vector_store %arg8[%swap3A_806, %swap3A_807], %swap3A_810 {strides = array<i32>} : memref<32x1024xf32, #tpu.memory_space<vmem>>, vector<1x16xf32>,
      %get3A_811 = arith.index_cast %scan3A_42 : i32 to index
      %get3A_812 = arith.constant 880 : index
      %get3A_813 = tpu.vector_load %arg8[%get3A_811, %get3A_812] {strides = array<i32>} : memref<32x1024xf32, #tpu.memory_space<vmem>>, vector<1x16xf32>,
      %get3A_814 = vector.shape_cast %get3A_813 : vector<1x16xf32> to vector<16xf32>
      %get3A_815 = arith.index_cast %scan3A_42 : i32 to index
      %get3A_816 = arith.constant 880 : index
      %get3A_817 = tpu.vector_load %arg9[%get3A_815, %get3A_816] {strides = array<i32>} : memref<32x1024xf32, #tpu.memory_space<vmem>>, vector<1x16xf32>,
      %get3A_818 = vector.shape_cast %get3A_817 : vector<1x16xf32> to vector<16xf32>
      %add3A_819 = arith.addf %get3A_814, %get3A_818 : vector<16xf32>
      %swap3A_820 = arith.index_cast %scan3A_42 : i32 to index
      %swap3A_821 = arith.constant 880 : index
      %swap3A_822 = tpu.vector_load %arg8[%swap3A_820, %swap3A_821] {strides = array<i32>} : memref<32x1024xf32, #tpu.memory_space<vmem>>, vector<1x16xf32>,
      %swap3A_823 = vector.shape_cast %swap3A_822 : vector<1x16xf32> to vector<16xf32>
      %swap3A_824 = vector.shape_cast %add3A_819 : vector<16xf32> to vector<1x16xf32>
      tpu.vector_store %arg8[%swap3A_820, %swap3A_821], %swap3A_824 {strides = array<i32>} : memref<32x1024xf32, #tpu.memory_space<vmem>>, vector<1x16xf32>,
      %get3A_825 = arith.index_cast %scan3A_42 : i32 to index
      %get3A_826 = arith.constant 896 : index
      %get3A_827 = tpu.vector_load %arg8[%get3A_825, %get3A_826] {strides = array<i32>} : memref<32x1024xf32, #tpu.memory_space<vmem>>, vector<1x16xf32>,
      %get3A_828 = vector.shape_cast %get3A_827 : vector<1x16xf32> to vector<16xf32>
      %get3A_829 = arith.index_cast %scan3A_42 : i32 to index
      %get3A_830 = arith.constant 896 : index
      %get3A_831 = tpu.vector_load %arg9[%get3A_829, %get3A_830] {strides = array<i32>} : memref<32x1024xf32, #tpu.memory_space<vmem>>, vector<1x16xf32>,
      %get3A_832 = vector.shape_cast %get3A_831 : vector<1x16xf32> to vector<16xf32>
      %add3A_833 = arith.addf %get3A_828, %get3A_832 : vector<16xf32>
      %swap3A_834 = arith.index_cast %scan3A_42 : i32 to index
      %swap3A_835 = arith.constant 896 : index
      %swap3A_836 = tpu.vector_load %arg8[%swap3A_834, %swap3A_835] {strides = array<i32>} : memref<32x1024xf32, #tpu.memory_space<vmem>>, vector<1x16xf32>,
      %swap3A_837 = vector.shape_cast %swap3A_836 : vector<1x16xf32> to vector<16xf32>
      %swap3A_838 = vector.shape_cast %add3A_833 : vector<16xf32> to vector<1x16xf32>
      tpu.vector_store %arg8[%swap3A_834, %swap3A_835], %swap3A_838 {strides = array<i32>} : memref<32x1024xf32, #tpu.memory_space<vmem>>, vector<1x16xf32>,
      %get3A_839 = arith.index_cast %scan3A_42 : i32 to index
      %get3A_840 = arith.constant 912 : index
      %get3A_841 = tpu.vector_load %arg8[%get3A_839, %get3A_840] {strides = array<i32>} : memref<32x1024xf32, #tpu.memory_space<vmem>>, vector<1x16xf32>,
      %get3A_842 = vector.shape_cast %get3A_841 : vector<1x16xf32> to vector<16xf32>
      %get3A_843 = arith.index_cast %scan3A_42 : i32 to index
      %get3A_844 = arith.constant 912 : index
      %get3A_845 = tpu.vector_load %arg9[%get3A_843, %get3A_844] {strides = array<i32>} : memref<32x1024xf32, #tpu.memory_space<vmem>>, vector<1x16xf32>,
      %get3A_846 = vector.shape_cast %get3A_845 : vector<1x16xf32> to vector<16xf32>
      %add3A_847 = arith.addf %get3A_842, %get3A_846 : vector<16xf32>
      %swap3A_848 = arith.index_cast %scan3A_42 : i32 to index
      %swap3A_849 = arith.constant 912 : index
      %swap3A_850 = tpu.vector_load %arg8[%swap3A_848, %swap3A_849] {strides = array<i32>} : memref<32x1024xf32, #tpu.memory_space<vmem>>, vector<1x16xf32>,
      %swap3A_851 = vector.shape_cast %swap3A_850 : vector<1x16xf32> to vector<16xf32>
      %swap3A_852 = vector.shape_cast %add3A_847 : vector<16xf32> to vector<1x16xf32>
      tpu.vector_store %arg8[%swap3A_848, %swap3A_849], %swap3A_852 {strides = array<i32>} : memref<32x1024xf32, #tpu.memory_space<vmem>>, vector<1x16xf32>,
      %get3A_853 = arith.index_cast %scan3A_42 : i32 to index
      %get3A_854 = arith.constant 928 : index
      %get3A_855 = tpu.vector_load %arg8[%get3A_853, %get3A_854] {strides = array<i32>} : memref<32x1024xf32, #tpu.memory_space<vmem>>, vector<1x16xf32>,
      %get3A_856 = vector.shape_cast %get3A_855 : vector<1x16xf32> to vector<16xf32>
      %get3A_857 = arith.index_cast %scan3A_42 : i32 to index
      %get3A_858 = arith.constant 928 : index
      %get3A_859 = tpu.vector_load %arg9[%get3A_857, %get3A_858] {strides = array<i32>} : memref<32x1024xf32, #tpu.memory_space<vmem>>, vector<1x16xf32>,
      %get3A_860 = vector.shape_cast %get3A_859 : vector<1x16xf32> to vector<16xf32>
      %add3A_861 = arith.addf %get3A_856, %get3A_860 : vector<16xf32>
      %swap3A_862 = arith.index_cast %scan3A_42 : i32 to index
      %swap3A_863 = arith.constant 928 : index
      %swap3A_864 = tpu.vector_load %arg8[%swap3A_862, %swap3A_863] {strides = array<i32>} : memref<32x1024xf32, #tpu.memory_space<vmem>>, vector<1x16xf32>,
      %swap3A_865 = vector.shape_cast %swap3A_864 : vector<1x16xf32> to vector<16xf32>
      %swap3A_866 = vector.shape_cast %add3A_861 : vector<16xf32> to vector<1x16xf32>
      tpu.vector_store %arg8[%swap3A_862, %swap3A_863], %swap3A_866 {strides = array<i32>} : memref<32x1024xf32, #tpu.memory_space<vmem>>, vector<1x16xf32>,
      %get3A_867 = arith.index_cast %scan3A_42 : i32 to index
      %get3A_868 = arith.constant 944 : index
      %get3A_869 = tpu.vector_load %arg8[%get3A_867, %get3A_868] {strides = array<i32>} : memref<32x1024xf32, #tpu.memory_space<vmem>>, vector<1x16xf32>,
      %get3A_870 = vector.shape_cast %get3A_869 : vector<1x16xf32> to vector<16xf32>
      %get3A_871 = arith.index_cast %scan3A_42 : i32 to index
      %get3A_872 = arith.constant 944 : index
      %get3A_873 = tpu.vector_load %arg9[%get3A_871, %get3A_872] {strides = array<i32>} : memref<32x1024xf32, #tpu.memory_space<vmem>>, vector<1x16xf32>,
      %get3A_874 = vector.shape_cast %get3A_873 : vector<1x16xf32> to vector<16xf32>
      %add3A_875 = arith.addf %get3A_870, %get3A_874 : vector<16xf32>
      %swap3A_876 = arith.index_cast %scan3A_42 : i32 to index
      %swap3A_877 = arith.constant 944 : index
      %swap3A_878 = tpu.vector_load %arg8[%swap3A_876, %swap3A_877] {strides = array<i32>} : memref<32x1024xf32, #tpu.memory_space<vmem>>, vector<1x16xf32>,
      %swap3A_879 = vector.shape_cast %swap3A_878 : vector<1x16xf32> to vector<16xf32>
      %swap3A_880 = vector.shape_cast %add3A_875 : vector<16xf32> to vector<1x16xf32>
      tpu.vector_store %arg8[%swap3A_876, %swap3A_877], %swap3A_880 {strides = array<i32>} : memref<32x1024xf32, #tpu.memory_space<vmem>>, vector<1x16xf32>,
      %get3A_881 = arith.index_cast %scan3A_42 : i32 to index
      %get3A_882 = arith.constant 960 : index
      %get3A_883 = tpu.vector_load %arg8[%get3A_881, %get3A_882] {strides = array<i32>} : memref<32x1024xf32, #tpu.memory_space<vmem>>, vector<1x16xf32>,
      %get3A_884 = vector.shape_cast %get3A_883 : vector<1x16xf32> to vector<16xf32>
      %get3A_885 = arith.index_cast %scan3A_42 : i32 to index
      %get3A_886 = arith.constant 960 : index
      %get3A_887 = tpu.vector_load %arg9[%get3A_885, %get3A_886] {strides = array<i32>} : memref<32x1024xf32, #tpu.memory_space<vmem>>, vector<1x16xf32>,
      %get3A_888 = vector.shape_cast %get3A_887 : vector<1x16xf32> to vector<16xf32>
      %add3A_889 = arith.addf %get3A_884, %get3A_888 : vector<16xf32>
      %swap3A_890 = arith.index_cast %scan3A_42 : i32 to index
      %swap3A_891 = arith.constant 960 : index
      %swap3A_892 = tpu.vector_load %arg8[%swap3A_890, %swap3A_891] {strides = array<i32>} : memref<32x1024xf32, #tpu.memory_space<vmem>>, vector<1x16xf32>,
      %swap3A_893 = vector.shape_cast %swap3A_892 : vector<1x16xf32> to vector<16xf32>
      %swap3A_894 = vector.shape_cast %add3A_889 : vector<16xf32> to vector<1x16xf32>
      tpu.vector_store %arg8[%swap3A_890, %swap3A_891], %swap3A_894 {strides = array<i32>} : memref<32x1024xf32, #tpu.memory_space<vmem>>, vector<1x16xf32>,
      %get3A_895 = arith.index_cast %scan3A_42 : i32 to index
      %get3A_896 = arith.constant 976 : index
      %get3A_897 = tpu.vector_load %arg8[%get3A_895, %get3A_896] {strides = array<i32>} : memref<32x1024xf32, #tpu.memory_space<vmem>>, vector<1x16xf32>,
      %get3A_898 = vector.shape_cast %get3A_897 : vector<1x16xf32> to vector<16xf32>
      %get3A_899 = arith.index_cast %scan3A_42 : i32 to index
      %get3A_900 = arith.constant 976 : index
      %get3A_901 = tpu.vector_load %arg9[%get3A_899, %get3A_900] {strides = array<i32>} : memref<32x1024xf32, #tpu.memory_space<vmem>>, vector<1x16xf32>,
      %get3A_902 = vector.shape_cast %get3A_901 : vector<1x16xf32> to vector<16xf32>
      %add3A_903 = arith.addf %get3A_898, %get3A_902 : vector<16xf32>
      %swap3A_904 = arith.index_cast %scan3A_42 : i32 to index
      %swap3A_905 = arith.constant 976 : index
      %swap3A_906 = tpu.vector_load %arg8[%swap3A_904, %swap3A_905] {strides = array<i32>} : memref<32x1024xf32, #tpu.memory_space<vmem>>, vector<1x16xf32>,
      %swap3A_907 = vector.shape_cast %swap3A_906 : vector<1x16xf32> to vector<16xf32>
      %swap3A_908 = vector.shape_cast %add3A_903 : vector<16xf32> to vector<1x16xf32>
      tpu.vector_store %arg8[%swap3A_904, %swap3A_905], %swap3A_908 {strides = array<i32>} : memref<32x1024xf32, #tpu.memory_space<vmem>>, vector<1x16xf32>,
      %get3A_909 = arith.index_cast %scan3A_42 : i32 to index
      %get3A_910 = arith.constant 992 : index
      %get3A_911 = tpu.vector_load %arg8[%get3A_909, %get3A_910] {strides = array<i32>} : memref<32x1024xf32, #tpu.memory_space<vmem>>, vector<1x16xf32>,
      %get3A_912 = vector.shape_cast %get3A_911 : vector<1x16xf32> to vector<16xf32>
      %get3A_913 = arith.index_cast %scan3A_42 : i32 to index
      %get3A_914 = arith.constant 992 : index
      %get3A_915 = tpu.vector_load %arg9[%get3A_913, %get3A_914] {strides = array<i32>} : memref<32x1024xf32, #tpu.memory_space<vmem>>, vector<1x16xf32>,
      %get3A_916 = vector.shape_cast %get3A_915 : vector<1x16xf32> to vector<16xf32>
      %add3A_917 = arith.addf %get3A_912, %get3A_916 : vector<16xf32>
      %swap3A_918 = arith.index_cast %scan3A_42 : i32 to index
      %swap3A_919 = arith.constant 992 : index
      %swap3A_920 = tpu.vector_load %arg8[%swap3A_918, %swap3A_919] {strides = array<i32>} : memref<32x1024xf32, #tpu.memory_space<vmem>>, vector<1x16xf32>,
      %swap3A_921 = vector.shape_cast %swap3A_920 : vector<1x16xf32> to vector<16xf32>
      %swap3A_922 = vector.shape_cast %add3A_917 : vector<16xf32> to vector<1x16xf32>
      tpu.vector_store %arg8[%swap3A_918, %swap3A_919], %swap3A_922 {strides = array<i32>} : memref<32x1024xf32, #tpu.memory_space<vmem>>, vector<1x16xf32>,
      %get3A_923 = arith.index_cast %scan3A_42 : i32 to index
      %get3A_924 = arith.constant 1008 : index
      %get3A_925 = tpu.vector_load %arg8[%get3A_923, %get3A_924] {strides = array<i32>} : memref<32x1024xf32, #tpu.memory_space<vmem>>, vector<1x16xf32>,
      %get3A_926 = vector.shape_cast %get3A_925 : vector<1x16xf32> to vector<16xf32>
      %get3A_927 = arith.index_cast %scan3A_42 : i32 to index
      %get3A_928 = arith.constant 1008 : index
      %get3A_929 = tpu.vector_load %arg9[%get3A_927, %get3A_928] {strides = array<i32>} : memref<32x1024xf32, #tpu.memory_space<vmem>>, vector<1x16xf32>,
      %get3A_930 = vector.shape_cast %get3A_929 : vector<1x16xf32> to vector<16xf32>
      %add3A_931 = arith.addf %get3A_926, %get3A_930 : vector<16xf32>
      %swap3A_932 = arith.index_cast %scan3A_42 : i32 to index
      %swap3A_933 = arith.constant 1008 : index
      %swap3A_934 = tpu.vector_load %arg8[%swap3A_932, %swap3A_933] {strides = array<i32>} : memref<32x1024xf32, #tpu.memory_space<vmem>>, vector<1x16xf32>,
      %swap3A_935 = vector.shape_cast %swap3A_934 : vector<1x16xf32> to vector<16xf32>
      %swap3A_936 = vector.shape_cast %add3A_931 : vector<16xf32> to vector<1x16xf32>
      tpu.vector_store %arg8[%swap3A_932, %swap3A_933], %swap3A_936 {strides = array<i32>} : memref<32x1024xf32, #tpu.memory_space<vmem>>, vector<1x16xf32>,
    }
    %scan3A_19 = arith.constant 32 : i32
    "tpu.region"() ({
      %run_scoped3A = tpu.sem_alloc : memref<!tpu.dma_semaphore, #tpu.memory_space<semaphore_mem>>
      %dma_start3A_42 = arith.constant 0 : i32
      %dma_start3A_43 = tpu.memref_slice %arg5[%add3A_4, %dma_start3A_42] : memref<2048x1024xf32, #tpu.memory_space<hbm>> -> memref<32x1024xf32, #tpu.memory_space<hbm>>
      %dma_start3A_44 = arith.constant 0 : i32
      %dma_start3A_45 = tpu.memref_slice %arg5[%add3A_4, %dma_start3A_44] : memref<2048x1024xf32, #tpu.memory_space<hbm>> -> memref<32x1024xf32, #tpu.memory_space<hbm>>
      tpu.enqueue_dma source(%arg8 : memref<32x1024xf32, #tpu.memory_space<vmem>>) target(%dma_start3A_45 : memref<32x1024xf32, #tpu.memory_space<hbm>>) target_semaphore(%run_scoped3A : memref<!tpu.dma_semaphore, #tpu.memory_space<semaphore_mem>>)
      %dma_wait3A_46 = arith.constant 0 : i32
      %dma_wait3A_47 = tpu.memref_slice %arg5[%add3A_4, %dma_wait3A_46] : memref<2048x1024xf32, #tpu.memory_space<hbm>> -> memref<32x1024xf32, #tpu.memory_space<hbm>>
      %dma_wait3A_48 = arith.constant 0 : i32
      %dma_wait3A_49 = tpu.memref_slice %arg5[%add3A_4, %dma_wait3A_48] : memref<2048x1024xf32, #tpu.memory_space<hbm>> -> memref<32x1024xf32, #tpu.memory_space<hbm>>
      tpu.wait_dma2 semaphore(%run_scoped3A : memref<!tpu.dma_semaphore, #tpu.memory_space<semaphore_mem>>) src(%arg8 : memref<32x1024xf32, #tpu.memory_space<vmem>>) dst(%dma_wait3A_49 : memref<32x1024xf32, #tpu.memory_space<hbm>>)
      tpu.yield
    }) : () -> ()
    %mul3A_20 = arith.constant 64 : i32
    %mul3A_21 = arith.muli %add3A, %mul3A_20 : i32
    %add3A_22 = arith.constant 32 : i32
    %add3A_23 = arith.addi %mul3A_21, %add3A_22 : i32
    "tpu.region"() ({
      %run_scoped3A = tpu.sem_alloc : memref<!tpu.dma_semaphore, #tpu.memory_space<semaphore_mem>>
      %dma_start3A_42 = tpu.memref_slice %arg3[%add3A_23] : memref<2048xi32, #tpu.memory_space<hbm>> -> memref<32xi32, #tpu.memory_space<hbm>>
      %dma_start3A_43 = tpu.memref_slice %arg3[%add3A_23] : memref<2048xi32, #tpu.memory_space<hbm>> -> memref<32xi32, #tpu.memory_space<hbm>>
      tpu.enqueue_dma source(%dma_start3A_43 : memref<32xi32, #tpu.memory_space<hbm>>) target(%arg6 : memref<32xi32, #tpu.memory_space<vmem>>) target_semaphore(%run_scoped3A : memref<!tpu.dma_semaphore, #tpu.memory_space<semaphore_mem>>)
      %dma_wait3A_44 = tpu.memref_slice %arg3[%add3A_23] : memref<2048xi32, #tpu.memory_space<hbm>> -> memref<32xi32, #tpu.memory_space<hbm>>
      %dma_wait3A_45 = tpu.memref_slice %arg3[%add3A_23] : memref<2048xi32, #tpu.memory_space<hbm>> -> memref<32xi32, #tpu.memory_space<hbm>>
      tpu.wait_dma2 semaphore(%run_scoped3A : memref<!tpu.dma_semaphore, #tpu.memory_space<semaphore_mem>>) src(%dma_wait3A_45 : memref<32xi32, #tpu.memory_space<hbm>>) dst(%arg6 : memref<32xi32, #tpu.memory_space<vmem>>)
      tpu.yield
    }) : () -> ()
    "tpu.region"() ({
      %run_scoped3A = tpu.sem_alloc : memref<!tpu.dma_semaphore, #tpu.memory_space<semaphore_mem>>
      %dma_start3A_42 = tpu.memref_slice %arg4[%add3A_23] : memref<2048xi32, #tpu.memory_space<hbm>> -> memref<32xi32, #tpu.memory_space<hbm>>
      %dma_start3A_43 = tpu.memref_slice %arg4[%add3A_23] : memref<2048xi32, #tpu.memory_space<hbm>> -> memref<32xi32, #tpu.memory_space<hbm>>
      tpu.enqueue_dma source(%dma_start3A_43 : memref<32xi32, #tpu.memory_space<hbm>>) target(%arg7 : memref<32xi32, #tpu.memory_space<vmem>>) target_semaphore(%run_scoped3A : memref<!tpu.dma_semaphore, #tpu.memory_space<semaphore_mem>>)
      %dma_wait3A_44 = tpu.memref_slice %arg4[%add3A_23] : memref<2048xi32, #tpu.memory_space<hbm>> -> memref<32xi32, #tpu.memory_space<hbm>>
      %dma_wait3A_45 = tpu.memref_slice %arg4[%add3A_23] : memref<2048xi32, #tpu.memory_space<hbm>> -> memref<32xi32, #tpu.memory_space<hbm>>
      tpu.wait_dma2 semaphore(%run_scoped3A : memref<!tpu.dma_semaphore, #tpu.memory_space<semaphore_mem>>) src(%dma_wait3A_45 : memref<32xi32, #tpu.memory_space<hbm>>) dst(%arg7 : memref<32xi32, #tpu.memory_space<vmem>>)
      tpu.yield
    }) : () -> ()
    %dma_start3A_24 = arith.constant 0 : i32
    %dma_start3A_25 = arith.constant 0 : i32
    %dma_start3A_26 = tpu.memref_slice %arg2[%dma_start3A_24, %dma_start3A_25] : memref<8192x1024xf32, #tpu.memory_space<hbm>> -> memref<8192x1024xf32, #tpu.memory_space<hbm>>
    tpu.enqueue_indirect_dma source(%dma_start3A_26 : memref<8192x1024xf32, #tpu.memory_space<hbm>>) target(%arg8 : memref<32x1024xf32, #tpu.memory_space<vmem>>) offsets(%arg6 : memref<32xi32, #tpu.memory_space<vmem>>) semaphore(%arg10 : memref<!tpu.dma_semaphore, #tpu.memory_space<semaphore_mem>>)
    %dma_start3A_27 = arith.constant 0 : i32
    %dma_start3A_28 = arith.constant 0 : i32
    %dma_start3A_29 = tpu.memref_slice %arg2[%dma_start3A_27, %dma_start3A_28] : memref<8192x1024xf32, #tpu.memory_space<hbm>> -> memref<8192x1024xf32, #tpu.memory_space<hbm>>
    tpu.enqueue_indirect_dma source(%dma_start3A_29 : memref<8192x1024xf32, #tpu.memory_space<hbm>>) target(%arg9 : memref<32x1024xf32, #tpu.memory_space<vmem>>) offsets(%arg7 : memref<32xi32, #tpu.memory_space<vmem>>) semaphore(%arg11 : memref<!tpu.dma_semaphore, #tpu.memory_space<semaphore_mem>>)
    %dma_wait3A_30 = arith.constant 0 : i32
    %dma_wait3A_31 = arith.constant 0 : i32
    %dma_wait3A_32 = tpu.memref_slice %arg2[%dma_wait3A_30, %dma_wait3A_31] : memref<8192x1024xf32, #tpu.memory_space<hbm>> -> memref<8192x1024xf32, #tpu.memory_space<hbm>>
    tpu.wait_indirect_dma semaphore(%arg10 : memref<!tpu.dma_semaphore, #tpu.memory_space<semaphore_mem>>) src(%dma_wait3A_32 : memref<8192x1024xf32, #tpu.memory_space<hbm>>) dst(%arg8 : memref<32x1024xf32, #tpu.memory_space<vmem>>)
    %dma_wait3A_33 = arith.constant 0 : i32
    %dma_wait3A_34 = arith.constant 0 : i32
    %dma_wait3A_35 = tpu.memref_slice %arg2[%dma_wait3A_33, %dma_wait3A_34] : memref<8192x1024xf32, #tpu.memory_space<hbm>> -> memref<8192x1024xf32, #tpu.memory_space<hbm>>
    tpu.wait_indirect_dma semaphore(%arg11 : memref<!tpu.dma_semaphore, #tpu.memory_space<semaphore_mem>>) src(%dma_wait3A_35 : memref<8192x1024xf32, #tpu.memory_space<hbm>>) dst(%arg9 : memref<32x1024xf32, #tpu.memory_space<vmem>>)
    %scan3A_36 = arith.constant 0 : i32
    %scan3A_37 = arith.constant 0 : i32
    %scan3A_38 = arith.constant 32 : i32
    %scan3A_39 = arith.addi %scan3A_37, %scan3A_38 : i32
    %scan3A_40 = arith.constant 1 : i32
    scf.for %scan3A_42 = %scan3A_37 to %scan3A_39 step %scan3A_40  : i32 {
      %get3A = arith.index_cast %scan3A_42 : i32 to index
      %get3A_43 = arith.constant 0 : index
      %get3A_44 = tpu.vector_load %arg8[%get3A, %get3A_43] {strides = array<i32>} : memref<32x1024xf32, #tpu.memory_space<vmem>>, vector<1x16xf32>,
      %get3A_45 = vector.shape_cast %get3A_44 : vector<1x16xf32> to vector<16xf32>
      %get3A_46 = arith.index_cast %scan3A_42 : i32 to index
      %get3A_47 = arith.constant 0 : index
      %get3A_48 = tpu.vector_load %arg9[%get3A_46, %get3A_47] {strides = array<i32>} : memref<32x1024xf32, #tpu.memory_space<vmem>>, vector<1x16xf32>,
      %get3A_49 = vector.shape_cast %get3A_48 : vector<1x16xf32> to vector<16xf32>
      %add3A_50 = arith.addf %get3A_45, %get3A_49 : vector<16xf32>
      %swap3A = arith.index_cast %scan3A_42 : i32 to index
      %swap3A_51 = arith.constant 0 : index
      %swap3A_52 = tpu.vector_load %arg8[%swap3A, %swap3A_51] {strides = array<i32>} : memref<32x1024xf32, #tpu.memory_space<vmem>>, vector<1x16xf32>,
      %swap3A_53 = vector.shape_cast %swap3A_52 : vector<1x16xf32> to vector<16xf32>
      %swap3A_54 = vector.shape_cast %add3A_50 : vector<16xf32> to vector<1x16xf32>
      tpu.vector_store %arg8[%swap3A, %swap3A_51], %swap3A_54 {strides = array<i32>} : memref<32x1024xf32, #tpu.memory_space<vmem>>, vector<1x16xf32>,
      %get3A_55 = arith.index_cast %scan3A_42 : i32 to index
      %get3A_56 = arith.constant 16 : index
      %get3A_57 = tpu.vector_load %arg8[%get3A_55, %get3A_56] {strides = array<i32>} : memref<32x1024xf32, #tpu.memory_space<vmem>>, vector<1x16xf32>,
      %get3A_58 = vector.shape_cast %get3A_57 : vector<1x16xf32> to vector<16xf32>
      %get3A_59 = arith.index_cast %scan3A_42 : i32 to index
      %get3A_60 = arith.constant 16 : index
      %get3A_61 = tpu.vector_load %arg9[%get3A_59, %get3A_60] {strides = array<i32>} : memref<32x1024xf32, #tpu.memory_space<vmem>>, vector<1x16xf32>,
      %get3A_62 = vector.shape_cast %get3A_61 : vector<1x16xf32> to vector<16xf32>
      %add3A_63 = arith.addf %get3A_58, %get3A_62 : vector<16xf32>
      %swap3A_64 = arith.index_cast %scan3A_42 : i32 to index
      %swap3A_65 = arith.constant 16 : index
      %swap3A_66 = tpu.vector_load %arg8[%swap3A_64, %swap3A_65] {strides = array<i32>} : memref<32x1024xf32, #tpu.memory_space<vmem>>, vector<1x16xf32>,
      %swap3A_67 = vector.shape_cast %swap3A_66 : vector<1x16xf32> to vector<16xf32>
      %swap3A_68 = vector.shape_cast %add3A_63 : vector<16xf32> to vector<1x16xf32>
      tpu.vector_store %arg8[%swap3A_64, %swap3A_65], %swap3A_68 {strides = array<i32>} : memref<32x1024xf32, #tpu.memory_space<vmem>>, vector<1x16xf32>,
      %get3A_69 = arith.index_cast %scan3A_42 : i32 to index
      %get3A_70 = arith.constant 32 : index
      %get3A_71 = tpu.vector_load %arg8[%get3A_69, %get3A_70] {strides = array<i32>} : memref<32x1024xf32, #tpu.memory_space<vmem>>, vector<1x16xf32>,
      %get3A_72 = vector.shape_cast %get3A_71 : vector<1x16xf32> to vector<16xf32>
      %get3A_73 = arith.index_cast %scan3A_42 : i32 to index
      %get3A_74 = arith.constant 32 : index
      %get3A_75 = tpu.vector_load %arg9[%get3A_73, %get3A_74] {strides = array<i32>} : memref<32x1024xf32, #tpu.memory_space<vmem>>, vector<1x16xf32>,
      %get3A_76 = vector.shape_cast %get3A_75 : vector<1x16xf32> to vector<16xf32>
      %add3A_77 = arith.addf %get3A_72, %get3A_76 : vector<16xf32>
      %swap3A_78 = arith.index_cast %scan3A_42 : i32 to index
      %swap3A_79 = arith.constant 32 : index
      %swap3A_80 = tpu.vector_load %arg8[%swap3A_78, %swap3A_79] {strides = array<i32>} : memref<32x1024xf32, #tpu.memory_space<vmem>>, vector<1x16xf32>,
      %swap3A_81 = vector.shape_cast %swap3A_80 : vector<1x16xf32> to vector<16xf32>
      %swap3A_82 = vector.shape_cast %add3A_77 : vector<16xf32> to vector<1x16xf32>
      tpu.vector_store %arg8[%swap3A_78, %swap3A_79], %swap3A_82 {strides = array<i32>} : memref<32x1024xf32, #tpu.memory_space<vmem>>, vector<1x16xf32>,
      %get3A_83 = arith.index_cast %scan3A_42 : i32 to index
      %get3A_84 = arith.constant 48 : index
      %get3A_85 = tpu.vector_load %arg8[%get3A_83, %get3A_84] {strides = array<i32>} : memref<32x1024xf32, #tpu.memory_space<vmem>>, vector<1x16xf32>,
      %get3A_86 = vector.shape_cast %get3A_85 : vector<1x16xf32> to vector<16xf32>
      %get3A_87 = arith.index_cast %scan3A_42 : i32 to index
      %get3A_88 = arith.constant 48 : index
      %get3A_89 = tpu.vector_load %arg9[%get3A_87, %get3A_88] {strides = array<i32>} : memref<32x1024xf32, #tpu.memory_space<vmem>>, vector<1x16xf32>,
      %get3A_90 = vector.shape_cast %get3A_89 : vector<1x16xf32> to vector<16xf32>
      %add3A_91 = arith.addf %get3A_86, %get3A_90 : vector<16xf32>
      %swap3A_92 = arith.index_cast %scan3A_42 : i32 to index
      %swap3A_93 = arith.constant 48 : index
      %swap3A_94 = tpu.vector_load %arg8[%swap3A_92, %swap3A_93] {strides = array<i32>} : memref<32x1024xf32, #tpu.memory_space<vmem>>, vector<1x16xf32>,
      %swap3A_95 = vector.shape_cast %swap3A_94 : vector<1x16xf32> to vector<16xf32>
      %swap3A_96 = vector.shape_cast %add3A_91 : vector<16xf32> to vector<1x16xf32>
      tpu.vector_store %arg8[%swap3A_92, %swap3A_93], %swap3A_96 {strides = array<i32>} : memref<32x1024xf32, #tpu.memory_space<vmem>>, vector<1x16xf32>,
      %get3A_97 = arith.index_cast %scan3A_42 : i32 to index
      %get3A_98 = arith.constant 64 : index
      %get3A_99 = tpu.vector_load %arg8[%get3A_97, %get3A_98] {strides = array<i32>} : memref<32x1024xf32, #tpu.memory_space<vmem>>, vector<1x16xf32>,
      %get3A_100 = vector.shape_cast %get3A_99 : vector<1x16xf32> to vector<16xf32>
      %get3A_101 = arith.index_cast %scan3A_42 : i32 to index
      %get3A_102 = arith.constant 64 : index
      %get3A_103 = tpu.vector_load %arg9[%get3A_101, %get3A_102] {strides = array<i32>} : memref<32x1024xf32, #tpu.memory_space<vmem>>, vector<1x16xf32>,
      %get3A_104 = vector.shape_cast %get3A_103 : vector<1x16xf32> to vector<16xf32>
      %add3A_105 = arith.addf %get3A_100, %get3A_104 : vector<16xf32>
      %swap3A_106 = arith.index_cast %scan3A_42 : i32 to index
      %swap3A_107 = arith.constant 64 : index
      %swap3A_108 = tpu.vector_load %arg8[%swap3A_106, %swap3A_107] {strides = array<i32>} : memref<32x1024xf32, #tpu.memory_space<vmem>>, vector<1x16xf32>,
      %swap3A_109 = vector.shape_cast %swap3A_108 : vector<1x16xf32> to vector<16xf32>
      %swap3A_110 = vector.shape_cast %add3A_105 : vector<16xf32> to vector<1x16xf32>
      tpu.vector_store %arg8[%swap3A_106, %swap3A_107], %swap3A_110 {strides = array<i32>} : memref<32x1024xf32, #tpu.memory_space<vmem>>, vector<1x16xf32>,
      %get3A_111 = arith.index_cast %scan3A_42 : i32 to index
      %get3A_112 = arith.constant 80 : index
      %get3A_113 = tpu.vector_load %arg8[%get3A_111, %get3A_112] {strides = array<i32>} : memref<32x1024xf32, #tpu.memory_space<vmem>>, vector<1x16xf32>,
      %get3A_114 = vector.shape_cast %get3A_113 : vector<1x16xf32> to vector<16xf32>
      %get3A_115 = arith.index_cast %scan3A_42 : i32 to index
      %get3A_116 = arith.constant 80 : index
      %get3A_117 = tpu.vector_load %arg9[%get3A_115, %get3A_116] {strides = array<i32>} : memref<32x1024xf32, #tpu.memory_space<vmem>>, vector<1x16xf32>,
      %get3A_118 = vector.shape_cast %get3A_117 : vector<1x16xf32> to vector<16xf32>
      %add3A_119 = arith.addf %get3A_114, %get3A_118 : vector<16xf32>
      %swap3A_120 = arith.index_cast %scan3A_42 : i32 to index
      %swap3A_121 = arith.constant 80 : index
      %swap3A_122 = tpu.vector_load %arg8[%swap3A_120, %swap3A_121] {strides = array<i32>} : memref<32x1024xf32, #tpu.memory_space<vmem>>, vector<1x16xf32>,
      %swap3A_123 = vector.shape_cast %swap3A_122 : vector<1x16xf32> to vector<16xf32>
      %swap3A_124 = vector.shape_cast %add3A_119 : vector<16xf32> to vector<1x16xf32>
      tpu.vector_store %arg8[%swap3A_120, %swap3A_121], %swap3A_124 {strides = array<i32>} : memref<32x1024xf32, #tpu.memory_space<vmem>>, vector<1x16xf32>,
      %get3A_125 = arith.index_cast %scan3A_42 : i32 to index
      %get3A_126 = arith.constant 96 : index
      %get3A_127 = tpu.vector_load %arg8[%get3A_125, %get3A_126] {strides = array<i32>} : memref<32x1024xf32, #tpu.memory_space<vmem>>, vector<1x16xf32>,
      %get3A_128 = vector.shape_cast %get3A_127 : vector<1x16xf32> to vector<16xf32>
      %get3A_129 = arith.index_cast %scan3A_42 : i32 to index
      %get3A_130 = arith.constant 96 : index
      %get3A_131 = tpu.vector_load %arg9[%get3A_129, %get3A_130] {strides = array<i32>} : memref<32x1024xf32, #tpu.memory_space<vmem>>, vector<1x16xf32>,
      %get3A_132 = vector.shape_cast %get3A_131 : vector<1x16xf32> to vector<16xf32>
      %add3A_133 = arith.addf %get3A_128, %get3A_132 : vector<16xf32>
      %swap3A_134 = arith.index_cast %scan3A_42 : i32 to index
      %swap3A_135 = arith.constant 96 : index
      %swap3A_136 = tpu.vector_load %arg8[%swap3A_134, %swap3A_135] {strides = array<i32>} : memref<32x1024xf32, #tpu.memory_space<vmem>>, vector<1x16xf32>,
      %swap3A_137 = vector.shape_cast %swap3A_136 : vector<1x16xf32> to vector<16xf32>
      %swap3A_138 = vector.shape_cast %add3A_133 : vector<16xf32> to vector<1x16xf32>
      tpu.vector_store %arg8[%swap3A_134, %swap3A_135], %swap3A_138 {strides = array<i32>} : memref<32x1024xf32, #tpu.memory_space<vmem>>, vector<1x16xf32>,
      %get3A_139 = arith.index_cast %scan3A_42 : i32 to index
      %get3A_140 = arith.constant 112 : index
      %get3A_141 = tpu.vector_load %arg8[%get3A_139, %get3A_140] {strides = array<i32>} : memref<32x1024xf32, #tpu.memory_space<vmem>>, vector<1x16xf32>,
      %get3A_142 = vector.shape_cast %get3A_141 : vector<1x16xf32> to vector<16xf32>
      %get3A_143 = arith.index_cast %scan3A_42 : i32 to index
      %get3A_144 = arith.constant 112 : index
      %get3A_145 = tpu.vector_load %arg9[%get3A_143, %get3A_144] {strides = array<i32>} : memref<32x1024xf32, #tpu.memory_space<vmem>>, vector<1x16xf32>,
      %get3A_146 = vector.shape_cast %get3A_145 : vector<1x16xf32> to vector<16xf32>
      %add3A_147 = arith.addf %get3A_142, %get3A_146 : vector<16xf32>
      %swap3A_148 = arith.index_cast %scan3A_42 : i32 to index
      %swap3A_149 = arith.constant 112 : index
      %swap3A_150 = tpu.vector_load %arg8[%swap3A_148, %swap3A_149] {strides = array<i32>} : memref<32x1024xf32, #tpu.memory_space<vmem>>, vector<1x16xf32>,
      %swap3A_151 = vector.shape_cast %swap3A_150 : vector<1x16xf32> to vector<16xf32>
      %swap3A_152 = vector.shape_cast %add3A_147 : vector<16xf32> to vector<1x16xf32>
      tpu.vector_store %arg8[%swap3A_148, %swap3A_149], %swap3A_152 {strides = array<i32>} : memref<32x1024xf32, #tpu.memory_space<vmem>>, vector<1x16xf32>,
      %get3A_153 = arith.index_cast %scan3A_42 : i32 to index
      %get3A_154 = arith.constant 128 : index
      %get3A_155 = tpu.vector_load %arg8[%get3A_153, %get3A_154] {strides = array<i32>} : memref<32x1024xf32, #tpu.memory_space<vmem>>, vector<1x16xf32>,
      %get3A_156 = vector.shape_cast %get3A_155 : vector<1x16xf32> to vector<16xf32>
      %get3A_157 = arith.index_cast %scan3A_42 : i32 to index
      %get3A_158 = arith.constant 128 : index
      %get3A_159 = tpu.vector_load %arg9[%get3A_157, %get3A_158] {strides = array<i32>} : memref<32x1024xf32, #tpu.memory_space<vmem>>, vector<1x16xf32>,
      %get3A_160 = vector.shape_cast %get3A_159 : vector<1x16xf32> to vector<16xf32>
      %add3A_161 = arith.addf %get3A_156, %get3A_160 : vector<16xf32>
      %swap3A_162 = arith.index_cast %scan3A_42 : i32 to index
      %swap3A_163 = arith.constant 128 : index
      %swap3A_164 = tpu.vector_load %arg8[%swap3A_162, %swap3A_163] {strides = array<i32>} : memref<32x1024xf32, #tpu.memory_space<vmem>>, vector<1x16xf32>,
      %swap3A_165 = vector.shape_cast %swap3A_164 : vector<1x16xf32> to vector<16xf32>
      %swap3A_166 = vector.shape_cast %add3A_161 : vector<16xf32> to vector<1x16xf32>
      tpu.vector_store %arg8[%swap3A_162, %swap3A_163], %swap3A_166 {strides = array<i32>} : memref<32x1024xf32, #tpu.memory_space<vmem>>, vector<1x16xf32>,
      %get3A_167 = arith.index_cast %scan3A_42 : i32 to index
      %get3A_168 = arith.constant 144 : index
      %get3A_169 = tpu.vector_load %arg8[%get3A_167, %get3A_168] {strides = array<i32>} : memref<32x1024xf32, #tpu.memory_space<vmem>>, vector<1x16xf32>,
      %get3A_170 = vector.shape_cast %get3A_169 : vector<1x16xf32> to vector<16xf32>
      %get3A_171 = arith.index_cast %scan3A_42 : i32 to index
      %get3A_172 = arith.constant 144 : index
      %get3A_173 = tpu.vector_load %arg9[%get3A_171, %get3A_172] {strides = array<i32>} : memref<32x1024xf32, #tpu.memory_space<vmem>>, vector<1x16xf32>,
      %get3A_174 = vector.shape_cast %get3A_173 : vector<1x16xf32> to vector<16xf32>
      %add3A_175 = arith.addf %get3A_170, %get3A_174 : vector<16xf32>
      %swap3A_176 = arith.index_cast %scan3A_42 : i32 to index
      %swap3A_177 = arith.constant 144 : index
      %swap3A_178 = tpu.vector_load %arg8[%swap3A_176, %swap3A_177] {strides = array<i32>} : memref<32x1024xf32, #tpu.memory_space<vmem>>, vector<1x16xf32>,
      %swap3A_179 = vector.shape_cast %swap3A_178 : vector<1x16xf32> to vector<16xf32>
      %swap3A_180 = vector.shape_cast %add3A_175 : vector<16xf32> to vector<1x16xf32>
      tpu.vector_store %arg8[%swap3A_176, %swap3A_177], %swap3A_180 {strides = array<i32>} : memref<32x1024xf32, #tpu.memory_space<vmem>>, vector<1x16xf32>,
      %get3A_181 = arith.index_cast %scan3A_42 : i32 to index
      %get3A_182 = arith.constant 160 : index
      %get3A_183 = tpu.vector_load %arg8[%get3A_181, %get3A_182] {strides = array<i32>} : memref<32x1024xf32, #tpu.memory_space<vmem>>, vector<1x16xf32>,
      %get3A_184 = vector.shape_cast %get3A_183 : vector<1x16xf32> to vector<16xf32>
      %get3A_185 = arith.index_cast %scan3A_42 : i32 to index
      %get3A_186 = arith.constant 160 : index
      %get3A_187 = tpu.vector_load %arg9[%get3A_185, %get3A_186] {strides = array<i32>} : memref<32x1024xf32, #tpu.memory_space<vmem>>, vector<1x16xf32>,
      %get3A_188 = vector.shape_cast %get3A_187 : vector<1x16xf32> to vector<16xf32>
      %add3A_189 = arith.addf %get3A_184, %get3A_188 : vector<16xf32>
      %swap3A_190 = arith.index_cast %scan3A_42 : i32 to index
      %swap3A_191 = arith.constant 160 : index
      %swap3A_192 = tpu.vector_load %arg8[%swap3A_190, %swap3A_191] {strides = array<i32>} : memref<32x1024xf32, #tpu.memory_space<vmem>>, vector<1x16xf32>,
      %swap3A_193 = vector.shape_cast %swap3A_192 : vector<1x16xf32> to vector<16xf32>
      %swap3A_194 = vector.shape_cast %add3A_189 : vector<16xf32> to vector<1x16xf32>
      tpu.vector_store %arg8[%swap3A_190, %swap3A_191], %swap3A_194 {strides = array<i32>} : memref<32x1024xf32, #tpu.memory_space<vmem>>, vector<1x16xf32>,
      %get3A_195 = arith.index_cast %scan3A_42 : i32 to index
      %get3A_196 = arith.constant 176 : index
      %get3A_197 = tpu.vector_load %arg8[%get3A_195, %get3A_196] {strides = array<i32>} : memref<32x1024xf32, #tpu.memory_space<vmem>>, vector<1x16xf32>,
      %get3A_198 = vector.shape_cast %get3A_197 : vector<1x16xf32> to vector<16xf32>
      %get3A_199 = arith.index_cast %scan3A_42 : i32 to index
      %get3A_200 = arith.constant 176 : index
      %get3A_201 = tpu.vector_load %arg9[%get3A_199, %get3A_200] {strides = array<i32>} : memref<32x1024xf32, #tpu.memory_space<vmem>>, vector<1x16xf32>,
      %get3A_202 = vector.shape_cast %get3A_201 : vector<1x16xf32> to vector<16xf32>
      %add3A_203 = arith.addf %get3A_198, %get3A_202 : vector<16xf32>
      %swap3A_204 = arith.index_cast %scan3A_42 : i32 to index
      %swap3A_205 = arith.constant 176 : index
      %swap3A_206 = tpu.vector_load %arg8[%swap3A_204, %swap3A_205] {strides = array<i32>} : memref<32x1024xf32, #tpu.memory_space<vmem>>, vector<1x16xf32>,
      %swap3A_207 = vector.shape_cast %swap3A_206 : vector<1x16xf32> to vector<16xf32>
      %swap3A_208 = vector.shape_cast %add3A_203 : vector<16xf32> to vector<1x16xf32>
      tpu.vector_store %arg8[%swap3A_204, %swap3A_205], %swap3A_208 {strides = array<i32>} : memref<32x1024xf32, #tpu.memory_space<vmem>>, vector<1x16xf32>,
      %get3A_209 = arith.index_cast %scan3A_42 : i32 to index
      %get3A_210 = arith.constant 192 : index
      %get3A_211 = tpu.vector_load %arg8[%get3A_209, %get3A_210] {strides = array<i32>} : memref<32x1024xf32, #tpu.memory_space<vmem>>, vector<1x16xf32>,
      %get3A_212 = vector.shape_cast %get3A_211 : vector<1x16xf32> to vector<16xf32>
      %get3A_213 = arith.index_cast %scan3A_42 : i32 to index
      %get3A_214 = arith.constant 192 : index
      %get3A_215 = tpu.vector_load %arg9[%get3A_213, %get3A_214] {strides = array<i32>} : memref<32x1024xf32, #tpu.memory_space<vmem>>, vector<1x16xf32>,
      %get3A_216 = vector.shape_cast %get3A_215 : vector<1x16xf32> to vector<16xf32>
      %add3A_217 = arith.addf %get3A_212, %get3A_216 : vector<16xf32>
      %swap3A_218 = arith.index_cast %scan3A_42 : i32 to index
      %swap3A_219 = arith.constant 192 : index
      %swap3A_220 = tpu.vector_load %arg8[%swap3A_218, %swap3A_219] {strides = array<i32>} : memref<32x1024xf32, #tpu.memory_space<vmem>>, vector<1x16xf32>,
      %swap3A_221 = vector.shape_cast %swap3A_220 : vector<1x16xf32> to vector<16xf32>
      %swap3A_222 = vector.shape_cast %add3A_217 : vector<16xf32> to vector<1x16xf32>
      tpu.vector_store %arg8[%swap3A_218, %swap3A_219], %swap3A_222 {strides = array<i32>} : memref<32x1024xf32, #tpu.memory_space<vmem>>, vector<1x16xf32>,
      %get3A_223 = arith.index_cast %scan3A_42 : i32 to index
      %get3A_224 = arith.constant 208 : index
      %get3A_225 = tpu.vector_load %arg8[%get3A_223, %get3A_224] {strides = array<i32>} : memref<32x1024xf32, #tpu.memory_space<vmem>>, vector<1x16xf32>,
      %get3A_226 = vector.shape_cast %get3A_225 : vector<1x16xf32> to vector<16xf32>
      %get3A_227 = arith.index_cast %scan3A_42 : i32 to index
      %get3A_228 = arith.constant 208 : index
      %get3A_229 = tpu.vector_load %arg9[%get3A_227, %get3A_228] {strides = array<i32>} : memref<32x1024xf32, #tpu.memory_space<vmem>>, vector<1x16xf32>,
      %get3A_230 = vector.shape_cast %get3A_229 : vector<1x16xf32> to vector<16xf32>
      %add3A_231 = arith.addf %get3A_226, %get3A_230 : vector<16xf32>
      %swap3A_232 = arith.index_cast %scan3A_42 : i32 to index
      %swap3A_233 = arith.constant 208 : index
      %swap3A_234 = tpu.vector_load %arg8[%swap3A_232, %swap3A_233] {strides = array<i32>} : memref<32x1024xf32, #tpu.memory_space<vmem>>, vector<1x16xf32>,
      %swap3A_235 = vector.shape_cast %swap3A_234 : vector<1x16xf32> to vector<16xf32>
      %swap3A_236 = vector.shape_cast %add3A_231 : vector<16xf32> to vector<1x16xf32>
      tpu.vector_store %arg8[%swap3A_232, %swap3A_233], %swap3A_236 {strides = array<i32>} : memref<32x1024xf32, #tpu.memory_space<vmem>>, vector<1x16xf32>,
      %get3A_237 = arith.index_cast %scan3A_42 : i32 to index
      %get3A_238 = arith.constant 224 : index
      %get3A_239 = tpu.vector_load %arg8[%get3A_237, %get3A_238] {strides = array<i32>} : memref<32x1024xf32, #tpu.memory_space<vmem>>, vector<1x16xf32>,
      %get3A_240 = vector.shape_cast %get3A_239 : vector<1x16xf32> to vector<16xf32>
      %get3A_241 = arith.index_cast %scan3A_42 : i32 to index
      %get3A_242 = arith.constant 224 : index
      %get3A_243 = tpu.vector_load %arg9[%get3A_241, %get3A_242] {strides = array<i32>} : memref<32x1024xf32, #tpu.memory_space<vmem>>, vector<1x16xf32>,
      %get3A_244 = vector.shape_cast %get3A_243 : vector<1x16xf32> to vector<16xf32>
      %add3A_245 = arith.addf %get3A_240, %get3A_244 : vector<16xf32>
      %swap3A_246 = arith.index_cast %scan3A_42 : i32 to index
      %swap3A_247 = arith.constant 224 : index
      %swap3A_248 = tpu.vector_load %arg8[%swap3A_246, %swap3A_247] {strides = array<i32>} : memref<32x1024xf32, #tpu.memory_space<vmem>>, vector<1x16xf32>,
      %swap3A_249 = vector.shape_cast %swap3A_248 : vector<1x16xf32> to vector<16xf32>
      %swap3A_250 = vector.shape_cast %add3A_245 : vector<16xf32> to vector<1x16xf32>
      tpu.vector_store %arg8[%swap3A_246, %swap3A_247], %swap3A_250 {strides = array<i32>} : memref<32x1024xf32, #tpu.memory_space<vmem>>, vector<1x16xf32>,
      %get3A_251 = arith.index_cast %scan3A_42 : i32 to index
      %get3A_252 = arith.constant 240 : index
      %get3A_253 = tpu.vector_load %arg8[%get3A_251, %get3A_252] {strides = array<i32>} : memref<32x1024xf32, #tpu.memory_space<vmem>>, vector<1x16xf32>,
      %get3A_254 = vector.shape_cast %get3A_253 : vector<1x16xf32> to vector<16xf32>
      %get3A_255 = arith.index_cast %scan3A_42 : i32 to index
      %get3A_256 = arith.constant 240 : index
      %get3A_257 = tpu.vector_load %arg9[%get3A_255, %get3A_256] {strides = array<i32>} : memref<32x1024xf32, #tpu.memory_space<vmem>>, vector<1x16xf32>,
      %get3A_258 = vector.shape_cast %get3A_257 : vector<1x16xf32> to vector<16xf32>
      %add3A_259 = arith.addf %get3A_254, %get3A_258 : vector<16xf32>
      %swap3A_260 = arith.index_cast %scan3A_42 : i32 to index
      %swap3A_261 = arith.constant 240 : index
      %swap3A_262 = tpu.vector_load %arg8[%swap3A_260, %swap3A_261] {strides = array<i32>} : memref<32x1024xf32, #tpu.memory_space<vmem>>, vector<1x16xf32>,
      %swap3A_263 = vector.shape_cast %swap3A_262 : vector<1x16xf32> to vector<16xf32>
      %swap3A_264 = vector.shape_cast %add3A_259 : vector<16xf32> to vector<1x16xf32>
      tpu.vector_store %arg8[%swap3A_260, %swap3A_261], %swap3A_264 {strides = array<i32>} : memref<32x1024xf32, #tpu.memory_space<vmem>>, vector<1x16xf32>,
      %get3A_265 = arith.index_cast %scan3A_42 : i32 to index
      %get3A_266 = arith.constant 256 : index
      %get3A_267 = tpu.vector_load %arg8[%get3A_265, %get3A_266] {strides = array<i32>} : memref<32x1024xf32, #tpu.memory_space<vmem>>, vector<1x16xf32>,
      %get3A_268 = vector.shape_cast %get3A_267 : vector<1x16xf32> to vector<16xf32>
      %get3A_269 = arith.index_cast %scan3A_42 : i32 to index
      %get3A_270 = arith.constant 256 : index
      %get3A_271 = tpu.vector_load %arg9[%get3A_269, %get3A_270] {strides = array<i32>} : memref<32x1024xf32, #tpu.memory_space<vmem>>, vector<1x16xf32>,
      %get3A_272 = vector.shape_cast %get3A_271 : vector<1x16xf32> to vector<16xf32>
      %add3A_273 = arith.addf %get3A_268, %get3A_272 : vector<16xf32>
      %swap3A_274 = arith.index_cast %scan3A_42 : i32 to index
      %swap3A_275 = arith.constant 256 : index
      %swap3A_276 = tpu.vector_load %arg8[%swap3A_274, %swap3A_275] {strides = array<i32>} : memref<32x1024xf32, #tpu.memory_space<vmem>>, vector<1x16xf32>,
      %swap3A_277 = vector.shape_cast %swap3A_276 : vector<1x16xf32> to vector<16xf32>
      %swap3A_278 = vector.shape_cast %add3A_273 : vector<16xf32> to vector<1x16xf32>
      tpu.vector_store %arg8[%swap3A_274, %swap3A_275], %swap3A_278 {strides = array<i32>} : memref<32x1024xf32, #tpu.memory_space<vmem>>, vector<1x16xf32>,
      %get3A_279 = arith.index_cast %scan3A_42 : i32 to index
      %get3A_280 = arith.constant 272 : index
      %get3A_281 = tpu.vector_load %arg8[%get3A_279, %get3A_280] {strides = array<i32>} : memref<32x1024xf32, #tpu.memory_space<vmem>>, vector<1x16xf32>,
      %get3A_282 = vector.shape_cast %get3A_281 : vector<1x16xf32> to vector<16xf32>
      %get3A_283 = arith.index_cast %scan3A_42 : i32 to index
      %get3A_284 = arith.constant 272 : index
      %get3A_285 = tpu.vector_load %arg9[%get3A_283, %get3A_284] {strides = array<i32>} : memref<32x1024xf32, #tpu.memory_space<vmem>>, vector<1x16xf32>,
      %get3A_286 = vector.shape_cast %get3A_285 : vector<1x16xf32> to vector<16xf32>
      %add3A_287 = arith.addf %get3A_282, %get3A_286 : vector<16xf32>
      %swap3A_288 = arith.index_cast %scan3A_42 : i32 to index
      %swap3A_289 = arith.constant 272 : index
      %swap3A_290 = tpu.vector_load %arg8[%swap3A_288, %swap3A_289] {strides = array<i32>} : memref<32x1024xf32, #tpu.memory_space<vmem>>, vector<1x16xf32>,
      %swap3A_291 = vector.shape_cast %swap3A_290 : vector<1x16xf32> to vector<16xf32>
      %swap3A_292 = vector.shape_cast %add3A_287 : vector<16xf32> to vector<1x16xf32>
      tpu.vector_store %arg8[%swap3A_288, %swap3A_289], %swap3A_292 {strides = array<i32>} : memref<32x1024xf32, #tpu.memory_space<vmem>>, vector<1x16xf32>,
      %get3A_293 = arith.index_cast %scan3A_42 : i32 to index
      %get3A_294 = arith.constant 288 : index
      %get3A_295 = tpu.vector_load %arg8[%get3A_293, %get3A_294] {strides = array<i32>} : memref<32x1024xf32, #tpu.memory_space<vmem>>, vector<1x16xf32>,
      %get3A_296 = vector.shape_cast %get3A_295 : vector<1x16xf32> to vector<16xf32>
      %get3A_297 = arith.index_cast %scan3A_42 : i32 to index
      %get3A_298 = arith.constant 288 : index
      %get3A_299 = tpu.vector_load %arg9[%get3A_297, %get3A_298] {strides = array<i32>} : memref<32x1024xf32, #tpu.memory_space<vmem>>, vector<1x16xf32>,
      %get3A_300 = vector.shape_cast %get3A_299 : vector<1x16xf32> to vector<16xf32>
      %add3A_301 = arith.addf %get3A_296, %get3A_300 : vector<16xf32>
      %swap3A_302 = arith.index_cast %scan3A_42 : i32 to index
      %swap3A_303 = arith.constant 288 : index
      %swap3A_304 = tpu.vector_load %arg8[%swap3A_302, %swap3A_303] {strides = array<i32>} : memref<32x1024xf32, #tpu.memory_space<vmem>>, vector<1x16xf32>,
      %swap3A_305 = vector.shape_cast %swap3A_304 : vector<1x16xf32> to vector<16xf32>
      %swap3A_306 = vector.shape_cast %add3A_301 : vector<16xf32> to vector<1x16xf32>
      tpu.vector_store %arg8[%swap3A_302, %swap3A_303], %swap3A_306 {strides = array<i32>} : memref<32x1024xf32, #tpu.memory_space<vmem>>, vector<1x16xf32>,
      %get3A_307 = arith.index_cast %scan3A_42 : i32 to index
      %get3A_308 = arith.constant 304 : index
      %get3A_309 = tpu.vector_load %arg8[%get3A_307, %get3A_308] {strides = array<i32>} : memref<32x1024xf32, #tpu.memory_space<vmem>>, vector<1x16xf32>,
      %get3A_310 = vector.shape_cast %get3A_309 : vector<1x16xf32> to vector<16xf32>
      %get3A_311 = arith.index_cast %scan3A_42 : i32 to index
      %get3A_312 = arith.constant 304 : index
      %get3A_313 = tpu.vector_load %arg9[%get3A_311, %get3A_312] {strides = array<i32>} : memref<32x1024xf32, #tpu.memory_space<vmem>>, vector<1x16xf32>,
      %get3A_314 = vector.shape_cast %get3A_313 : vector<1x16xf32> to vector<16xf32>
      %add3A_315 = arith.addf %get3A_310, %get3A_314 : vector<16xf32>
      %swap3A_316 = arith.index_cast %scan3A_42 : i32 to index
      %swap3A_317 = arith.constant 304 : index
      %swap3A_318 = tpu.vector_load %arg8[%swap3A_316, %swap3A_317] {strides = array<i32>} : memref<32x1024xf32, #tpu.memory_space<vmem>>, vector<1x16xf32>,
      %swap3A_319 = vector.shape_cast %swap3A_318 : vector<1x16xf32> to vector<16xf32>
      %swap3A_320 = vector.shape_cast %add3A_315 : vector<16xf32> to vector<1x16xf32>
      tpu.vector_store %arg8[%swap3A_316, %swap3A_317], %swap3A_320 {strides = array<i32>} : memref<32x1024xf32, #tpu.memory_space<vmem>>, vector<1x16xf32>,
      %get3A_321 = arith.index_cast %scan3A_42 : i32 to index
      %get3A_322 = arith.constant 320 : index
      %get3A_323 = tpu.vector_load %arg8[%get3A_321, %get3A_322] {strides = array<i32>} : memref<32x1024xf32, #tpu.memory_space<vmem>>, vector<1x16xf32>,
      %get3A_324 = vector.shape_cast %get3A_323 : vector<1x16xf32> to vector<16xf32>
      %get3A_325 = arith.index_cast %scan3A_42 : i32 to index
      %get3A_326 = arith.constant 320 : index
      %get3A_327 = tpu.vector_load %arg9[%get3A_325, %get3A_326] {strides = array<i32>} : memref<32x1024xf32, #tpu.memory_space<vmem>>, vector<1x16xf32>,
      %get3A_328 = vector.shape_cast %get3A_327 : vector<1x16xf32> to vector<16xf32>
      %add3A_329 = arith.addf %get3A_324, %get3A_328 : vector<16xf32>
      %swap3A_330 = arith.index_cast %scan3A_42 : i32 to index
      %swap3A_331 = arith.constant 320 : index
      %swap3A_332 = tpu.vector_load %arg8[%swap3A_330, %swap3A_331] {strides = array<i32>} : memref<32x1024xf32, #tpu.memory_space<vmem>>, vector<1x16xf32>,
      %swap3A_333 = vector.shape_cast %swap3A_332 : vector<1x16xf32> to vector<16xf32>
      %swap3A_334 = vector.shape_cast %add3A_329 : vector<16xf32> to vector<1x16xf32>
      tpu.vector_store %arg8[%swap3A_330, %swap3A_331], %swap3A_334 {strides = array<i32>} : memref<32x1024xf32, #tpu.memory_space<vmem>>, vector<1x16xf32>,
      %get3A_335 = arith.index_cast %scan3A_42 : i32 to index
      %get3A_336 = arith.constant 336 : index
      %get3A_337 = tpu.vector_load %arg8[%get3A_335, %get3A_336] {strides = array<i32>} : memref<32x1024xf32, #tpu.memory_space<vmem>>, vector<1x16xf32>,
      %get3A_338 = vector.shape_cast %get3A_337 : vector<1x16xf32> to vector<16xf32>
      %get3A_339 = arith.index_cast %scan3A_42 : i32 to index
      %get3A_340 = arith.constant 336 : index
      %get3A_341 = tpu.vector_load %arg9[%get3A_339, %get3A_340] {strides = array<i32>} : memref<32x1024xf32, #tpu.memory_space<vmem>>, vector<1x16xf32>,
      %get3A_342 = vector.shape_cast %get3A_341 : vector<1x16xf32> to vector<16xf32>
      %add3A_343 = arith.addf %get3A_338, %get3A_342 : vector<16xf32>
      %swap3A_344 = arith.index_cast %scan3A_42 : i32 to index
      %swap3A_345 = arith.constant 336 : index
      %swap3A_346 = tpu.vector_load %arg8[%swap3A_344, %swap3A_345] {strides = array<i32>} : memref<32x1024xf32, #tpu.memory_space<vmem>>, vector<1x16xf32>,
      %swap3A_347 = vector.shape_cast %swap3A_346 : vector<1x16xf32> to vector<16xf32>
      %swap3A_348 = vector.shape_cast %add3A_343 : vector<16xf32> to vector<1x16xf32>
      tpu.vector_store %arg8[%swap3A_344, %swap3A_345], %swap3A_348 {strides = array<i32>} : memref<32x1024xf32, #tpu.memory_space<vmem>>, vector<1x16xf32>,
      %get3A_349 = arith.index_cast %scan3A_42 : i32 to index
      %get3A_350 = arith.constant 352 : index
      %get3A_351 = tpu.vector_load %arg8[%get3A_349, %get3A_350] {strides = array<i32>} : memref<32x1024xf32, #tpu.memory_space<vmem>>, vector<1x16xf32>,
      %get3A_352 = vector.shape_cast %get3A_351 : vector<1x16xf32> to vector<16xf32>
      %get3A_353 = arith.index_cast %scan3A_42 : i32 to index
      %get3A_354 = arith.constant 352 : index
      %get3A_355 = tpu.vector_load %arg9[%get3A_353, %get3A_354] {strides = array<i32>} : memref<32x1024xf32, #tpu.memory_space<vmem>>, vector<1x16xf32>,
      %get3A_356 = vector.shape_cast %get3A_355 : vector<1x16xf32> to vector<16xf32>
      %add3A_357 = arith.addf %get3A_352, %get3A_356 : vector<16xf32>
      %swap3A_358 = arith.index_cast %scan3A_42 : i32 to index
      %swap3A_359 = arith.constant 352 : index
      %swap3A_360 = tpu.vector_load %arg8[%swap3A_358, %swap3A_359] {strides = array<i32>} : memref<32x1024xf32, #tpu.memory_space<vmem>>, vector<1x16xf32>,
      %swap3A_361 = vector.shape_cast %swap3A_360 : vector<1x16xf32> to vector<16xf32>
      %swap3A_362 = vector.shape_cast %add3A_357 : vector<16xf32> to vector<1x16xf32>
      tpu.vector_store %arg8[%swap3A_358, %swap3A_359], %swap3A_362 {strides = array<i32>} : memref<32x1024xf32, #tpu.memory_space<vmem>>, vector<1x16xf32>,
      %get3A_363 = arith.index_cast %scan3A_42 : i32 to index
      %get3A_364 = arith.constant 368 : index
      %get3A_365 = tpu.vector_load %arg8[%get3A_363, %get3A_364] {strides = array<i32>} : memref<32x1024xf32, #tpu.memory_space<vmem>>, vector<1x16xf32>,
      %get3A_366 = vector.shape_cast %get3A_365 : vector<1x16xf32> to vector<16xf32>
      %get3A_367 = arith.index_cast %scan3A_42 : i32 to index
      %get3A_368 = arith.constant 368 : index
      %get3A_369 = tpu.vector_load %arg9[%get3A_367, %get3A_368] {strides = array<i32>} : memref<32x1024xf32, #tpu.memory_space<vmem>>, vector<1x16xf32>,
      %get3A_370 = vector.shape_cast %get3A_369 : vector<1x16xf32> to vector<16xf32>
      %add3A_371 = arith.addf %get3A_366, %get3A_370 : vector<16xf32>
      %swap3A_372 = arith.index_cast %scan3A_42 : i32 to index
      %swap3A_373 = arith.constant 368 : index
      %swap3A_374 = tpu.vector_load %arg8[%swap3A_372, %swap3A_373] {strides = array<i32>} : memref<32x1024xf32, #tpu.memory_space<vmem>>, vector<1x16xf32>,
      %swap3A_375 = vector.shape_cast %swap3A_374 : vector<1x16xf32> to vector<16xf32>
      %swap3A_376 = vector.shape_cast %add3A_371 : vector<16xf32> to vector<1x16xf32>
      tpu.vector_store %arg8[%swap3A_372, %swap3A_373], %swap3A_376 {strides = array<i32>} : memref<32x1024xf32, #tpu.memory_space<vmem>>, vector<1x16xf32>,
      %get3A_377 = arith.index_cast %scan3A_42 : i32 to index
      %get3A_378 = arith.constant 384 : index
      %get3A_379 = tpu.vector_load %arg8[%get3A_377, %get3A_378] {strides = array<i32>} : memref<32x1024xf32, #tpu.memory_space<vmem>>, vector<1x16xf32>,
      %get3A_380 = vector.shape_cast %get3A_379 : vector<1x16xf32> to vector<16xf32>
      %get3A_381 = arith.index_cast %scan3A_42 : i32 to index
      %get3A_382 = arith.constant 384 : index
      %get3A_383 = tpu.vector_load %arg9[%get3A_381, %get3A_382] {strides = array<i32>} : memref<32x1024xf32, #tpu.memory_space<vmem>>, vector<1x16xf32>,
      %get3A_384 = vector.shape_cast %get3A_383 : vector<1x16xf32> to vector<16xf32>
      %add3A_385 = arith.addf %get3A_380, %get3A_384 : vector<16xf32>
      %swap3A_386 = arith.index_cast %scan3A_42 : i32 to index
      %swap3A_387 = arith.constant 384 : index
      %swap3A_388 = tpu.vector_load %arg8[%swap3A_386, %swap3A_387] {strides = array<i32>} : memref<32x1024xf32, #tpu.memory_space<vmem>>, vector<1x16xf32>,
      %swap3A_389 = vector.shape_cast %swap3A_388 : vector<1x16xf32> to vector<16xf32>
      %swap3A_390 = vector.shape_cast %add3A_385 : vector<16xf32> to vector<1x16xf32>
      tpu.vector_store %arg8[%swap3A_386, %swap3A_387], %swap3A_390 {strides = array<i32>} : memref<32x1024xf32, #tpu.memory_space<vmem>>, vector<1x16xf32>,
      %get3A_391 = arith.index_cast %scan3A_42 : i32 to index
      %get3A_392 = arith.constant 400 : index
      %get3A_393 = tpu.vector_load %arg8[%get3A_391, %get3A_392] {strides = array<i32>} : memref<32x1024xf32, #tpu.memory_space<vmem>>, vector<1x16xf32>,
      %get3A_394 = vector.shape_cast %get3A_393 : vector<1x16xf32> to vector<16xf32>
      %get3A_395 = arith.index_cast %scan3A_42 : i32 to index
      %get3A_396 = arith.constant 400 : index
      %get3A_397 = tpu.vector_load %arg9[%get3A_395, %get3A_396] {strides = array<i32>} : memref<32x1024xf32, #tpu.memory_space<vmem>>, vector<1x16xf32>,
      %get3A_398 = vector.shape_cast %get3A_397 : vector<1x16xf32> to vector<16xf32>
      %add3A_399 = arith.addf %get3A_394, %get3A_398 : vector<16xf32>
      %swap3A_400 = arith.index_cast %scan3A_42 : i32 to index
      %swap3A_401 = arith.constant 400 : index
      %swap3A_402 = tpu.vector_load %arg8[%swap3A_400, %swap3A_401] {strides = array<i32>} : memref<32x1024xf32, #tpu.memory_space<vmem>>, vector<1x16xf32>,
      %swap3A_403 = vector.shape_cast %swap3A_402 : vector<1x16xf32> to vector<16xf32>
      %swap3A_404 = vector.shape_cast %add3A_399 : vector<16xf32> to vector<1x16xf32>
      tpu.vector_store %arg8[%swap3A_400, %swap3A_401], %swap3A_404 {strides = array<i32>} : memref<32x1024xf32, #tpu.memory_space<vmem>>, vector<1x16xf32>,
      %get3A_405 = arith.index_cast %scan3A_42 : i32 to index
      %get3A_406 = arith.constant 416 : index
      %get3A_407 = tpu.vector_load %arg8[%get3A_405, %get3A_406] {strides = array<i32>} : memref<32x1024xf32, #tpu.memory_space<vmem>>, vector<1x16xf32>,
      %get3A_408 = vector.shape_cast %get3A_407 : vector<1x16xf32> to vector<16xf32>
      %get3A_409 = arith.index_cast %scan3A_42 : i32 to index
      %get3A_410 = arith.constant 416 : index
      %get3A_411 = tpu.vector_load %arg9[%get3A_409, %get3A_410] {strides = array<i32>} : memref<32x1024xf32, #tpu.memory_space<vmem>>, vector<1x16xf32>,
      %get3A_412 = vector.shape_cast %get3A_411 : vector<1x16xf32> to vector<16xf32>
      %add3A_413 = arith.addf %get3A_408, %get3A_412 : vector<16xf32>
      %swap3A_414 = arith.index_cast %scan3A_42 : i32 to index
      %swap3A_415 = arith.constant 416 : index
      %swap3A_416 = tpu.vector_load %arg8[%swap3A_414, %swap3A_415] {strides = array<i32>} : memref<32x1024xf32, #tpu.memory_space<vmem>>, vector<1x16xf32>,
      %swap3A_417 = vector.shape_cast %swap3A_416 : vector<1x16xf32> to vector<16xf32>
      %swap3A_418 = vector.shape_cast %add3A_413 : vector<16xf32> to vector<1x16xf32>
      tpu.vector_store %arg8[%swap3A_414, %swap3A_415], %swap3A_418 {strides = array<i32>} : memref<32x1024xf32, #tpu.memory_space<vmem>>, vector<1x16xf32>,
      %get3A_419 = arith.index_cast %scan3A_42 : i32 to index
      %get3A_420 = arith.constant 432 : index
      %get3A_421 = tpu.vector_load %arg8[%get3A_419, %get3A_420] {strides = array<i32>} : memref<32x1024xf32, #tpu.memory_space<vmem>>, vector<1x16xf32>,
      %get3A_422 = vector.shape_cast %get3A_421 : vector<1x16xf32> to vector<16xf32>
      %get3A_423 = arith.index_cast %scan3A_42 : i32 to index
      %get3A_424 = arith.constant 432 : index
      %get3A_425 = tpu.vector_load %arg9[%get3A_423, %get3A_424] {strides = array<i32>} : memref<32x1024xf32, #tpu.memory_space<vmem>>, vector<1x16xf32>,
      %get3A_426 = vector.shape_cast %get3A_425 : vector<1x16xf32> to vector<16xf32>
      %add3A_427 = arith.addf %get3A_422, %get3A_426 : vector<16xf32>
      %swap3A_428 = arith.index_cast %scan3A_42 : i32 to index
      %swap3A_429 = arith.constant 432 : index
      %swap3A_430 = tpu.vector_load %arg8[%swap3A_428, %swap3A_429] {strides = array<i32>} : memref<32x1024xf32, #tpu.memory_space<vmem>>, vector<1x16xf32>,
      %swap3A_431 = vector.shape_cast %swap3A_430 : vector<1x16xf32> to vector<16xf32>
      %swap3A_432 = vector.shape_cast %add3A_427 : vector<16xf32> to vector<1x16xf32>
      tpu.vector_store %arg8[%swap3A_428, %swap3A_429], %swap3A_432 {strides = array<i32>} : memref<32x1024xf32, #tpu.memory_space<vmem>>, vector<1x16xf32>,
      %get3A_433 = arith.index_cast %scan3A_42 : i32 to index
      %get3A_434 = arith.constant 448 : index
      %get3A_435 = tpu.vector_load %arg8[%get3A_433, %get3A_434] {strides = array<i32>} : memref<32x1024xf32, #tpu.memory_space<vmem>>, vector<1x16xf32>,
      %get3A_436 = vector.shape_cast %get3A_435 : vector<1x16xf32> to vector<16xf32>
      %get3A_437 = arith.index_cast %scan3A_42 : i32 to index
      %get3A_438 = arith.constant 448 : index
      %get3A_439 = tpu.vector_load %arg9[%get3A_437, %get3A_438] {strides = array<i32>} : memref<32x1024xf32, #tpu.memory_space<vmem>>, vector<1x16xf32>,
      %get3A_440 = vector.shape_cast %get3A_439 : vector<1x16xf32> to vector<16xf32>
      %add3A_441 = arith.addf %get3A_436, %get3A_440 : vector<16xf32>
      %swap3A_442 = arith.index_cast %scan3A_42 : i32 to index
      %swap3A_443 = arith.constant 448 : index
      %swap3A_444 = tpu.vector_load %arg8[%swap3A_442, %swap3A_443] {strides = array<i32>} : memref<32x1024xf32, #tpu.memory_space<vmem>>, vector<1x16xf32>,
      %swap3A_445 = vector.shape_cast %swap3A_444 : vector<1x16xf32> to vector<16xf32>
      %swap3A_446 = vector.shape_cast %add3A_441 : vector<16xf32> to vector<1x16xf32>
      tpu.vector_store %arg8[%swap3A_442, %swap3A_443], %swap3A_446 {strides = array<i32>} : memref<32x1024xf32, #tpu.memory_space<vmem>>, vector<1x16xf32>,
      %get3A_447 = arith.index_cast %scan3A_42 : i32 to index
      %get3A_448 = arith.constant 464 : index
      %get3A_449 = tpu.vector_load %arg8[%get3A_447, %get3A_448] {strides = array<i32>} : memref<32x1024xf32, #tpu.memory_space<vmem>>, vector<1x16xf32>,
      %get3A_450 = vector.shape_cast %get3A_449 : vector<1x16xf32> to vector<16xf32>
      %get3A_451 = arith.index_cast %scan3A_42 : i32 to index
      %get3A_452 = arith.constant 464 : index
      %get3A_453 = tpu.vector_load %arg9[%get3A_451, %get3A_452] {strides = array<i32>} : memref<32x1024xf32, #tpu.memory_space<vmem>>, vector<1x16xf32>,
      %get3A_454 = vector.shape_cast %get3A_453 : vector<1x16xf32> to vector<16xf32>
      %add3A_455 = arith.addf %get3A_450, %get3A_454 : vector<16xf32>
      %swap3A_456 = arith.index_cast %scan3A_42 : i32 to index
      %swap3A_457 = arith.constant 464 : index
      %swap3A_458 = tpu.vector_load %arg8[%swap3A_456, %swap3A_457] {strides = array<i32>} : memref<32x1024xf32, #tpu.memory_space<vmem>>, vector<1x16xf32>,
      %swap3A_459 = vector.shape_cast %swap3A_458 : vector<1x16xf32> to vector<16xf32>
      %swap3A_460 = vector.shape_cast %add3A_455 : vector<16xf32> to vector<1x16xf32>
      tpu.vector_store %arg8[%swap3A_456, %swap3A_457], %swap3A_460 {strides = array<i32>} : memref<32x1024xf32, #tpu.memory_space<vmem>>, vector<1x16xf32>,
      %get3A_461 = arith.index_cast %scan3A_42 : i32 to index
      %get3A_462 = arith.constant 480 : index
      %get3A_463 = tpu.vector_load %arg8[%get3A_461, %get3A_462] {strides = array<i32>} : memref<32x1024xf32, #tpu.memory_space<vmem>>, vector<1x16xf32>,
      %get3A_464 = vector.shape_cast %get3A_463 : vector<1x16xf32> to vector<16xf32>
      %get3A_465 = arith.index_cast %scan3A_42 : i32 to index
      %get3A_466 = arith.constant 480 : index
      %get3A_467 = tpu.vector_load %arg9[%get3A_465, %get3A_466] {strides = array<i32>} : memref<32x1024xf32, #tpu.memory_space<vmem>>, vector<1x16xf32>,
      %get3A_468 = vector.shape_cast %get3A_467 : vector<1x16xf32> to vector<16xf32>
      %add3A_469 = arith.addf %get3A_464, %get3A_468 : vector<16xf32>
      %swap3A_470 = arith.index_cast %scan3A_42 : i32 to index
      %swap3A_471 = arith.constant 480 : index
      %swap3A_472 = tpu.vector_load %arg8[%swap3A_470, %swap3A_471] {strides = array<i32>} : memref<32x1024xf32, #tpu.memory_space<vmem>>, vector<1x16xf32>,
      %swap3A_473 = vector.shape_cast %swap3A_472 : vector<1x16xf32> to vector<16xf32>
      %swap3A_474 = vector.shape_cast %add3A_469 : vector<16xf32> to vector<1x16xf32>
      tpu.vector_store %arg8[%swap3A_470, %swap3A_471], %swap3A_474 {strides = array<i32>} : memref<32x1024xf32, #tpu.memory_space<vmem>>, vector<1x16xf32>,
      %get3A_475 = arith.index_cast %scan3A_42 : i32 to index
      %get3A_476 = arith.constant 496 : index
      %get3A_477 = tpu.vector_load %arg8[%get3A_475, %get3A_476] {strides = array<i32>} : memref<32x1024xf32, #tpu.memory_space<vmem>>, vector<1x16xf32>,
      %get3A_478 = vector.shape_cast %get3A_477 : vector<1x16xf32> to vector<16xf32>
      %get3A_479 = arith.index_cast %scan3A_42 : i32 to index
      %get3A_480 = arith.constant 496 : index
      %get3A_481 = tpu.vector_load %arg9[%get3A_479, %get3A_480] {strides = array<i32>} : memref<32x1024xf32, #tpu.memory_space<vmem>>, vector<1x16xf32>,
      %get3A_482 = vector.shape_cast %get3A_481 : vector<1x16xf32> to vector<16xf32>
      %add3A_483 = arith.addf %get3A_478, %get3A_482 : vector<16xf32>
      %swap3A_484 = arith.index_cast %scan3A_42 : i32 to index
      %swap3A_485 = arith.constant 496 : index
      %swap3A_486 = tpu.vector_load %arg8[%swap3A_484, %swap3A_485] {strides = array<i32>} : memref<32x1024xf32, #tpu.memory_space<vmem>>, vector<1x16xf32>,
      %swap3A_487 = vector.shape_cast %swap3A_486 : vector<1x16xf32> to vector<16xf32>
      %swap3A_488 = vector.shape_cast %add3A_483 : vector<16xf32> to vector<1x16xf32>
      tpu.vector_store %arg8[%swap3A_484, %swap3A_485], %swap3A_488 {strides = array<i32>} : memref<32x1024xf32, #tpu.memory_space<vmem>>, vector<1x16xf32>,
      %get3A_489 = arith.index_cast %scan3A_42 : i32 to index
      %get3A_490 = arith.constant 512 : index
      %get3A_491 = tpu.vector_load %arg8[%get3A_489, %get3A_490] {strides = array<i32>} : memref<32x1024xf32, #tpu.memory_space<vmem>>, vector<1x16xf32>,
      %get3A_492 = vector.shape_cast %get3A_491 : vector<1x16xf32> to vector<16xf32>
      %get3A_493 = arith.index_cast %scan3A_42 : i32 to index
      %get3A_494 = arith.constant 512 : index
      %get3A_495 = tpu.vector_load %arg9[%get3A_493, %get3A_494] {strides = array<i32>} : memref<32x1024xf32, #tpu.memory_space<vmem>>, vector<1x16xf32>,
      %get3A_496 = vector.shape_cast %get3A_495 : vector<1x16xf32> to vector<16xf32>
      %add3A_497 = arith.addf %get3A_492, %get3A_496 : vector<16xf32>
      %swap3A_498 = arith.index_cast %scan3A_42 : i32 to index
      %swap3A_499 = arith.constant 512 : index
      %swap3A_500 = tpu.vector_load %arg8[%swap3A_498, %swap3A_499] {strides = array<i32>} : memref<32x1024xf32, #tpu.memory_space<vmem>>, vector<1x16xf32>,
      %swap3A_501 = vector.shape_cast %swap3A_500 : vector<1x16xf32> to vector<16xf32>
      %swap3A_502 = vector.shape_cast %add3A_497 : vector<16xf32> to vector<1x16xf32>
      tpu.vector_store %arg8[%swap3A_498, %swap3A_499], %swap3A_502 {strides = array<i32>} : memref<32x1024xf32, #tpu.memory_space<vmem>>, vector<1x16xf32>,
      %get3A_503 = arith.index_cast %scan3A_42 : i32 to index
      %get3A_504 = arith.constant 528 : index
      %get3A_505 = tpu.vector_load %arg8[%get3A_503, %get3A_504] {strides = array<i32>} : memref<32x1024xf32, #tpu.memory_space<vmem>>, vector<1x16xf32>,
      %get3A_506 = vector.shape_cast %get3A_505 : vector<1x16xf32> to vector<16xf32>
      %get3A_507 = arith.index_cast %scan3A_42 : i32 to index
      %get3A_508 = arith.constant 528 : index
      %get3A_509 = tpu.vector_load %arg9[%get3A_507, %get3A_508] {strides = array<i32>} : memref<32x1024xf32, #tpu.memory_space<vmem>>, vector<1x16xf32>,
      %get3A_510 = vector.shape_cast %get3A_509 : vector<1x16xf32> to vector<16xf32>
      %add3A_511 = arith.addf %get3A_506, %get3A_510 : vector<16xf32>
      %swap3A_512 = arith.index_cast %scan3A_42 : i32 to index
      %swap3A_513 = arith.constant 528 : index
      %swap3A_514 = tpu.vector_load %arg8[%swap3A_512, %swap3A_513] {strides = array<i32>} : memref<32x1024xf32, #tpu.memory_space<vmem>>, vector<1x16xf32>,
      %swap3A_515 = vector.shape_cast %swap3A_514 : vector<1x16xf32> to vector<16xf32>
      %swap3A_516 = vector.shape_cast %add3A_511 : vector<16xf32> to vector<1x16xf32>
      tpu.vector_store %arg8[%swap3A_512, %swap3A_513], %swap3A_516 {strides = array<i32>} : memref<32x1024xf32, #tpu.memory_space<vmem>>, vector<1x16xf32>,
      %get3A_517 = arith.index_cast %scan3A_42 : i32 to index
      %get3A_518 = arith.constant 544 : index
      %get3A_519 = tpu.vector_load %arg8[%get3A_517, %get3A_518] {strides = array<i32>} : memref<32x1024xf32, #tpu.memory_space<vmem>>, vector<1x16xf32>,
      %get3A_520 = vector.shape_cast %get3A_519 : vector<1x16xf32> to vector<16xf32>
      %get3A_521 = arith.index_cast %scan3A_42 : i32 to index
      %get3A_522 = arith.constant 544 : index
      %get3A_523 = tpu.vector_load %arg9[%get3A_521, %get3A_522] {strides = array<i32>} : memref<32x1024xf32, #tpu.memory_space<vmem>>, vector<1x16xf32>,
      %get3A_524 = vector.shape_cast %get3A_523 : vector<1x16xf32> to vector<16xf32>
      %add3A_525 = arith.addf %get3A_520, %get3A_524 : vector<16xf32>
      %swap3A_526 = arith.index_cast %scan3A_42 : i32 to index
      %swap3A_527 = arith.constant 544 : index
      %swap3A_528 = tpu.vector_load %arg8[%swap3A_526, %swap3A_527] {strides = array<i32>} : memref<32x1024xf32, #tpu.memory_space<vmem>>, vector<1x16xf32>,
      %swap3A_529 = vector.shape_cast %swap3A_528 : vector<1x16xf32> to vector<16xf32>
      %swap3A_530 = vector.shape_cast %add3A_525 : vector<16xf32> to vector<1x16xf32>
      tpu.vector_store %arg8[%swap3A_526, %swap3A_527], %swap3A_530 {strides = array<i32>} : memref<32x1024xf32, #tpu.memory_space<vmem>>, vector<1x16xf32>,
      %get3A_531 = arith.index_cast %scan3A_42 : i32 to index
      %get3A_532 = arith.constant 560 : index
      %get3A_533 = tpu.vector_load %arg8[%get3A_531, %get3A_532] {strides = array<i32>} : memref<32x1024xf32, #tpu.memory_space<vmem>>, vector<1x16xf32>,
      %get3A_534 = vector.shape_cast %get3A_533 : vector<1x16xf32> to vector<16xf32>
      %get3A_535 = arith.index_cast %scan3A_42 : i32 to index
      %get3A_536 = arith.constant 560 : index
      %get3A_537 = tpu.vector_load %arg9[%get3A_535, %get3A_536] {strides = array<i32>} : memref<32x1024xf32, #tpu.memory_space<vmem>>, vector<1x16xf32>,
      %get3A_538 = vector.shape_cast %get3A_537 : vector<1x16xf32> to vector<16xf32>
      %add3A_539 = arith.addf %get3A_534, %get3A_538 : vector<16xf32>
      %swap3A_540 = arith.index_cast %scan3A_42 : i32 to index
      %swap3A_541 = arith.constant 560 : index
      %swap3A_542 = tpu.vector_load %arg8[%swap3A_540, %swap3A_541] {strides = array<i32>} : memref<32x1024xf32, #tpu.memory_space<vmem>>, vector<1x16xf32>,
      %swap3A_543 = vector.shape_cast %swap3A_542 : vector<1x16xf32> to vector<16xf32>
      %swap3A_544 = vector.shape_cast %add3A_539 : vector<16xf32> to vector<1x16xf32>
      tpu.vector_store %arg8[%swap3A_540, %swap3A_541], %swap3A_544 {strides = array<i32>} : memref<32x1024xf32, #tpu.memory_space<vmem>>, vector<1x16xf32>,
      %get3A_545 = arith.index_cast %scan3A_42 : i32 to index
      %get3A_546 = arith.constant 576 : index
      %get3A_547 = tpu.vector_load %arg8[%get3A_545, %get3A_546] {strides = array<i32>} : memref<32x1024xf32, #tpu.memory_space<vmem>>, vector<1x16xf32>,
      %get3A_548 = vector.shape_cast %get3A_547 : vector<1x16xf32> to vector<16xf32>
      %get3A_549 = arith.index_cast %scan3A_42 : i32 to index
      %get3A_550 = arith.constant 576 : index
      %get3A_551 = tpu.vector_load %arg9[%get3A_549, %get3A_550] {strides = array<i32>} : memref<32x1024xf32, #tpu.memory_space<vmem>>, vector<1x16xf32>,
      %get3A_552 = vector.shape_cast %get3A_551 : vector<1x16xf32> to vector<16xf32>
      %add3A_553 = arith.addf %get3A_548, %get3A_552 : vector<16xf32>
      %swap3A_554 = arith.index_cast %scan3A_42 : i32 to index
      %swap3A_555 = arith.constant 576 : index
      %swap3A_556 = tpu.vector_load %arg8[%swap3A_554, %swap3A_555] {strides = array<i32>} : memref<32x1024xf32, #tpu.memory_space<vmem>>, vector<1x16xf32>,
      %swap3A_557 = vector.shape_cast %swap3A_556 : vector<1x16xf32> to vector<16xf32>
      %swap3A_558 = vector.shape_cast %add3A_553 : vector<16xf32> to vector<1x16xf32>
      tpu.vector_store %arg8[%swap3A_554, %swap3A_555], %swap3A_558 {strides = array<i32>} : memref<32x1024xf32, #tpu.memory_space<vmem>>, vector<1x16xf32>,
      %get3A_559 = arith.index_cast %scan3A_42 : i32 to index
      %get3A_560 = arith.constant 592 : index
      %get3A_561 = tpu.vector_load %arg8[%get3A_559, %get3A_560] {strides = array<i32>} : memref<32x1024xf32, #tpu.memory_space<vmem>>, vector<1x16xf32>,
      %get3A_562 = vector.shape_cast %get3A_561 : vector<1x16xf32> to vector<16xf32>
      %get3A_563 = arith.index_cast %scan3A_42 : i32 to index
      %get3A_564 = arith.constant 592 : index
      %get3A_565 = tpu.vector_load %arg9[%get3A_563, %get3A_564] {strides = array<i32>} : memref<32x1024xf32, #tpu.memory_space<vmem>>, vector<1x16xf32>,
      %get3A_566 = vector.shape_cast %get3A_565 : vector<1x16xf32> to vector<16xf32>
      %add3A_567 = arith.addf %get3A_562, %get3A_566 : vector<16xf32>
      %swap3A_568 = arith.index_cast %scan3A_42 : i32 to index
      %swap3A_569 = arith.constant 592 : index
      %swap3A_570 = tpu.vector_load %arg8[%swap3A_568, %swap3A_569] {strides = array<i32>} : memref<32x1024xf32, #tpu.memory_space<vmem>>, vector<1x16xf32>,
      %swap3A_571 = vector.shape_cast %swap3A_570 : vector<1x16xf32> to vector<16xf32>
      %swap3A_572 = vector.shape_cast %add3A_567 : vector<16xf32> to vector<1x16xf32>
      tpu.vector_store %arg8[%swap3A_568, %swap3A_569], %swap3A_572 {strides = array<i32>} : memref<32x1024xf32, #tpu.memory_space<vmem>>, vector<1x16xf32>,
      %get3A_573 = arith.index_cast %scan3A_42 : i32 to index
      %get3A_574 = arith.constant 608 : index
      %get3A_575 = tpu.vector_load %arg8[%get3A_573, %get3A_574] {strides = array<i32>} : memref<32x1024xf32, #tpu.memory_space<vmem>>, vector<1x16xf32>,
      %get3A_576 = vector.shape_cast %get3A_575 : vector<1x16xf32> to vector<16xf32>
      %get3A_577 = arith.index_cast %scan3A_42 : i32 to index
      %get3A_578 = arith.constant 608 : index
      %get3A_579 = tpu.vector_load %arg9[%get3A_577, %get3A_578] {strides = array<i32>} : memref<32x1024xf32, #tpu.memory_space<vmem>>, vector<1x16xf32>,
      %get3A_580 = vector.shape_cast %get3A_579 : vector<1x16xf32> to vector<16xf32>
      %add3A_581 = arith.addf %get3A_576, %get3A_580 : vector<16xf32>
      %swap3A_582 = arith.index_cast %scan3A_42 : i32 to index
      %swap3A_583 = arith.constant 608 : index
      %swap3A_584 = tpu.vector_load %arg8[%swap3A_582, %swap3A_583] {strides = array<i32>} : memref<32x1024xf32, #tpu.memory_space<vmem>>, vector<1x16xf32>,
      %swap3A_585 = vector.shape_cast %swap3A_584 : vector<1x16xf32> to vector<16xf32>
      %swap3A_586 = vector.shape_cast %add3A_581 : vector<16xf32> to vector<1x16xf32>
      tpu.vector_store %arg8[%swap3A_582, %swap3A_583], %swap3A_586 {strides = array<i32>} : memref<32x1024xf32, #tpu.memory_space<vmem>>, vector<1x16xf32>,
      %get3A_587 = arith.index_cast %scan3A_42 : i32 to index
      %get3A_588 = arith.constant 624 : index
      %get3A_589 = tpu.vector_load %arg8[%get3A_587, %get3A_588] {strides = array<i32>} : memref<32x1024xf32, #tpu.memory_space<vmem>>, vector<1x16xf32>,
      %get3A_590 = vector.shape_cast %get3A_589 : vector<1x16xf32> to vector<16xf32>
      %get3A_591 = arith.index_cast %scan3A_42 : i32 to index
      %get3A_592 = arith.constant 624 : index
      %get3A_593 = tpu.vector_load %arg9[%get3A_591, %get3A_592] {strides = array<i32>} : memref<32x1024xf32, #tpu.memory_space<vmem>>, vector<1x16xf32>,
      %get3A_594 = vector.shape_cast %get3A_593 : vector<1x16xf32> to vector<16xf32>
      %add3A_595 = arith.addf %get3A_590, %get3A_594 : vector<16xf32>
      %swap3A_596 = arith.index_cast %scan3A_42 : i32 to index
      %swap3A_597 = arith.constant 624 : index
      %swap3A_598 = tpu.vector_load %arg8[%swap3A_596, %swap3A_597] {strides = array<i32>} : memref<32x1024xf32, #tpu.memory_space<vmem>>, vector<1x16xf32>,
      %swap3A_599 = vector.shape_cast %swap3A_598 : vector<1x16xf32> to vector<16xf32>
      %swap3A_600 = vector.shape_cast %add3A_595 : vector<16xf32> to vector<1x16xf32>
      tpu.vector_store %arg8[%swap3A_596, %swap3A_597], %swap3A_600 {strides = array<i32>} : memref<32x1024xf32, #tpu.memory_space<vmem>>, vector<1x16xf32>,
      %get3A_601 = arith.index_cast %scan3A_42 : i32 to index
      %get3A_602 = arith.constant 640 : index
      %get3A_603 = tpu.vector_load %arg8[%get3A_601, %get3A_602] {strides = array<i32>} : memref<32x1024xf32, #tpu.memory_space<vmem>>, vector<1x16xf32>,
      %get3A_604 = vector.shape_cast %get3A_603 : vector<1x16xf32> to vector<16xf32>
      %get3A_605 = arith.index_cast %scan3A_42 : i32 to index
      %get3A_606 = arith.constant 640 : index
      %get3A_607 = tpu.vector_load %arg9[%get3A_605, %get3A_606] {strides = array<i32>} : memref<32x1024xf32, #tpu.memory_space<vmem>>, vector<1x16xf32>,
      %get3A_608 = vector.shape_cast %get3A_607 : vector<1x16xf32> to vector<16xf32>
      %add3A_609 = arith.addf %get3A_604, %get3A_608 : vector<16xf32>
      %swap3A_610 = arith.index_cast %scan3A_42 : i32 to index
      %swap3A_611 = arith.constant 640 : index
      %swap3A_612 = tpu.vector_load %arg8[%swap3A_610, %swap3A_611] {strides = array<i32>} : memref<32x1024xf32, #tpu.memory_space<vmem>>, vector<1x16xf32>,
      %swap3A_613 = vector.shape_cast %swap3A_612 : vector<1x16xf32> to vector<16xf32>
      %swap3A_614 = vector.shape_cast %add3A_609 : vector<16xf32> to vector<1x16xf32>
      tpu.vector_store %arg8[%swap3A_610, %swap3A_611], %swap3A_614 {strides = array<i32>} : memref<32x1024xf32, #tpu.memory_space<vmem>>, vector<1x16xf32>,
      %get3A_615 = arith.index_cast %scan3A_42 : i32 to index
      %get3A_616 = arith.constant 656 : index
      %get3A_617 = tpu.vector_load %arg8[%get3A_615, %get3A_616] {strides = array<i32>} : memref<32x1024xf32, #tpu.memory_space<vmem>>, vector<1x16xf32>,
      %get3A_618 = vector.shape_cast %get3A_617 : vector<1x16xf32> to vector<16xf32>
      %get3A_619 = arith.index_cast %scan3A_42 : i32 to index
      %get3A_620 = arith.constant 656 : index
      %get3A_621 = tpu.vector_load %arg9[%get3A_619, %get3A_620] {strides = array<i32>} : memref<32x1024xf32, #tpu.memory_space<vmem>>, vector<1x16xf32>,
      %get3A_622 = vector.shape_cast %get3A_621 : vector<1x16xf32> to vector<16xf32>
      %add3A_623 = arith.addf %get3A_618, %get3A_622 : vector<16xf32>
      %swap3A_624 = arith.index_cast %scan3A_42 : i32 to index
      %swap3A_625 = arith.constant 656 : index
      %swap3A_626 = tpu.vector_load %arg8[%swap3A_624, %swap3A_625] {strides = array<i32>} : memref<32x1024xf32, #tpu.memory_space<vmem>>, vector<1x16xf32>,
      %swap3A_627 = vector.shape_cast %swap3A_626 : vector<1x16xf32> to vector<16xf32>
      %swap3A_628 = vector.shape_cast %add3A_623 : vector<16xf32> to vector<1x16xf32>
      tpu.vector_store %arg8[%swap3A_624, %swap3A_625], %swap3A_628 {strides = array<i32>} : memref<32x1024xf32, #tpu.memory_space<vmem>>, vector<1x16xf32>,
      %get3A_629 = arith.index_cast %scan3A_42 : i32 to index
      %get3A_630 = arith.constant 672 : index
      %get3A_631 = tpu.vector_load %arg8[%get3A_629, %get3A_630] {strides = array<i32>} : memref<32x1024xf32, #tpu.memory_space<vmem>>, vector<1x16xf32>,
      %get3A_632 = vector.shape_cast %get3A_631 : vector<1x16xf32> to vector<16xf32>
      %get3A_633 = arith.index_cast %scan3A_42 : i32 to index
      %get3A_634 = arith.constant 672 : index
      %get3A_635 = tpu.vector_load %arg9[%get3A_633, %get3A_634] {strides = array<i32>} : memref<32x1024xf32, #tpu.memory_space<vmem>>, vector<1x16xf32>,
      %get3A_636 = vector.shape_cast %get3A_635 : vector<1x16xf32> to vector<16xf32>
      %add3A_637 = arith.addf %get3A_632, %get3A_636 : vector<16xf32>
      %swap3A_638 = arith.index_cast %scan3A_42 : i32 to index
      %swap3A_639 = arith.constant 672 : index
      %swap3A_640 = tpu.vector_load %arg8[%swap3A_638, %swap3A_639] {strides = array<i32>} : memref<32x1024xf32, #tpu.memory_space<vmem>>, vector<1x16xf32>,
      %swap3A_641 = vector.shape_cast %swap3A_640 : vector<1x16xf32> to vector<16xf32>
      %swap3A_642 = vector.shape_cast %add3A_637 : vector<16xf32> to vector<1x16xf32>
      tpu.vector_store %arg8[%swap3A_638, %swap3A_639], %swap3A_642 {strides = array<i32>} : memref<32x1024xf32, #tpu.memory_space<vmem>>, vector<1x16xf32>,
      %get3A_643 = arith.index_cast %scan3A_42 : i32 to index
      %get3A_644 = arith.constant 688 : index
      %get3A_645 = tpu.vector_load %arg8[%get3A_643, %get3A_644] {strides = array<i32>} : memref<32x1024xf32, #tpu.memory_space<vmem>>, vector<1x16xf32>,
      %get3A_646 = vector.shape_cast %get3A_645 : vector<1x16xf32> to vector<16xf32>
      %get3A_647 = arith.index_cast %scan3A_42 : i32 to index
      %get3A_648 = arith.constant 688 : index
      %get3A_649 = tpu.vector_load %arg9[%get3A_647, %get3A_648] {strides = array<i32>} : memref<32x1024xf32, #tpu.memory_space<vmem>>, vector<1x16xf32>,
      %get3A_650 = vector.shape_cast %get3A_649 : vector<1x16xf32> to vector<16xf32>
      %add3A_651 = arith.addf %get3A_646, %get3A_650 : vector<16xf32>
      %swap3A_652 = arith.index_cast %scan3A_42 : i32 to index
      %swap3A_653 = arith.constant 688 : index
      %swap3A_654 = tpu.vector_load %arg8[%swap3A_652, %swap3A_653] {strides = array<i32>} : memref<32x1024xf32, #tpu.memory_space<vmem>>, vector<1x16xf32>,
      %swap3A_655 = vector.shape_cast %swap3A_654 : vector<1x16xf32> to vector<16xf32>
      %swap3A_656 = vector.shape_cast %add3A_651 : vector<16xf32> to vector<1x16xf32>
      tpu.vector_store %arg8[%swap3A_652, %swap3A_653], %swap3A_656 {strides = array<i32>} : memref<32x1024xf32, #tpu.memory_space<vmem>>, vector<1x16xf32>,
      %get3A_657 = arith.index_cast %scan3A_42 : i32 to index
      %get3A_658 = arith.constant 704 : index
      %get3A_659 = tpu.vector_load %arg8[%get3A_657, %get3A_658] {strides = array<i32>} : memref<32x1024xf32, #tpu.memory_space<vmem>>, vector<1x16xf32>,
      %get3A_660 = vector.shape_cast %get3A_659 : vector<1x16xf32> to vector<16xf32>
      %get3A_661 = arith.index_cast %scan3A_42 : i32 to index
      %get3A_662 = arith.constant 704 : index
      %get3A_663 = tpu.vector_load %arg9[%get3A_661, %get3A_662] {strides = array<i32>} : memref<32x1024xf32, #tpu.memory_space<vmem>>, vector<1x16xf32>,
      %get3A_664 = vector.shape_cast %get3A_663 : vector<1x16xf32> to vector<16xf32>
      %add3A_665 = arith.addf %get3A_660, %get3A_664 : vector<16xf32>
      %swap3A_666 = arith.index_cast %scan3A_42 : i32 to index
      %swap3A_667 = arith.constant 704 : index
      %swap3A_668 = tpu.vector_load %arg8[%swap3A_666, %swap3A_667] {strides = array<i32>} : memref<32x1024xf32, #tpu.memory_space<vmem>>, vector<1x16xf32>,
      %swap3A_669 = vector.shape_cast %swap3A_668 : vector<1x16xf32> to vector<16xf32>
      %swap3A_670 = vector.shape_cast %add3A_665 : vector<16xf32> to vector<1x16xf32>
      tpu.vector_store %arg8[%swap3A_666, %swap3A_667], %swap3A_670 {strides = array<i32>} : memref<32x1024xf32, #tpu.memory_space<vmem>>, vector<1x16xf32>,
      %get3A_671 = arith.index_cast %scan3A_42 : i32 to index
      %get3A_672 = arith.constant 720 : index
      %get3A_673 = tpu.vector_load %arg8[%get3A_671, %get3A_672] {strides = array<i32>} : memref<32x1024xf32, #tpu.memory_space<vmem>>, vector<1x16xf32>,
      %get3A_674 = vector.shape_cast %get3A_673 : vector<1x16xf32> to vector<16xf32>
      %get3A_675 = arith.index_cast %scan3A_42 : i32 to index
      %get3A_676 = arith.constant 720 : index
      %get3A_677 = tpu.vector_load %arg9[%get3A_675, %get3A_676] {strides = array<i32>} : memref<32x1024xf32, #tpu.memory_space<vmem>>, vector<1x16xf32>,
      %get3A_678 = vector.shape_cast %get3A_677 : vector<1x16xf32> to vector<16xf32>
      %add3A_679 = arith.addf %get3A_674, %get3A_678 : vector<16xf32>
      %swap3A_680 = arith.index_cast %scan3A_42 : i32 to index
      %swap3A_681 = arith.constant 720 : index
      %swap3A_682 = tpu.vector_load %arg8[%swap3A_680, %swap3A_681] {strides = array<i32>} : memref<32x1024xf32, #tpu.memory_space<vmem>>, vector<1x16xf32>,
      %swap3A_683 = vector.shape_cast %swap3A_682 : vector<1x16xf32> to vector<16xf32>
      %swap3A_684 = vector.shape_cast %add3A_679 : vector<16xf32> to vector<1x16xf32>
      tpu.vector_store %arg8[%swap3A_680, %swap3A_681], %swap3A_684 {strides = array<i32>} : memref<32x1024xf32, #tpu.memory_space<vmem>>, vector<1x16xf32>,
      %get3A_685 = arith.index_cast %scan3A_42 : i32 to index
      %get3A_686 = arith.constant 736 : index
      %get3A_687 = tpu.vector_load %arg8[%get3A_685, %get3A_686] {strides = array<i32>} : memref<32x1024xf32, #tpu.memory_space<vmem>>, vector<1x16xf32>,
      %get3A_688 = vector.shape_cast %get3A_687 : vector<1x16xf32> to vector<16xf32>
      %get3A_689 = arith.index_cast %scan3A_42 : i32 to index
      %get3A_690 = arith.constant 736 : index
      %get3A_691 = tpu.vector_load %arg9[%get3A_689, %get3A_690] {strides = array<i32>} : memref<32x1024xf32, #tpu.memory_space<vmem>>, vector<1x16xf32>,
      %get3A_692 = vector.shape_cast %get3A_691 : vector<1x16xf32> to vector<16xf32>
      %add3A_693 = arith.addf %get3A_688, %get3A_692 : vector<16xf32>
      %swap3A_694 = arith.index_cast %scan3A_42 : i32 to index
      %swap3A_695 = arith.constant 736 : index
      %swap3A_696 = tpu.vector_load %arg8[%swap3A_694, %swap3A_695] {strides = array<i32>} : memref<32x1024xf32, #tpu.memory_space<vmem>>, vector<1x16xf32>,
      %swap3A_697 = vector.shape_cast %swap3A_696 : vector<1x16xf32> to vector<16xf32>
      %swap3A_698 = vector.shape_cast %add3A_693 : vector<16xf32> to vector<1x16xf32>
      tpu.vector_store %arg8[%swap3A_694, %swap3A_695], %swap3A_698 {strides = array<i32>} : memref<32x1024xf32, #tpu.memory_space<vmem>>, vector<1x16xf32>,
      %get3A_699 = arith.index_cast %scan3A_42 : i32 to index
      %get3A_700 = arith.constant 752 : index
      %get3A_701 = tpu.vector_load %arg8[%get3A_699, %get3A_700] {strides = array<i32>} : memref<32x1024xf32, #tpu.memory_space<vmem>>, vector<1x16xf32>,
      %get3A_702 = vector.shape_cast %get3A_701 : vector<1x16xf32> to vector<16xf32>
      %get3A_703 = arith.index_cast %scan3A_42 : i32 to index
      %get3A_704 = arith.constant 752 : index
      %get3A_705 = tpu.vector_load %arg9[%get3A_703, %get3A_704] {strides = array<i32>} : memref<32x1024xf32, #tpu.memory_space<vmem>>, vector<1x16xf32>,
      %get3A_706 = vector.shape_cast %get3A_705 : vector<1x16xf32> to vector<16xf32>
      %add3A_707 = arith.addf %get3A_702, %get3A_706 : vector<16xf32>
      %swap3A_708 = arith.index_cast %scan3A_42 : i32 to index
      %swap3A_709 = arith.constant 752 : index
      %swap3A_710 = tpu.vector_load %arg8[%swap3A_708, %swap3A_709] {strides = array<i32>} : memref<32x1024xf32, #tpu.memory_space<vmem>>, vector<1x16xf32>,
      %swap3A_711 = vector.shape_cast %swap3A_710 : vector<1x16xf32> to vector<16xf32>
      %swap3A_712 = vector.shape_cast %add3A_707 : vector<16xf32> to vector<1x16xf32>
      tpu.vector_store %arg8[%swap3A_708, %swap3A_709], %swap3A_712 {strides = array<i32>} : memref<32x1024xf32, #tpu.memory_space<vmem>>, vector<1x16xf32>,
      %get3A_713 = arith.index_cast %scan3A_42 : i32 to index
      %get3A_714 = arith.constant 768 : index
      %get3A_715 = tpu.vector_load %arg8[%get3A_713, %get3A_714] {strides = array<i32>} : memref<32x1024xf32, #tpu.memory_space<vmem>>, vector<1x16xf32>,
      %get3A_716 = vector.shape_cast %get3A_715 : vector<1x16xf32> to vector<16xf32>
      %get3A_717 = arith.index_cast %scan3A_42 : i32 to index
      %get3A_718 = arith.constant 768 : index
      %get3A_719 = tpu.vector_load %arg9[%get3A_717, %get3A_718] {strides = array<i32>} : memref<32x1024xf32, #tpu.memory_space<vmem>>, vector<1x16xf32>,
      %get3A_720 = vector.shape_cast %get3A_719 : vector<1x16xf32> to vector<16xf32>
      %add3A_721 = arith.addf %get3A_716, %get3A_720 : vector<16xf32>
      %swap3A_722 = arith.index_cast %scan3A_42 : i32 to index
      %swap3A_723 = arith.constant 768 : index
      %swap3A_724 = tpu.vector_load %arg8[%swap3A_722, %swap3A_723] {strides = array<i32>} : memref<32x1024xf32, #tpu.memory_space<vmem>>, vector<1x16xf32>,
      %swap3A_725 = vector.shape_cast %swap3A_724 : vector<1x16xf32> to vector<16xf32>
      %swap3A_726 = vector.shape_cast %add3A_721 : vector<16xf32> to vector<1x16xf32>
      tpu.vector_store %arg8[%swap3A_722, %swap3A_723], %swap3A_726 {strides = array<i32>} : memref<32x1024xf32, #tpu.memory_space<vmem>>, vector<1x16xf32>,
      %get3A_727 = arith.index_cast %scan3A_42 : i32 to index
      %get3A_728 = arith.constant 784 : index
      %get3A_729 = tpu.vector_load %arg8[%get3A_727, %get3A_728] {strides = array<i32>} : memref<32x1024xf32, #tpu.memory_space<vmem>>, vector<1x16xf32>,
      %get3A_730 = vector.shape_cast %get3A_729 : vector<1x16xf32> to vector<16xf32>
      %get3A_731 = arith.index_cast %scan3A_42 : i32 to index
      %get3A_732 = arith.constant 784 : index
      %get3A_733 = tpu.vector_load %arg9[%get3A_731, %get3A_732] {strides = array<i32>} : memref<32x1024xf32, #tpu.memory_space<vmem>>, vector<1x16xf32>,
      %get3A_734 = vector.shape_cast %get3A_733 : vector<1x16xf32> to vector<16xf32>
      %add3A_735 = arith.addf %get3A_730, %get3A_734 : vector<16xf32>
      %swap3A_736 = arith.index_cast %scan3A_42 : i32 to index
      %swap3A_737 = arith.constant 784 : index
      %swap3A_738 = tpu.vector_load %arg8[%swap3A_736, %swap3A_737] {strides = array<i32>} : memref<32x1024xf32, #tpu.memory_space<vmem>>, vector<1x16xf32>,
      %swap3A_739 = vector.shape_cast %swap3A_738 : vector<1x16xf32> to vector<16xf32>
      %swap3A_740 = vector.shape_cast %add3A_735 : vector<16xf32> to vector<1x16xf32>
      tpu.vector_store %arg8[%swap3A_736, %swap3A_737], %swap3A_740 {strides = array<i32>} : memref<32x1024xf32, #tpu.memory_space<vmem>>, vector<1x16xf32>,
      %get3A_741 = arith.index_cast %scan3A_42 : i32 to index
      %get3A_742 = arith.constant 800 : index
      %get3A_743 = tpu.vector_load %arg8[%get3A_741, %get3A_742] {strides = array<i32>} : memref<32x1024xf32, #tpu.memory_space<vmem>>, vector<1x16xf32>,
      %get3A_744 = vector.shape_cast %get3A_743 : vector<1x16xf32> to vector<16xf32>
      %get3A_745 = arith.index_cast %scan3A_42 : i32 to index
      %get3A_746 = arith.constant 800 : index
      %get3A_747 = tpu.vector_load %arg9[%get3A_745, %get3A_746] {strides = array<i32>} : memref<32x1024xf32, #tpu.memory_space<vmem>>, vector<1x16xf32>,
      %get3A_748 = vector.shape_cast %get3A_747 : vector<1x16xf32> to vector<16xf32>
      %add3A_749 = arith.addf %get3A_744, %get3A_748 : vector<16xf32>
      %swap3A_750 = arith.index_cast %scan3A_42 : i32 to index
      %swap3A_751 = arith.constant 800 : index
      %swap3A_752 = tpu.vector_load %arg8[%swap3A_750, %swap3A_751] {strides = array<i32>} : memref<32x1024xf32, #tpu.memory_space<vmem>>, vector<1x16xf32>,
      %swap3A_753 = vector.shape_cast %swap3A_752 : vector<1x16xf32> to vector<16xf32>
      %swap3A_754 = vector.shape_cast %add3A_749 : vector<16xf32> to vector<1x16xf32>
      tpu.vector_store %arg8[%swap3A_750, %swap3A_751], %swap3A_754 {strides = array<i32>} : memref<32x1024xf32, #tpu.memory_space<vmem>>, vector<1x16xf32>,
      %get3A_755 = arith.index_cast %scan3A_42 : i32 to index
      %get3A_756 = arith.constant 816 : index
      %get3A_757 = tpu.vector_load %arg8[%get3A_755, %get3A_756] {strides = array<i32>} : memref<32x1024xf32, #tpu.memory_space<vmem>>, vector<1x16xf32>,
      %get3A_758 = vector.shape_cast %get3A_757 : vector<1x16xf32> to vector<16xf32>
      %get3A_759 = arith.index_cast %scan3A_42 : i32 to index
      %get3A_760 = arith.constant 816 : index
      %get3A_761 = tpu.vector_load %arg9[%get3A_759, %get3A_760] {strides = array<i32>} : memref<32x1024xf32, #tpu.memory_space<vmem>>, vector<1x16xf32>,
      %get3A_762 = vector.shape_cast %get3A_761 : vector<1x16xf32> to vector<16xf32>
      %add3A_763 = arith.addf %get3A_758, %get3A_762 : vector<16xf32>
      %swap3A_764 = arith.index_cast %scan3A_42 : i32 to index
      %swap3A_765 = arith.constant 816 : index
      %swap3A_766 = tpu.vector_load %arg8[%swap3A_764, %swap3A_765] {strides = array<i32>} : memref<32x1024xf32, #tpu.memory_space<vmem>>, vector<1x16xf32>,
      %swap3A_767 = vector.shape_cast %swap3A_766 : vector<1x16xf32> to vector<16xf32>
      %swap3A_768 = vector.shape_cast %add3A_763 : vector<16xf32> to vector<1x16xf32>
      tpu.vector_store %arg8[%swap3A_764, %swap3A_765], %swap3A_768 {strides = array<i32>} : memref<32x1024xf32, #tpu.memory_space<vmem>>, vector<1x16xf32>,
      %get3A_769 = arith.index_cast %scan3A_42 : i32 to index
      %get3A_770 = arith.constant 832 : index
      %get3A_771 = tpu.vector_load %arg8[%get3A_769, %get3A_770] {strides = array<i32>} : memref<32x1024xf32, #tpu.memory_space<vmem>>, vector<1x16xf32>,
      %get3A_772 = vector.shape_cast %get3A_771 : vector<1x16xf32> to vector<16xf32>
      %get3A_773 = arith.index_cast %scan3A_42 : i32 to index
      %get3A_774 = arith.constant 832 : index
      %get3A_775 = tpu.vector_load %arg9[%get3A_773, %get3A_774] {strides = array<i32>} : memref<32x1024xf32, #tpu.memory_space<vmem>>, vector<1x16xf32>,
      %get3A_776 = vector.shape_cast %get3A_775 : vector<1x16xf32> to vector<16xf32>
      %add3A_777 = arith.addf %get3A_772, %get3A_776 : vector<16xf32>
      %swap3A_778 = arith.index_cast %scan3A_42 : i32 to index
      %swap3A_779 = arith.constant 832 : index
      %swap3A_780 = tpu.vector_load %arg8[%swap3A_778, %swap3A_779] {strides = array<i32>} : memref<32x1024xf32, #tpu.memory_space<vmem>>, vector<1x16xf32>,
      %swap3A_781 = vector.shape_cast %swap3A_780 : vector<1x16xf32> to vector<16xf32>
      %swap3A_782 = vector.shape_cast %add3A_777 : vector<16xf32> to vector<1x16xf32>
      tpu.vector_store %arg8[%swap3A_778, %swap3A_779], %swap3A_782 {strides = array<i32>} : memref<32x1024xf32, #tpu.memory_space<vmem>>, vector<1x16xf32>,
      %get3A_783 = arith.index_cast %scan3A_42 : i32 to index
      %get3A_784 = arith.constant 848 : index
      %get3A_785 = tpu.vector_load %arg8[%get3A_783, %get3A_784] {strides = array<i32>} : memref<32x1024xf32, #tpu.memory_space<vmem>>, vector<1x16xf32>,
      %get3A_786 = vector.shape_cast %get3A_785 : vector<1x16xf32> to vector<16xf32>
      %get3A_787 = arith.index_cast %scan3A_42 : i32 to index
      %get3A_788 = arith.constant 848 : index
      %get3A_789 = tpu.vector_load %arg9[%get3A_787, %get3A_788] {strides = array<i32>} : memref<32x1024xf32, #tpu.memory_space<vmem>>, vector<1x16xf32>,
      %get3A_790 = vector.shape_cast %get3A_789 : vector<1x16xf32> to vector<16xf32>
      %add3A_791 = arith.addf %get3A_786, %get3A_790 : vector<16xf32>
      %swap3A_792 = arith.index_cast %scan3A_42 : i32 to index
      %swap3A_793 = arith.constant 848 : index
      %swap3A_794 = tpu.vector_load %arg8[%swap3A_792, %swap3A_793] {strides = array<i32>} : memref<32x1024xf32, #tpu.memory_space<vmem>>, vector<1x16xf32>,
      %swap3A_795 = vector.shape_cast %swap3A_794 : vector<1x16xf32> to vector<16xf32>
      %swap3A_796 = vector.shape_cast %add3A_791 : vector<16xf32> to vector<1x16xf32>
      tpu.vector_store %arg8[%swap3A_792, %swap3A_793], %swap3A_796 {strides = array<i32>} : memref<32x1024xf32, #tpu.memory_space<vmem>>, vector<1x16xf32>,
      %get3A_797 = arith.index_cast %scan3A_42 : i32 to index
      %get3A_798 = arith.constant 864 : index
      %get3A_799 = tpu.vector_load %arg8[%get3A_797, %get3A_798] {strides = array<i32>} : memref<32x1024xf32, #tpu.memory_space<vmem>>, vector<1x16xf32>,
      %get3A_800 = vector.shape_cast %get3A_799 : vector<1x16xf32> to vector<16xf32>
      %get3A_801 = arith.index_cast %scan3A_42 : i32 to index
      %get3A_802 = arith.constant 864 : index
      %get3A_803 = tpu.vector_load %arg9[%get3A_801, %get3A_802] {strides = array<i32>} : memref<32x1024xf32, #tpu.memory_space<vmem>>, vector<1x16xf32>,
      %get3A_804 = vector.shape_cast %get3A_803 : vector<1x16xf32> to vector<16xf32>
      %add3A_805 = arith.addf %get3A_800, %get3A_804 : vector<16xf32>
      %swap3A_806 = arith.index_cast %scan3A_42 : i32 to index
      %swap3A_807 = arith.constant 864 : index
      %swap3A_808 = tpu.vector_load %arg8[%swap3A_806, %swap3A_807] {strides = array<i32>} : memref<32x1024xf32, #tpu.memory_space<vmem>>, vector<1x16xf32>,
      %swap3A_809 = vector.shape_cast %swap3A_808 : vector<1x16xf32> to vector<16xf32>
      %swap3A_810 = vector.shape_cast %add3A_805 : vector<16xf32> to vector<1x16xf32>
      tpu.vector_store %arg8[%swap3A_806, %swap3A_807], %swap3A_810 {strides = array<i32>} : memref<32x1024xf32, #tpu.memory_space<vmem>>, vector<1x16xf32>,
      %get3A_811 = arith.index_cast %scan3A_42 : i32 to index
      %get3A_812 = arith.constant 880 : index
      %get3A_813 = tpu.vector_load %arg8[%get3A_811, %get3A_812] {strides = array<i32>} : memref<32x1024xf32, #tpu.memory_space<vmem>>, vector<1x16xf32>,
      %get3A_814 = vector.shape_cast %get3A_813 : vector<1x16xf32> to vector<16xf32>
      %get3A_815 = arith.index_cast %scan3A_42 : i32 to index
      %get3A_816 = arith.constant 880 : index
      %get3A_817 = tpu.vector_load %arg9[%get3A_815, %get3A_816] {strides = array<i32>} : memref<32x1024xf32, #tpu.memory_space<vmem>>, vector<1x16xf32>,
      %get3A_818 = vector.shape_cast %get3A_817 : vector<1x16xf32> to vector<16xf32>
      %add3A_819 = arith.addf %get3A_814, %get3A_818 : vector<16xf32>
      %swap3A_820 = arith.index_cast %scan3A_42 : i32 to index
      %swap3A_821 = arith.constant 880 : index
      %swap3A_822 = tpu.vector_load %arg8[%swap3A_820, %swap3A_821] {strides = array<i32>} : memref<32x1024xf32, #tpu.memory_space<vmem>>, vector<1x16xf32>,
      %swap3A_823 = vector.shape_cast %swap3A_822 : vector<1x16xf32> to vector<16xf32>
      %swap3A_824 = vector.shape_cast %add3A_819 : vector<16xf32> to vector<1x16xf32>
      tpu.vector_store %arg8[%swap3A_820, %swap3A_821], %swap3A_824 {strides = array<i32>} : memref<32x1024xf32, #tpu.memory_space<vmem>>, vector<1x16xf32>,
      %get3A_825 = arith.index_cast %scan3A_42 : i32 to index
      %get3A_826 = arith.constant 896 : index
      %get3A_827 = tpu.vector_load %arg8[%get3A_825, %get3A_826] {strides = array<i32>} : memref<32x1024xf32, #tpu.memory_space<vmem>>, vector<1x16xf32>,
      %get3A_828 = vector.shape_cast %get3A_827 : vector<1x16xf32> to vector<16xf32>
      %get3A_829 = arith.index_cast %scan3A_42 : i32 to index
      %get3A_830 = arith.constant 896 : index
      %get3A_831 = tpu.vector_load %arg9[%get3A_829, %get3A_830] {strides = array<i32>} : memref<32x1024xf32, #tpu.memory_space<vmem>>, vector<1x16xf32>,
      %get3A_832 = vector.shape_cast %get3A_831 : vector<1x16xf32> to vector<16xf32>
      %add3A_833 = arith.addf %get3A_828, %get3A_832 : vector<16xf32>
      %swap3A_834 = arith.index_cast %scan3A_42 : i32 to index
      %swap3A_835 = arith.constant 896 : index
      %swap3A_836 = tpu.vector_load %arg8[%swap3A_834, %swap3A_835] {strides = array<i32>} : memref<32x1024xf32, #tpu.memory_space<vmem>>, vector<1x16xf32>,
      %swap3A_837 = vector.shape_cast %swap3A_836 : vector<1x16xf32> to vector<16xf32>
      %swap3A_838 = vector.shape_cast %add3A_833 : vector<16xf32> to vector<1x16xf32>
      tpu.vector_store %arg8[%swap3A_834, %swap3A_835], %swap3A_838 {strides = array<i32>} : memref<32x1024xf32, #tpu.memory_space<vmem>>, vector<1x16xf32>,
      %get3A_839 = arith.index_cast %scan3A_42 : i32 to index
      %get3A_840 = arith.constant 912 : index
      %get3A_841 = tpu.vector_load %arg8[%get3A_839, %get3A_840] {strides = array<i32>} : memref<32x1024xf32, #tpu.memory_space<vmem>>, vector<1x16xf32>,
      %get3A_842 = vector.shape_cast %get3A_841 : vector<1x16xf32> to vector<16xf32>
      %get3A_843 = arith.index_cast %scan3A_42 : i32 to index
      %get3A_844 = arith.constant 912 : index
      %get3A_845 = tpu.vector_load %arg9[%get3A_843, %get3A_844] {strides = array<i32>} : memref<32x1024xf32, #tpu.memory_space<vmem>>, vector<1x16xf32>,
      %get3A_846 = vector.shape_cast %get3A_845 : vector<1x16xf32> to vector<16xf32>
      %add3A_847 = arith.addf %get3A_842, %get3A_846 : vector<16xf32>
      %swap3A_848 = arith.index_cast %scan3A_42 : i32 to index
      %swap3A_849 = arith.constant 912 : index
      %swap3A_850 = tpu.vector_load %arg8[%swap3A_848, %swap3A_849] {strides = array<i32>} : memref<32x1024xf32, #tpu.memory_space<vmem>>, vector<1x16xf32>,
      %swap3A_851 = vector.shape_cast %swap3A_850 : vector<1x16xf32> to vector<16xf32>
      %swap3A_852 = vector.shape_cast %add3A_847 : vector<16xf32> to vector<1x16xf32>
      tpu.vector_store %arg8[%swap3A_848, %swap3A_849], %swap3A_852 {strides = array<i32>} : memref<32x1024xf32, #tpu.memory_space<vmem>>, vector<1x16xf32>,
      %get3A_853 = arith.index_cast %scan3A_42 : i32 to index
      %get3A_854 = arith.constant 928 : index
      %get3A_855 = tpu.vector_load %arg8[%get3A_853, %get3A_854] {strides = array<i32>} : memref<32x1024xf32, #tpu.memory_space<vmem>>, vector<1x16xf32>,
      %get3A_856 = vector.shape_cast %get3A_855 : vector<1x16xf32> to vector<16xf32>
      %get3A_857 = arith.index_cast %scan3A_42 : i32 to index
      %get3A_858 = arith.constant 928 : index
      %get3A_859 = tpu.vector_load %arg9[%get3A_857, %get3A_858] {strides = array<i32>} : memref<32x1024xf32, #tpu.memory_space<vmem>>, vector<1x16xf32>,
      %get3A_860 = vector.shape_cast %get3A_859 : vector<1x16xf32> to vector<16xf32>
      %add3A_861 = arith.addf %get3A_856, %get3A_860 : vector<16xf32>
      %swap3A_862 = arith.index_cast %scan3A_42 : i32 to index
      %swap3A_863 = arith.constant 928 : index
      %swap3A_864 = tpu.vector_load %arg8[%swap3A_862, %swap3A_863] {strides = array<i32>} : memref<32x1024xf32, #tpu.memory_space<vmem>>, vector<1x16xf32>,
      %swap3A_865 = vector.shape_cast %swap3A_864 : vector<1x16xf32> to vector<16xf32>
      %swap3A_866 = vector.shape_cast %add3A_861 : vector<16xf32> to vector<1x16xf32>
      tpu.vector_store %arg8[%swap3A_862, %swap3A_863], %swap3A_866 {strides = array<i32>} : memref<32x1024xf32, #tpu.memory_space<vmem>>, vector<1x16xf32>,
      %get3A_867 = arith.index_cast %scan3A_42 : i32 to index
      %get3A_868 = arith.constant 944 : index
      %get3A_869 = tpu.vector_load %arg8[%get3A_867, %get3A_868] {strides = array<i32>} : memref<32x1024xf32, #tpu.memory_space<vmem>>, vector<1x16xf32>,
      %get3A_870 = vector.shape_cast %get3A_869 : vector<1x16xf32> to vector<16xf32>
      %get3A_871 = arith.index_cast %scan3A_42 : i32 to index
      %get3A_872 = arith.constant 944 : index
      %get3A_873 = tpu.vector_load %arg9[%get3A_871, %get3A_872] {strides = array<i32>} : memref<32x1024xf32, #tpu.memory_space<vmem>>, vector<1x16xf32>,
      %get3A_874 = vector.shape_cast %get3A_873 : vector<1x16xf32> to vector<16xf32>
      %add3A_875 = arith.addf %get3A_870, %get3A_874 : vector<16xf32>
      %swap3A_876 = arith.index_cast %scan3A_42 : i32 to index
      %swap3A_877 = arith.constant 944 : index
      %swap3A_878 = tpu.vector_load %arg8[%swap3A_876, %swap3A_877] {strides = array<i32>} : memref<32x1024xf32, #tpu.memory_space<vmem>>, vector<1x16xf32>,
      %swap3A_879 = vector.shape_cast %swap3A_878 : vector<1x16xf32> to vector<16xf32>
      %swap3A_880 = vector.shape_cast %add3A_875 : vector<16xf32> to vector<1x16xf32>
      tpu.vector_store %arg8[%swap3A_876, %swap3A_877], %swap3A_880 {strides = array<i32>} : memref<32x1024xf32, #tpu.memory_space<vmem>>, vector<1x16xf32>,
      %get3A_881 = arith.index_cast %scan3A_42 : i32 to index
      %get3A_882 = arith.constant 960 : index
      %get3A_883 = tpu.vector_load %arg8[%get3A_881, %get3A_882] {strides = array<i32>} : memref<32x1024xf32, #tpu.memory_space<vmem>>, vector<1x16xf32>,
      %get3A_884 = vector.shape_cast %get3A_883 : vector<1x16xf32> to vector<16xf32>
      %get3A_885 = arith.index_cast %scan3A_42 : i32 to index
      %get3A_886 = arith.constant 960 : index
      %get3A_887 = tpu.vector_load %arg9[%get3A_885, %get3A_886] {strides = array<i32>} : memref<32x1024xf32, #tpu.memory_space<vmem>>, vector<1x16xf32>,
      %get3A_888 = vector.shape_cast %get3A_887 : vector<1x16xf32> to vector<16xf32>
      %add3A_889 = arith.addf %get3A_884, %get3A_888 : vector<16xf32>
      %swap3A_890 = arith.index_cast %scan3A_42 : i32 to index
      %swap3A_891 = arith.constant 960 : index
      %swap3A_892 = tpu.vector_load %arg8[%swap3A_890, %swap3A_891] {strides = array<i32>} : memref<32x1024xf32, #tpu.memory_space<vmem>>, vector<1x16xf32>,
      %swap3A_893 = vector.shape_cast %swap3A_892 : vector<1x16xf32> to vector<16xf32>
      %swap3A_894 = vector.shape_cast %add3A_889 : vector<16xf32> to vector<1x16xf32>
      tpu.vector_store %arg8[%swap3A_890, %swap3A_891], %swap3A_894 {strides = array<i32>} : memref<32x1024xf32, #tpu.memory_space<vmem>>, vector<1x16xf32>,
      %get3A_895 = arith.index_cast %scan3A_42 : i32 to index
      %get3A_896 = arith.constant 976 : index
      %get3A_897 = tpu.vector_load %arg8[%get3A_895, %get3A_896] {strides = array<i32>} : memref<32x1024xf32, #tpu.memory_space<vmem>>, vector<1x16xf32>,
      %get3A_898 = vector.shape_cast %get3A_897 : vector<1x16xf32> to vector<16xf32>
      %get3A_899 = arith.index_cast %scan3A_42 : i32 to index
      %get3A_900 = arith.constant 976 : index
      %get3A_901 = tpu.vector_load %arg9[%get3A_899, %get3A_900] {strides = array<i32>} : memref<32x1024xf32, #tpu.memory_space<vmem>>, vector<1x16xf32>,
      %get3A_902 = vector.shape_cast %get3A_901 : vector<1x16xf32> to vector<16xf32>
      %add3A_903 = arith.addf %get3A_898, %get3A_902 : vector<16xf32>
      %swap3A_904 = arith.index_cast %scan3A_42 : i32 to index
      %swap3A_905 = arith.constant 976 : index
      %swap3A_906 = tpu.vector_load %arg8[%swap3A_904, %swap3A_905] {strides = array<i32>} : memref<32x1024xf32, #tpu.memory_space<vmem>>, vector<1x16xf32>,
      %swap3A_907 = vector.shape_cast %swap3A_906 : vector<1x16xf32> to vector<16xf32>
      %swap3A_908 = vector.shape_cast %add3A_903 : vector<16xf32> to vector<1x16xf32>
      tpu.vector_store %arg8[%swap3A_904, %swap3A_905], %swap3A_908 {strides = array<i32>} : memref<32x1024xf32, #tpu.memory_space<vmem>>, vector<1x16xf32>,
      %get3A_909 = arith.index_cast %scan3A_42 : i32 to index
      %get3A_910 = arith.constant 992 : index
      %get3A_911 = tpu.vector_load %arg8[%get3A_909, %get3A_910] {strides = array<i32>} : memref<32x1024xf32, #tpu.memory_space<vmem>>, vector<1x16xf32>,
      %get3A_912 = vector.shape_cast %get3A_911 : vector<1x16xf32> to vector<16xf32>
      %get3A_913 = arith.index_cast %scan3A_42 : i32 to index
      %get3A_914 = arith.constant 992 : index
      %get3A_915 = tpu.vector_load %arg9[%get3A_913, %get3A_914] {strides = array<i32>} : memref<32x1024xf32, #tpu.memory_space<vmem>>, vector<1x16xf32>,
      %get3A_916 = vector.shape_cast %get3A_915 : vector<1x16xf32> to vector<16xf32>
      %add3A_917 = arith.addf %get3A_912, %get3A_916 : vector<16xf32>
      %swap3A_918 = arith.index_cast %scan3A_42 : i32 to index
      %swap3A_919 = arith.constant 992 : index
      %swap3A_920 = tpu.vector_load %arg8[%swap3A_918, %swap3A_919] {strides = array<i32>} : memref<32x1024xf32, #tpu.memory_space<vmem>>, vector<1x16xf32>,
      %swap3A_921 = vector.shape_cast %swap3A_920 : vector<1x16xf32> to vector<16xf32>
      %swap3A_922 = vector.shape_cast %add3A_917 : vector<16xf32> to vector<1x16xf32>
      tpu.vector_store %arg8[%swap3A_918, %swap3A_919], %swap3A_922 {strides = array<i32>} : memref<32x1024xf32, #tpu.memory_space<vmem>>, vector<1x16xf32>,
      %get3A_923 = arith.index_cast %scan3A_42 : i32 to index
      %get3A_924 = arith.constant 1008 : index
      %get3A_925 = tpu.vector_load %arg8[%get3A_923, %get3A_924] {strides = array<i32>} : memref<32x1024xf32, #tpu.memory_space<vmem>>, vector<1x16xf32>,
      %get3A_926 = vector.shape_cast %get3A_925 : vector<1x16xf32> to vector<16xf32>
      %get3A_927 = arith.index_cast %scan3A_42 : i32 to index
      %get3A_928 = arith.constant 1008 : index
      %get3A_929 = tpu.vector_load %arg9[%get3A_927, %get3A_928] {strides = array<i32>} : memref<32x1024xf32, #tpu.memory_space<vmem>>, vector<1x16xf32>,
      %get3A_930 = vector.shape_cast %get3A_929 : vector<1x16xf32> to vector<16xf32>
      %add3A_931 = arith.addf %get3A_926, %get3A_930 : vector<16xf32>
      %swap3A_932 = arith.index_cast %scan3A_42 : i32 to index
      %swap3A_933 = arith.constant 1008 : index
      %swap3A_934 = tpu.vector_load %arg8[%swap3A_932, %swap3A_933] {strides = array<i32>} : memref<32x1024xf32, #tpu.memory_space<vmem>>, vector<1x16xf32>,
      %swap3A_935 = vector.shape_cast %swap3A_934 : vector<1x16xf32> to vector<16xf32>
      %swap3A_936 = vector.shape_cast %add3A_931 : vector<16xf32> to vector<1x16xf32>
      tpu.vector_store %arg8[%swap3A_932, %swap3A_933], %swap3A_936 {strides = array<i32>} : memref<32x1024xf32, #tpu.memory_space<vmem>>, vector<1x16xf32>,
    }
    %scan3A_41 = arith.constant 32 : i32
    "tpu.region"() ({
      %run_scoped3A = tpu.sem_alloc : memref<!tpu.dma_semaphore, #tpu.memory_space<semaphore_mem>>
      %dma_start3A_42 = arith.constant 0 : i32
      %dma_start3A_43 = tpu.memref_slice %arg5[%add3A_23, %dma_start3A_42] : memref<2048x1024xf32, #tpu.memory_space<hbm>> -> memref<32x1024xf32, #tpu.memory_space<hbm>>
      %dma_start3A_44 = arith.constant 0 : i32
      %dma_start3A_45 = tpu.memref_slice %arg5[%add3A_23, %dma_start3A_44] : memref<2048x1024xf32, #tpu.memory_space<hbm>> -> memref<32x1024xf32, #tpu.memory_space<hbm>>
      tpu.enqueue_dma source(%arg8 : memref<32x1024xf32, #tpu.memory_space<vmem>>) target(%dma_start3A_45 : memref<32x1024xf32, #tpu.memory_space<hbm>>) target_semaphore(%run_scoped3A : memref<!tpu.dma_semaphore, #tpu.memory_space<semaphore_mem>>)
      %dma_wait3A_46 = arith.constant 0 : i32
      %dma_wait3A_47 = tpu.memref_slice %arg5[%add3A_23, %dma_wait3A_46] : memref<2048x1024xf32, #tpu.memory_space<hbm>> -> memref<32x1024xf32, #tpu.memory_space<hbm>>
      %dma_wait3A_48 = arith.constant 0 : i32
      %dma_wait3A_49 = tpu.memref_slice %arg5[%add3A_23, %dma_wait3A_48] : memref<2048x1024xf32, #tpu.memory_space<hbm>> -> memref<32x1024xf32, #tpu.memory_space<hbm>>
      tpu.wait_dma2 semaphore(%run_scoped3A : memref<!tpu.dma_semaphore, #tpu.memory_space<semaphore_mem>>) src(%arg8 : memref<32x1024xf32, #tpu.memory_space<vmem>>) dst(%dma_wait3A_49 : memref<32x1024xf32, #tpu.memory_space<hbm>>)
      tpu.yield
    }) : () -> ()
    return
  }
}

#map = affine_map<(d0, d1) -> (0, 0)>
#map1 = affine_map<(d0, d1) -> (0)>
module attributes {stable_mosaic.version = 14 : i64} {
  func.func @_dispatch_body(%arg0: i32, %arg1: i32, %arg2: memref<2048x1024xf32, #tpu.memory_space<hbm>>, %arg3: memref<2048xi32, #tpu.memory_space<hbm>>, %arg4: memref<2048xi32, #tpu.memory_space<hbm>>, %arg5: memref<8192x1024xf32, #tpu.memory_space<hbm>>, %arg6: memref<64xi32, #tpu.memory_space<vmem>>, %arg7: memref<64xi32, #tpu.memory_space<vmem>>, %arg8: memref<64x1024xf32, #tpu.memory_space<vmem>>, %arg9: memref<!tpu.dma_semaphore, #tpu.memory_space<semaphore_mem>>, %arg10: memref<!tpu.dma_semaphore, #tpu.memory_space<semaphore_mem>>) attributes {dimension_semantics = [#tpu.dimension_semantics<core_parallel>, #tpu.dimension_semantics<subcore_parallel>], iteration_bounds = array<i64: 2, 16>, scalar_prefetch = 0 : i64, scratch_operands = 5 : i64, tpu.core_type = #tpu.core_type<sc_vector_subcore>, window_params = [{transform_indices = #map}, {transform_indices = #map1}, {transform_indices = #map1}, {transform_indices = #map}]} {
    %mul3A = arith.constant 2 : i32
    %mul3A_0 = arith.muli %arg1, %mul3A : i32
    %add3A = arith.addi %mul3A_0, %arg0 : i32
    %mul3A_1 = arith.constant 64 : i32
    %mul3A_2 = arith.muli %add3A, %mul3A_1 : i32
    "tpu.region"() ({
      %run_scoped3A = tpu.sem_alloc : memref<!tpu.dma_semaphore, #tpu.memory_space<semaphore_mem>>
      %dma_start3A_13 = arith.constant 0 : i32
      %dma_start3A_14 = tpu.memref_slice %arg2[%mul3A_2, %dma_start3A_13] : memref<2048x1024xf32, #tpu.memory_space<hbm>> -> memref<64x1024xf32, #tpu.memory_space<hbm>>
      %dma_start3A_15 = arith.constant 0 : i32
      %dma_start3A_16 = tpu.memref_slice %arg2[%mul3A_2, %dma_start3A_15] : memref<2048x1024xf32, #tpu.memory_space<hbm>> -> memref<64x1024xf32, #tpu.memory_space<hbm>>
      tpu.enqueue_dma source(%dma_start3A_16 : memref<64x1024xf32, #tpu.memory_space<hbm>>) target(%arg8 : memref<64x1024xf32, #tpu.memory_space<vmem>>) target_semaphore(%run_scoped3A : memref<!tpu.dma_semaphore, #tpu.memory_space<semaphore_mem>>)
      %dma_wait3A_17 = arith.constant 0 : i32
      %dma_wait3A_18 = tpu.memref_slice %arg2[%mul3A_2, %dma_wait3A_17] : memref<2048x1024xf32, #tpu.memory_space<hbm>> -> memref<64x1024xf32, #tpu.memory_space<hbm>>
      %dma_wait3A_19 = arith.constant 0 : i32
      %dma_wait3A_20 = tpu.memref_slice %arg2[%mul3A_2, %dma_wait3A_19] : memref<2048x1024xf32, #tpu.memory_space<hbm>> -> memref<64x1024xf32, #tpu.memory_space<hbm>>
      tpu.wait_dma2 semaphore(%run_scoped3A : memref<!tpu.dma_semaphore, #tpu.memory_space<semaphore_mem>>) src(%dma_wait3A_20 : memref<64x1024xf32, #tpu.memory_space<hbm>>) dst(%arg8 : memref<64x1024xf32, #tpu.memory_space<vmem>>)
      tpu.yield
    }) : () -> ()
    "tpu.region"() ({
      %run_scoped3A = tpu.sem_alloc : memref<!tpu.dma_semaphore, #tpu.memory_space<semaphore_mem>>
      %dma_start3A_13 = tpu.memref_slice %arg3[%mul3A_2] : memref<2048xi32, #tpu.memory_space<hbm>> -> memref<64xi32, #tpu.memory_space<hbm>>
      %dma_start3A_14 = tpu.memref_slice %arg3[%mul3A_2] : memref<2048xi32, #tpu.memory_space<hbm>> -> memref<64xi32, #tpu.memory_space<hbm>>
      tpu.enqueue_dma source(%dma_start3A_14 : memref<64xi32, #tpu.memory_space<hbm>>) target(%arg6 : memref<64xi32, #tpu.memory_space<vmem>>) target_semaphore(%run_scoped3A : memref<!tpu.dma_semaphore, #tpu.memory_space<semaphore_mem>>)
      %dma_wait3A_15 = tpu.memref_slice %arg3[%mul3A_2] : memref<2048xi32, #tpu.memory_space<hbm>> -> memref<64xi32, #tpu.memory_space<hbm>>
      %dma_wait3A_16 = tpu.memref_slice %arg3[%mul3A_2] : memref<2048xi32, #tpu.memory_space<hbm>> -> memref<64xi32, #tpu.memory_space<hbm>>
      tpu.wait_dma2 semaphore(%run_scoped3A : memref<!tpu.dma_semaphore, #tpu.memory_space<semaphore_mem>>) src(%dma_wait3A_16 : memref<64xi32, #tpu.memory_space<hbm>>) dst(%arg6 : memref<64xi32, #tpu.memory_space<vmem>>)
      tpu.yield
    }) : () -> ()
    "tpu.region"() ({
      %run_scoped3A = tpu.sem_alloc : memref<!tpu.dma_semaphore, #tpu.memory_space<semaphore_mem>>
      %dma_start3A_13 = tpu.memref_slice %arg4[%mul3A_2] : memref<2048xi32, #tpu.memory_space<hbm>> -> memref<64xi32, #tpu.memory_space<hbm>>
      %dma_start3A_14 = tpu.memref_slice %arg4[%mul3A_2] : memref<2048xi32, #tpu.memory_space<hbm>> -> memref<64xi32, #tpu.memory_space<hbm>>
      tpu.enqueue_dma source(%dma_start3A_14 : memref<64xi32, #tpu.memory_space<hbm>>) target(%arg7 : memref<64xi32, #tpu.memory_space<vmem>>) target_semaphore(%run_scoped3A : memref<!tpu.dma_semaphore, #tpu.memory_space<semaphore_mem>>)
      %dma_wait3A_15 = tpu.memref_slice %arg4[%mul3A_2] : memref<2048xi32, #tpu.memory_space<hbm>> -> memref<64xi32, #tpu.memory_space<hbm>>
      %dma_wait3A_16 = tpu.memref_slice %arg4[%mul3A_2] : memref<2048xi32, #tpu.memory_space<hbm>> -> memref<64xi32, #tpu.memory_space<hbm>>
      tpu.wait_dma2 semaphore(%run_scoped3A : memref<!tpu.dma_semaphore, #tpu.memory_space<semaphore_mem>>) src(%dma_wait3A_16 : memref<64xi32, #tpu.memory_space<hbm>>) dst(%arg7 : memref<64xi32, #tpu.memory_space<vmem>>)
      tpu.yield
    }) : () -> ()
    %dma_start3A = arith.constant 0 : i32
    %dma_start3A_3 = arith.constant 0 : i32
    %dma_start3A_4 = tpu.memref_slice %arg5[%dma_start3A, %dma_start3A_3] : memref<8192x1024xf32, #tpu.memory_space<hbm>> -> memref<8192x1024xf32, #tpu.memory_space<hbm>>
    tpu.enqueue_indirect_dma source(%arg8 : memref<64x1024xf32, #tpu.memory_space<vmem>>) target(%dma_start3A_4 : memref<8192x1024xf32, #tpu.memory_space<hbm>>) offsets(%arg6 : memref<64xi32, #tpu.memory_space<vmem>>) semaphore(%arg9 : memref<!tpu.dma_semaphore, #tpu.memory_space<semaphore_mem>>)
    %dma_start3A_5 = arith.constant 0 : i32
    %dma_start3A_6 = arith.constant 0 : i32
    %dma_start3A_7 = tpu.memref_slice %arg5[%dma_start3A_5, %dma_start3A_6] : memref<8192x1024xf32, #tpu.memory_space<hbm>> -> memref<8192x1024xf32, #tpu.memory_space<hbm>>
    tpu.enqueue_indirect_dma source(%arg8 : memref<64x1024xf32, #tpu.memory_space<vmem>>) target(%dma_start3A_7 : memref<8192x1024xf32, #tpu.memory_space<hbm>>) offsets(%arg7 : memref<64xi32, #tpu.memory_space<vmem>>) semaphore(%arg10 : memref<!tpu.dma_semaphore, #tpu.memory_space<semaphore_mem>>)
    %dma_wait3A = arith.constant 0 : i32
    %dma_wait3A_8 = arith.constant 0 : i32
    %dma_wait3A_9 = tpu.memref_slice %arg5[%dma_wait3A, %dma_wait3A_8] : memref<8192x1024xf32, #tpu.memory_space<hbm>> -> memref<8192x1024xf32, #tpu.memory_space<hbm>>
    tpu.wait_indirect_dma semaphore(%arg9 : memref<!tpu.dma_semaphore, #tpu.memory_space<semaphore_mem>>) src(%arg8 : memref<64x1024xf32, #tpu.memory_space<vmem>>) dst(%dma_wait3A_9 : memref<8192x1024xf32, #tpu.memory_space<hbm>>)
    %dma_wait3A_10 = arith.constant 0 : i32
    %dma_wait3A_11 = arith.constant 0 : i32
    %dma_wait3A_12 = tpu.memref_slice %arg5[%dma_wait3A_10, %dma_wait3A_11] : memref<8192x1024xf32, #tpu.memory_space<hbm>> -> memref<8192x1024xf32, #tpu.memory_space<hbm>>
    tpu.wait_indirect_dma semaphore(%arg10 : memref<!tpu.dma_semaphore, #tpu.memory_space<semaphore_mem>>) src(%arg8 : memref<64x1024xf32, #tpu.memory_space<vmem>>) dst(%dma_wait3A_12 : memref<8192x1024xf32, #tpu.memory_space<hbm>>)
    return
  }
}

module attributes {stable_mosaic.version = 14 : i64} {
  func.func @_routing_body(%arg0: memref<2048x1024xf32, #tpu.memory_space<vmem>>, %arg1: memref<1024x8xf32, #tpu.memory_space<vmem>>, %arg2: memref<1x8xf32, #tpu.memory_space<vmem>>, %arg3: memref<2048x2xi32, #tpu.memory_space<vmem>>, %arg4: memref<2048x2xf32, #tpu.memory_space<vmem>>) attributes {dimension_semantics = [], scalar_prefetch = 0 : i64, scratch_operands = 0 : i64, tpu.core_type = #tpu.core_type<tc>} {
    %get3A = arith.constant 0 : index
    %get3A_0 = arith.constant 0 : index
    %get3A_1 = vector.load %arg0[%get3A, %get3A_0] : memref<2048x1024xf32, #tpu.memory_space<vmem>>, vector<2048x1024xf32>
    %get3A_2 = arith.constant 0 : index
    %get3A_3 = arith.constant 0 : index
    %get3A_4 = vector.load %arg1[%get3A_2, %get3A_3] : memref<1024x8xf32, #tpu.memory_space<vmem>>, vector<1024x8xf32>
    %dot_general3A = arith.constant dense<0.000000e+00> : vector<2048x8xf32>
    %dot_general3A_5 = tpu.matmul %get3A_1, %get3A_4, %dot_general3A {dimension_numbers = #tpu.dot_dimension_numbers<[1], [0], [0], [1], [0, 0, 1, 1], [], []>, transpose_lhs_hint = false} : vector<2048x1024xf32>, vector<1024x8xf32>, vector<2048x8xf32> -> vector<2048x8xf32>
    %get3A_6 = arith.constant 0 : index
    %get3A_7 = arith.constant 0 : index
    %get3A_8 = vector.load %arg2[%get3A_6, %get3A_7] : memref<1x8xf32, #tpu.memory_space<vmem>>, vector<1x8xf32>
    %add3A = vector.broadcast %get3A_8 : vector<1x8xf32> to vector<2048x8xf32>
    %add3A_9 = arith.addf %dot_general3A_5, %add3A : vector<2048x8xf32>
    %iota3A = tpu.iota {dimensions = array<i32: 1>} : vector<2048x8xi32>
    %reduce_max3A = arith.constant dense<0xFF800000> : vector<2048xf32>
    %reduce_max3A_10 = vector.multi_reduction <maximumf>, %add3A_9, %reduce_max3A [1] : vector<2048x8xf32> to vector<2048xf32>
    %broadcast_in_dim3A = vector.shape_cast %reduce_max3A_10 : vector<2048xf32> to vector<2048x1xf32>
    %eq3A = vector.broadcast %broadcast_in_dim3A : vector<2048x1xf32> to vector<2048x8xf32>
    %eq3A_11 = arith.cmpf oeq, %add3A_9, %eq3A : vector<2048x8xf32>
    %jit3A = arith.constant 8 : i32
    %broadcast_in_dim3A_12 = vector.broadcast %jit3A : i32 to vector<2048x8xi32>
    %select_n3A = arith.select %eq3A_11, %iota3A, %broadcast_in_dim3A_12 : vector<2048x8xi1>, vector<2048x8xi32>
    %reduce_min3A = arith.constant dense<2147483647> : vector<2048xi32>
    %reduce_min3A_13 = vector.multi_reduction <minsi>, %select_n3A, %reduce_min3A [1] : vector<2048x8xi32> to vector<2048xi32>
    %broadcast_in_dim3A_14 = vector.shape_cast %reduce_min3A_13 : vector<2048xi32> to vector<2048x1xi32>
    %eq3A_15 = vector.broadcast %broadcast_in_dim3A_14 : vector<2048x1xi32> to vector<2048x8xi32>
    %eq3A_16 = arith.cmpi eq, %iota3A, %eq3A_15 : vector<2048x8xi32>
    %jit3A_17 = arith.constant -1.000000e+30 : f32
    %broadcast_in_dim3A_18 = vector.broadcast %jit3A_17 : f32 to vector<2048x8xf32>
    %select_n3A_19 = arith.select %eq3A_16, %broadcast_in_dim3A_18, %add3A_9 : vector<2048x8xi1>, vector<2048x8xf32>
    %reduce_max3A_20 = arith.constant dense<0xFF800000> : vector<2048xf32>
    %reduce_max3A_21 = vector.multi_reduction <maximumf>, %select_n3A_19, %reduce_max3A_20 [1] : vector<2048x8xf32> to vector<2048xf32>
    %broadcast_in_dim3A_22 = vector.shape_cast %reduce_max3A_21 : vector<2048xf32> to vector<2048x1xf32>
    %eq3A_23 = vector.broadcast %broadcast_in_dim3A_22 : vector<2048x1xf32> to vector<2048x8xf32>
    %eq3A_24 = arith.cmpf oeq, %select_n3A_19, %eq3A_23 : vector<2048x8xf32>
    %jit3A_25 = arith.constant 8 : i32
    %broadcast_in_dim3A_26 = vector.broadcast %jit3A_25 : i32 to vector<2048x8xi32>
    %select_n3A_27 = arith.select %eq3A_24, %iota3A, %broadcast_in_dim3A_26 : vector<2048x8xi1>, vector<2048x8xi32>
    %reduce_min3A_28 = arith.constant dense<2147483647> : vector<2048xi32>
    %reduce_min3A_29 = vector.multi_reduction <minsi>, %select_n3A_27, %reduce_min3A_28 [1] : vector<2048x8xi32> to vector<2048xi32>
    %broadcast_in_dim3A_30 = vector.shape_cast %reduce_min3A_29 : vector<2048xi32> to vector<2048x1xi32>
    %sub3A = arith.subf %broadcast_in_dim3A_22, %broadcast_in_dim3A : vector<2048x1xf32>
    %exp3A = math.exp %sub3A : vector<2048x1xf32>
    %add3A_31 = arith.constant 1.000000e+00 : f32
    %add3A_32 = vector.broadcast %add3A_31 : f32 to vector<2048x1xf32>
    %add3A_33 = arith.addf %add3A_32, %exp3A : vector<2048x1xf32>
    %div3A = arith.constant 1.000000e+00 : f32
    %div3A_34 = vector.broadcast %div3A : f32 to vector<2048x1xf32>
    %div3A_35 = arith.divf %div3A_34, %add3A_33 : vector<2048x1xf32>
    %concatenate3A = tpu.concatenate %broadcast_in_dim3A_14, %broadcast_in_dim3A_30 in 1 : vector<2048x1xi32>, vector<2048x1xi32> -> vector<2048x2xi32>
    %swap3A = arith.constant 0 : index
    %swap3A_36 = arith.constant 0 : index
    %swap3A_37 = vector.load %arg3[%swap3A, %swap3A_36] : memref<2048x2xi32, #tpu.memory_space<vmem>>, vector<2048x2xi32>
    tpu.vector_store %arg3[%swap3A, %swap3A_36], %concatenate3A {strides = array<i32>} : memref<2048x2xi32, #tpu.memory_space<vmem>>, vector<2048x2xi32>,
    %sub3A_38 = arith.constant 1.000000e+00 : f32
    %sub3A_39 = vector.broadcast %sub3A_38 : f32 to vector<2048x1xf32>
    %sub3A_40 = arith.subf %sub3A_39, %div3A_35 : vector<2048x1xf32>
    %concatenate3A_41 = tpu.concatenate %div3A_35, %sub3A_40 in 1 : vector<2048x1xf32>, vector<2048x1xf32> -> vector<2048x2xf32>
    %swap3A_42 = arith.constant 0 : index
    %swap3A_43 = arith.constant 0 : index
    %swap3A_44 = vector.load %arg4[%swap3A_42, %swap3A_43] : memref<2048x2xf32, #tpu.memory_space<vmem>>, vector<2048x2xf32>
    tpu.vector_store %arg4[%swap3A_42, %swap3A_43], %concatenate3A_41 {strides = array<i32>} : memref<2048x2xf32, #tpu.memory_space<vmem>>, vector<2048x2xf32>,
    return
  }
}

module attributes {stable_mosaic.version = 14 : i64} {
  func.func @_ffn_a_body(%arg0: i32, %arg1: memref<16xi32, #tpu.memory_space<smem>>, %arg2: memref<1xi32, #tpu.memory_space<smem>>, %arg3: memref<512x1024xf32, #tpu.memory_space<vmem>>, %arg4: memref<1x1024x2048xf32, #tpu.memory_space<vmem>>, %arg5: memref<1x1024x2048xf32, #tpu.memory_space<vmem>>, %arg6: memref<1x1x2048xf32, #tpu.memory_space<vmem>>, %arg7: memref<1x1x2048xf32, #tpu.memory_space<vmem>>, %arg8: memref<512x2048xbf16, #tpu.memory_space<vmem>>) attributes {dimension_semantics = [#tpu.dimension_semantics<arbitrary>], iteration_bounds = array<i64: 16>, scalar_prefetch = 2 : i64, scratch_operands = 0 : i64, tpu.core_type = #tpu.core_type<tc>, window_params = [{transform_indices = @transform_0, window_bounds = array<i64: 512, 1024>}, {transform_indices = @transform_1, window_bounds = array<i64: 1, 1024, 2048>}, {transform_indices = @transform_2, window_bounds = array<i64: 1, 1024, 2048>}, {transform_indices = @transform_3, window_bounds = array<i64: 1, 1, 2048>}, {transform_indices = @transform_4, window_bounds = array<i64: 1, 1, 2048>}, {transform_indices = @transform_5, window_bounds = array<i64: 512, 2048>}]} {
    %get3A = arith.constant 0 : index
    %get3A_0 = memref.load %arg2[%get3A] : memref<1xi32, #tpu.memory_space<smem>>
    %lt3A = arith.cmpi slt, %arg0, %get3A_0 : i32
    %convert_element_type3A = arith.extui %lt3A : i1 to i32
    %cond3A = arith.constant 0 : i32
    %cond3A_1 = arith.cmpi ne, %convert_element_type3A, %cond3A : i32
    scf.if %cond3A_1 {
      %get3A_2 = arith.constant 0 : index
      %get3A_3 = arith.constant 0 : index
      %get3A_4 = vector.load %arg3[%get3A_2, %get3A_3] : memref<512x1024xf32, #tpu.memory_space<vmem>>, vector<512x1024xf32>
      %get3A_5 = arith.constant 0 : index
      %get3A_6 = arith.constant 0 : index
      %get3A_7 = arith.constant 0 : index
      %get3A_8 = vector.load %arg4[%get3A_5, %get3A_6, %get3A_7] : memref<1x1024x2048xf32, #tpu.memory_space<vmem>>, vector<1x1024x2048xf32>
      %get3A_9 = vector.shape_cast %get3A_8 : vector<1x1024x2048xf32> to vector<1024x2048xf32>
      %dot_general3A = arith.constant dense<0.000000e+00> : vector<512x2048xf32>
      %dot_general3A_10 = tpu.matmul %get3A_4, %get3A_9, %dot_general3A {dimension_numbers = #tpu.dot_dimension_numbers<[1], [0], [0], [1], [0, 0, 1, 1], [], []>, transpose_lhs_hint = false} : vector<512x1024xf32>, vector<1024x2048xf32>, vector<512x2048xf32> -> vector<512x2048xf32>
      %get3A_11 = arith.constant 0 : index
      %get3A_12 = arith.constant 0 : index
      %get3A_13 = arith.constant 0 : index
      %get3A_14 = vector.load %arg6[%get3A_11, %get3A_12, %get3A_13] : memref<1x1x2048xf32, #tpu.memory_space<vmem>>, vector<1x1x2048xf32>
      %get3A_15 = vector.shape_cast %get3A_14 : vector<1x1x2048xf32> to vector<1x2048xf32>
      %add3A = vector.broadcast %get3A_15 : vector<1x2048xf32> to vector<512x2048xf32>
      %add3A_16 = arith.addf %dot_general3A_10, %add3A : vector<512x2048xf32>
      %get3A_17 = arith.constant 0 : index
      %get3A_18 = arith.constant 0 : index
      %get3A_19 = arith.constant 0 : index
      %get3A_20 = vector.load %arg5[%get3A_17, %get3A_18, %get3A_19] : memref<1x1024x2048xf32, #tpu.memory_space<vmem>>, vector<1x1024x2048xf32>
      %get3A_21 = vector.shape_cast %get3A_20 : vector<1x1024x2048xf32> to vector<1024x2048xf32>
      %dot_general3A_22 = arith.constant dense<0.000000e+00> : vector<512x2048xf32>
      %dot_general3A_23 = tpu.matmul %get3A_4, %get3A_21, %dot_general3A_22 {dimension_numbers = #tpu.dot_dimension_numbers<[1], [0], [0], [1], [0, 0, 1, 1], [], []>, transpose_lhs_hint = false} : vector<512x1024xf32>, vector<1024x2048xf32>, vector<512x2048xf32> -> vector<512x2048xf32>
      %get3A_24 = arith.constant 0 : index
      %get3A_25 = arith.constant 0 : index
      %get3A_26 = arith.constant 0 : index
      %get3A_27 = vector.load %arg7[%get3A_24, %get3A_25, %get3A_26] : memref<1x1x2048xf32, #tpu.memory_space<vmem>>, vector<1x1x2048xf32>
      %get3A_28 = vector.shape_cast %get3A_27 : vector<1x1x2048xf32> to vector<1x2048xf32>
      %add3A_29 = vector.broadcast %get3A_28 : vector<1x2048xf32> to vector<512x2048xf32>
      %add3A_30 = arith.addf %dot_general3A_23, %add3A_29 : vector<512x2048xf32>
      %mul3A = arith.mulf %add3A_16, %add3A_30 : vector<512x2048xf32>
      %convert_element_type3A_31 = arith.truncf %mul3A : vector<512x2048xf32> to vector<512x2048xbf16>
      %swap3A = arith.constant 0 : index
      %swap3A_32 = arith.constant 0 : index
      %swap3A_33 = vector.load %arg8[%swap3A, %swap3A_32] : memref<512x2048xbf16, #tpu.memory_space<vmem>>, vector<512x2048xbf16>
      tpu.vector_store %arg8[%swap3A, %swap3A_32], %convert_element_type3A_31 {strides = array<i32>} : memref<512x2048xbf16, #tpu.memory_space<vmem>>, vector<512x2048xbf16>,
    } else {
    }
    return
  }
  func.func @transform_0(%arg0: i32, %arg1: memref<16xi32, #tpu.memory_space<smem>>, %arg2: memref<1xi32, #tpu.memory_space<smem>>) -> (i32, i32) {
    %c0_i32 = arith.constant 0 : i32
    %c0_i32_0 = arith.constant 0 : i32
    return %arg0, %c0_i32 : i32, i32
  }
  func.func @transform_1(%arg0: i32, %arg1: memref<16xi32, #tpu.memory_space<smem>>, %arg2: memref<1xi32, #tpu.memory_space<smem>>) -> (i32, i32, i32) {
    %get3A = arith.index_cast %arg0 : i32 to index
    %get3A_0 = memref.load %arg1[%get3A] : memref<16xi32, #tpu.memory_space<smem>>
    %c0_i32 = arith.constant 0 : i32
    %c0_i32_1 = arith.constant 0 : i32
    %c0_i32_2 = arith.constant 0 : i32
    return %get3A_0, %c0_i32, %c0_i32_1 : i32, i32, i32
  }
  func.func @transform_2(%arg0: i32, %arg1: memref<16xi32, #tpu.memory_space<smem>>, %arg2: memref<1xi32, #tpu.memory_space<smem>>) -> (i32, i32, i32) {
    %get3A = arith.index_cast %arg0 : i32 to index
    %get3A_0 = memref.load %arg1[%get3A] : memref<16xi32, #tpu.memory_space<smem>>
    %c0_i32 = arith.constant 0 : i32
    %c0_i32_1 = arith.constant 0 : i32
    %c0_i32_2 = arith.constant 0 : i32
    return %get3A_0, %c0_i32, %c0_i32_1 : i32, i32, i32
  }
  func.func @transform_3(%arg0: i32, %arg1: memref<16xi32, #tpu.memory_space<smem>>, %arg2: memref<1xi32, #tpu.memory_space<smem>>) -> (i32, i32, i32) {
    %get3A = arith.index_cast %arg0 : i32 to index
    %get3A_0 = memref.load %arg1[%get3A] : memref<16xi32, #tpu.memory_space<smem>>
    %c0_i32 = arith.constant 0 : i32
    %c0_i32_1 = arith.constant 0 : i32
    %c0_i32_2 = arith.constant 0 : i32
    return %get3A_0, %c0_i32, %c0_i32_1 : i32, i32, i32
  }
  func.func @transform_4(%arg0: i32, %arg1: memref<16xi32, #tpu.memory_space<smem>>, %arg2: memref<1xi32, #tpu.memory_space<smem>>) -> (i32, i32, i32) {
    %get3A = arith.index_cast %arg0 : i32 to index
    %get3A_0 = memref.load %arg1[%get3A] : memref<16xi32, #tpu.memory_space<smem>>
    %c0_i32 = arith.constant 0 : i32
    %c0_i32_1 = arith.constant 0 : i32
    %c0_i32_2 = arith.constant 0 : i32
    return %get3A_0, %c0_i32, %c0_i32_1 : i32, i32, i32
  }
  func.func @transform_5(%arg0: i32, %arg1: memref<16xi32, #tpu.memory_space<smem>>, %arg2: memref<1xi32, #tpu.memory_space<smem>>) -> (i32, i32) {
    %c0_i32 = arith.constant 0 : i32
    %c0_i32_0 = arith.constant 0 : i32
    return %arg0, %c0_i32 : i32, i32
  }
}

module attributes {stable_mosaic.version = 14 : i64} {
  func.func @_ffn_b_body(%arg0: i32, %arg1: memref<16xi32, #tpu.memory_space<smem>>, %arg2: memref<1xi32, #tpu.memory_space<smem>>, %arg3: memref<512x2048xbf16, #tpu.memory_space<vmem>>, %arg4: memref<1x2048x2048xf32, #tpu.memory_space<vmem>>, %arg5: memref<1x2048x1024xf32, #tpu.memory_space<vmem>>, %arg6: memref<1x1x2048xf32, #tpu.memory_space<vmem>>, %arg7: memref<1x1x1024xf32, #tpu.memory_space<vmem>>, %arg8: memref<1x512x1xf32, #tpu.memory_space<vmem>>, %arg9: memref<512x1024xf32, #tpu.memory_space<vmem>>) attributes {dimension_semantics = [#tpu.dimension_semantics<arbitrary>], iteration_bounds = array<i64: 16>, scalar_prefetch = 2 : i64, scratch_operands = 0 : i64, tpu.core_type = #tpu.core_type<tc>, window_params = [{pipeline_mode = #tpu.pipeline_mode<synchronous>, transform_indices = @transform_0, window_bounds = array<i64: 512, 2048>}, {transform_indices = @transform_1, window_bounds = array<i64: 1, 2048, 2048>}, {transform_indices = @transform_2, window_bounds = array<i64: 1, 2048, 1024>}, {transform_indices = @transform_3, window_bounds = array<i64: 1, 1, 2048>}, {transform_indices = @transform_4, window_bounds = array<i64: 1, 1, 1024>}, {transform_indices = @transform_5, window_bounds = array<i64: 1, 512, 1>}, {pipeline_mode = #tpu.pipeline_mode<synchronous>, transform_indices = @transform_6, window_bounds = array<i64: 512, 1024>}]} {
    %get3A = arith.constant 0 : index
    %get3A_0 = memref.load %arg2[%get3A] : memref<1xi32, #tpu.memory_space<smem>>
    %lt3A = arith.cmpi slt, %arg0, %get3A_0 : i32
    %convert_element_type3A = arith.extui %lt3A : i1 to i32
    %cond3A = arith.constant 0 : i32
    %cond3A_1 = arith.cmpi ne, %convert_element_type3A, %cond3A : i32
    scf.if %cond3A_1 {
      %get3A_2 = arith.constant 0 : index
      %get3A_3 = arith.constant 0 : index
      %get3A_4 = vector.load %arg3[%get3A_2, %get3A_3] : memref<512x2048xbf16, #tpu.memory_space<vmem>>, vector<512x2048xbf16>
      %get3A_5 = arith.constant 0 : index
      %get3A_6 = arith.constant 0 : index
      %get3A_7 = arith.constant 0 : index
      %get3A_8 = vector.load %arg4[%get3A_5, %get3A_6, %get3A_7] : memref<1x2048x2048xf32, #tpu.memory_space<vmem>>, vector<1x2048x2048xf32>
      %get3A_9 = vector.shape_cast %get3A_8 : vector<1x2048x2048xf32> to vector<2048x2048xf32>
      %dot_general3A = arith.constant dense<0.000000e+00> : vector<512x2048xf32>
      %dot_general3A_10 = tpu.matmul %get3A_4, %get3A_9, %dot_general3A {dimension_numbers = #tpu.dot_dimension_numbers<[1], [0], [0], [1], [0, 0, 1, 1], [], []>, transpose_lhs_hint = false} : vector<512x2048xbf16>, vector<2048x2048xf32>, vector<512x2048xf32> -> vector<512x2048xf32>
      %get3A_11 = arith.constant 0 : index
      %get3A_12 = arith.constant 0 : index
      %get3A_13 = arith.constant 0 : index
      %get3A_14 = vector.load %arg6[%get3A_11, %get3A_12, %get3A_13] : memref<1x1x2048xf32, #tpu.memory_space<vmem>>, vector<1x1x2048xf32>
      %get3A_15 = vector.shape_cast %get3A_14 : vector<1x1x2048xf32> to vector<1x2048xf32>
      %add3A = vector.broadcast %get3A_15 : vector<1x2048xf32> to vector<512x2048xf32>
      %add3A_16 = arith.addf %dot_general3A_10, %add3A : vector<512x2048xf32>
      %logistic3A = arith.negf %add3A_16 : vector<512x2048xf32>
      %logistic3A_17 = math.exp %logistic3A : vector<512x2048xf32>
      %logistic3A_18 = arith.constant 1.000000e+00 : f32
      %logistic3A_19 = vector.broadcast %logistic3A_18 : f32 to vector<512x2048xf32>
      %logistic3A_20 = arith.addf %logistic3A_19, %logistic3A_17 : vector<512x2048xf32>
      %logistic3A_21 = arith.divf %logistic3A_19, %logistic3A_20 : vector<512x2048xf32>
      %mul3A = arith.mulf %add3A_16, %logistic3A_21 : vector<512x2048xf32>
      %get3A_22 = arith.constant 0 : index
      %get3A_23 = arith.constant 0 : index
      %get3A_24 = arith.constant 0 : index
      %get3A_25 = vector.load %arg5[%get3A_22, %get3A_23, %get3A_24] : memref<1x2048x1024xf32, #tpu.memory_space<vmem>>, vector<1x2048x1024xf32>
      %get3A_26 = vector.shape_cast %get3A_25 : vector<1x2048x1024xf32> to vector<2048x1024xf32>
      %dot_general3A_27 = arith.constant dense<0.000000e+00> : vector<512x1024xf32>
      %dot_general3A_28 = tpu.matmul %mul3A, %get3A_26, %dot_general3A_27 {dimension_numbers = #tpu.dot_dimension_numbers<[1], [0], [0], [1], [0, 0, 1, 1], [], []>, transpose_lhs_hint = false} : vector<512x2048xf32>, vector<2048x1024xf32>, vector<512x1024xf32> -> vector<512x1024xf32>
      %get3A_29 = arith.constant 0 : index
      %get3A_30 = arith.constant 0 : index
      %get3A_31 = arith.constant 0 : index
      %get3A_32 = vector.load %arg7[%get3A_29, %get3A_30, %get3A_31] : memref<1x1x1024xf32, #tpu.memory_space<vmem>>, vector<1x1x1024xf32>
      %get3A_33 = vector.shape_cast %get3A_32 : vector<1x1x1024xf32> to vector<1x1024xf32>
      %add3A_34 = vector.broadcast %get3A_33 : vector<1x1024xf32> to vector<512x1024xf32>
      %add3A_35 = arith.addf %dot_general3A_28, %add3A_34 : vector<512x1024xf32>
      %get3A_36 = arith.constant 0 : index
      %get3A_37 = arith.constant 0 : index
      %get3A_38 = arith.constant 0 : index
      %get3A_39 = vector.load %arg8[%get3A_36, %get3A_37, %get3A_38] : memref<1x512x1xf32, #tpu.memory_space<vmem>>, vector<1x512x1xf32>
      %get3A_40 = vector.shape_cast %get3A_39 : vector<1x512x1xf32> to vector<512x1xf32>
      %mul3A_41 = vector.broadcast %get3A_40 : vector<512x1xf32> to vector<512x1024xf32>
      %mul3A_42 = arith.mulf %add3A_35, %mul3A_41 : vector<512x1024xf32>
      %swap3A = arith.constant 0 : index
      %swap3A_43 = arith.constant 0 : index
      %swap3A_44 = vector.load %arg9[%swap3A, %swap3A_43] : memref<512x1024xf32, #tpu.memory_space<vmem>>, vector<512x1024xf32>
      tpu.vector_store %arg9[%swap3A, %swap3A_43], %mul3A_42 {strides = array<i32>} : memref<512x1024xf32, #tpu.memory_space<vmem>>, vector<512x1024xf32>,
    } else {
    }
    return
  }
  func.func @transform_0(%arg0: i32, %arg1: memref<16xi32, #tpu.memory_space<smem>>, %arg2: memref<1xi32, #tpu.memory_space<smem>>) -> (i32, i32) {
    %c0_i32 = arith.constant 0 : i32
    %c0_i32_0 = arith.constant 0 : i32
    return %arg0, %c0_i32 : i32, i32
  }
  func.func @transform_1(%arg0: i32, %arg1: memref<16xi32, #tpu.memory_space<smem>>, %arg2: memref<1xi32, #tpu.memory_space<smem>>) -> (i32, i32, i32) {
    %get3A = arith.index_cast %arg0 : i32 to index
    %get3A_0 = memref.load %arg1[%get3A] : memref<16xi32, #tpu.memory_space<smem>>
    %c0_i32 = arith.constant 0 : i32
    %c0_i32_1 = arith.constant 0 : i32
    %c0_i32_2 = arith.constant 0 : i32
    return %get3A_0, %c0_i32, %c0_i32_1 : i32, i32, i32
  }
  func.func @transform_2(%arg0: i32, %arg1: memref<16xi32, #tpu.memory_space<smem>>, %arg2: memref<1xi32, #tpu.memory_space<smem>>) -> (i32, i32, i32) {
    %get3A = arith.index_cast %arg0 : i32 to index
    %get3A_0 = memref.load %arg1[%get3A] : memref<16xi32, #tpu.memory_space<smem>>
    %c0_i32 = arith.constant 0 : i32
    %c0_i32_1 = arith.constant 0 : i32
    %c0_i32_2 = arith.constant 0 : i32
    return %get3A_0, %c0_i32, %c0_i32_1 : i32, i32, i32
  }
  func.func @transform_3(%arg0: i32, %arg1: memref<16xi32, #tpu.memory_space<smem>>, %arg2: memref<1xi32, #tpu.memory_space<smem>>) -> (i32, i32, i32) {
    %get3A = arith.index_cast %arg0 : i32 to index
    %get3A_0 = memref.load %arg1[%get3A] : memref<16xi32, #tpu.memory_space<smem>>
    %c0_i32 = arith.constant 0 : i32
    %c0_i32_1 = arith.constant 0 : i32
    %c0_i32_2 = arith.constant 0 : i32
    return %get3A_0, %c0_i32, %c0_i32_1 : i32, i32, i32
  }
  func.func @transform_4(%arg0: i32, %arg1: memref<16xi32, #tpu.memory_space<smem>>, %arg2: memref<1xi32, #tpu.memory_space<smem>>) -> (i32, i32, i32) {
    %get3A = arith.index_cast %arg0 : i32 to index
    %get3A_0 = memref.load %arg1[%get3A] : memref<16xi32, #tpu.memory_space<smem>>
    %c0_i32 = arith.constant 0 : i32
    %c0_i32_1 = arith.constant 0 : i32
    %c0_i32_2 = arith.constant 0 : i32
    return %get3A_0, %c0_i32, %c0_i32_1 : i32, i32, i32
  }
  func.func @transform_5(%arg0: i32, %arg1: memref<16xi32, #tpu.memory_space<smem>>, %arg2: memref<1xi32, #tpu.memory_space<smem>>) -> (i32, i32, i32) {
    %c0_i32 = arith.constant 0 : i32
    %c0_i32_0 = arith.constant 0 : i32
    %c0_i32_1 = arith.constant 0 : i32
    return %arg0, %c0_i32, %c0_i32_0 : i32, i32, i32
  }
  func.func @transform_6(%arg0: i32, %arg1: memref<16xi32, #tpu.memory_space<smem>>, %arg2: memref<1xi32, #tpu.memory_space<smem>>) -> (i32, i32) {
    %c0_i32 = arith.constant 0 : i32
    %c0_i32_0 = arith.constant 0 : i32
    return %arg0, %c0_i32 : i32, i32
  }
}

</mosaic_0001>

<sc_bundles>
// kernel: kernel.10.cloned.1.call-start
scs
__scs_entry_jumppad:
0x0: {  	(pc) =	sbr.rel $0x88, $3  }
0x1: {  	(tag) =	ssettag $0x0;
	lr =	simm.s32 $0x1  }
0x2: {  	[smem:$0x3F96] =	sst lr;
	_ =	strace $0xD0000000  }
0x3: {  	_ = 	snop  }
0x4: {  	_ = 	snop  }
0x5: {  	_ = 	snop  }
0x6: {  	_ = 	snop  }
0x7: {  	_ = 	snop  }
__scs_overlays_trampoline_lowered:
0x8: {  	[smem:$0x3FA5] =	sst s0  }
0x9: {  	[smem:$0x3FA6] =	sst s1  }
0xa: {  	[smem:$0x3FA7] =	sst s2  }
0xb: {  	[smem:$0x3FA8] =	sst s3  }
0xc: {  	[smem:$0x3FA9] =	sst s4  }
0xd: {  	[smem:$0x3FAA] =	sst s5  }
0xe: {  	[smem:$0x3FAB] =	sst s6  }
0xf: {  	[smem:$0x3FAC] =	sst s7  }
0x10: {  	[smem:$0x3FAD] =	sst s8  }
0x11: {  	[smem:$0x3FAE] =	sst s9;
	s0 =	simm.s32 @!p0 $0x0  }
0x12: {  	s1 =	sld [smem:$0x3F94];
	s0 =	simm.s32 @p0 $0x1  }
0x13: {  	[smem:$0x3FAF] =	sst s0;
	s0 =	simm.s32 @!p1 $0x0  }
0x14: {  	s2 =	sld [smem:$0x3F93];
	s0 =	simm.s32 @p1 $0x1  }
0x15: {  	[smem:$0x3FB0] =	sst s0;
	s0 =	simm.s32 @!p2 $0x0  }
0x16: {  	s3 =	sld [smem:$0x3FDB];
	s0 =	simm.s32 @p2 $0x1  }
0x17: {  	s4 =	simm.s32 $0x1BF5;
	[smem:$0x3FB2] =	sst s0  }
0x18: {  	s0 =	sld [smem:$0x3F95];
	_ =	swait.ge [sflag:s4], $0x0  }
0x19: {  	s7 =	sld [smem:$0x3F96]  }
0x1a: {  	s8 =	sadd.s32 $0xFFFFE003, lr  }
0x1b: {  	s9 =	sadd.s32 $0xFFFFFEF7, lr;
	s5 =	simm.s32 $0xFFFFFFFF;
	p2 =	slt.u32 s8, $0xFFFFF086  }
0x1c: {  	p1 =	slt.u32 s9, $0xF7A;
	s5 =	simm.s32 @!p2 $0x0  }
0x1d: {  	s5 =	simm.s32 @p1 $0x1;
	p0 =	seq.s32 s7, s2  }
0x1e: {  	s7 =	smul.u32 @!p0 $0xF7A, s2;
	p2 =	seq.s32 @!p0 s5, $0x0  }
0x1f: {  	s9 =	smul.u32 $0xF7A, s1;
	s8 =	simm.s32 @!p0 $0x1BF5;
	p2 =	por !p2, p0  }
0x20: {  	[sflag:s8] =	ssyncset.s32 @!p0 $0xFFFFF086;
	s6 =	sadd.s32 @!p0 s3, s7;
	s7 =	simm.s32 @!p0 $0x108  }
0x21: {  	s3 =	sadd.s32 s3, s9;
	s6 =	sadd.s32 @!p0 $0x88, s6;
	s7 =	simm.s32 @p2 $0x1082  }
0x22: {  	[simem:s7], [sflag:s8] =	dma.local @!p0 [hbm:s6], $0xF7A  }
0x23: {  	s9 =	sor.u32 $0xD0000000, s2;
	s6 =	simm.s32 $0x108;
	_ =	swait.ge @!p0 [sflag:s8], $0x0  }
0x24: {  	s3 =	sadd.s32 $0x88, s3;
	s6 =	simm.s32 @!p1 $0x1082;
	[sflag:s4] =	ssyncset.s32 $0xFFFFF086  }
0x25: {  	[simem:s6], [sflag:s4] =	dma.local [hbm:s3], $0xF7A  }
0x26: {  	[smem:$0x3F96] =	sst s1;
	(tag) =	ssettag s2;
	_ =	strace s9  }
0x27: {  	s1 =	sld [smem:$0x3FA6]  }
0x28: {  	s2 =	sld [smem:$0x3FA7]  }
0x29: {  	s4 =	sld [smem:$0x3FA9]  }
0x2a: {  	p0 =	seq.s32 s5, $0x0;
	s5 =	sld [smem:$0x3FAA]  }
0x2b: {  	s6 =	sld [smem:$0x3FAB]  }
0x2c: {  	s7 =	sld [smem:$0x3FAC]  }
0x2d: {  	s3 =	simm.s32 $0x108;
	s8 =	sld [smem:$0x3FAD]  }
0x2e: {  	s3 =	simm.s32 @!p0 $0x1082;
	s9 =	sld [smem:$0x3FAE]  }
0x2f: {  	lr =	sadd.s32 s0, s3;
	s0 =	sld [smem:$0x3FA5]  }
0x30: {  	s3 =	sld [smem:$0x3FA8]  }
0x31: {  	[smem:$0x3FB1] =	sst s10  }
0x32: {  	s10 =	sld [smem:$0x3FAF];
	_ =	sdelay $0x3  }
0x33: {  	p0 =	seq.s32 s10, $0x1;
	s10 =	sld [smem:$0x3FB1];
	_ =	sdelay $0x3  }
0x34: {  	[smem:$0x3FB1] =	sst s10  }
0x35: {  	s10 =	sld [smem:$0x3FB0];
	_ =	sdelay $0x3  }
0x36: {  	p1 =	seq.s32 s10, $0x1;
	s10 =	sld [smem:$0x3FB1];
	_ =	sdelay $0x3  }
0x37: {  	[smem:$0x3FB1] =	sst s10  }
0x38: {  	s10 =	sld [smem:$0x3FB2]  }
0x39: {  	_ = 	snop;
	(pc) =	sbr.ind lr, $3  }
0x3a: {  	_ = 	snop  }
0x3b: {  	_ = 	snop  }
0x3c: {  	p2 =	seq.s32 s10, $0x1;
	s10 =	sld [smem:$0x3FB1]  }
0x3d: {  	_ =	shalt  }
0x3e: {  	_ =	shalt  }
0x3f: {  	_ =	shalt  }
0x40: {  	_ =	shalt  }
0x41: {  	_ =	shalt  }
0x42: {  	_ =	shalt  }
0x43: {  	_ =	shalt  }
0x44: {  	_ =	shalt  }
0x45: {  	_ =	shalt  }
0x46: {  	_ =	shalt  }
0x47: {  	_ =	shalt  }
0x48: {  	_ =	shalt  }
0x49: {  	_ =	shalt  }
0x4a: {  	_ =	shalt  }
0x4b: {  	_ =	shalt  }
0x4c: {  	_ =	shalt  }
0x4d: {  	_ =	shalt  }
0x4e: {  	_ =	shalt  }
0x4f: {  	_ =	shalt  }
0x50: {  	_ =	shalt  }
0x51: {  	_ =	shalt  }
0x52: {  	_ =	shalt  }
0x53: {  	_ =	shalt  }
0x54: {  	_ =	shalt  }
0x55: {  	_ =	shalt  }
0x56: {  	_ =	shalt  }
0x57: {  	_ =	shalt  }
0x58: {  	_ =	shalt  }
0x59: {  	_ =	shalt  }
0x5a: {  	_ =	shalt  }
0x5b: {  	_ =	shalt  }
0x5c: {  	_ =	shalt  }
0x5d: {  	_ =	shalt  }
0x5e: {  	_ =	shalt  }
0x5f: {  	_ =	shalt  }
0x60: {  	_ =	shalt  }
0x61: {  	_ =	shalt  }
0x62: {  	_ =	shalt  }
0x63: {  	_ =	shalt  }
0x64: {  	_ =	shalt  }
0x65: {  	_ =	shalt  }
0x66: {  	_ =	shalt  }
0x67: {  	_ =	shalt  }
0x68: {  	_ =	shalt  }
0x69: {  	_ =	shalt  }
0x6a: {  	_ =	shalt  }
0x6b: {  	_ =	shalt  }
0x6c: {  	_ =	shalt  }
0x6d: {  	_ =	shalt  }
0x6e: {  	_ =	shalt  }
0x6f: {  	_ =	shalt  }
0x70: {  	_ =	shalt  }
0x71: {  	_ =	shalt  }
0x72: {  	_ =	shalt  }
0x73: {  	_ =	shalt  }
0x74: {  	_ =	shalt  }
0x75: {  	_ =	shalt  }
0x76: {  	_ =	shalt  }
0x77: {  	_ =	shalt  }
0x78: {  	_ =	shalt  }
0x79: {  	_ =	shalt  }
0x7a: {  	_ =	shalt  }
0x7b: {  	_ =	shalt  }
0x7c: {  	_ =	shalt  }
0x7d: {  	_ =	shalt  }
0x7e: {  	_ =	shalt  }
0x7f: {  	_ =	shalt  }
0x80: {  	_ =	shalt  }
0x81: {  	_ =	shalt  }
0x82: {  	_ =	shalt  }
0x83: {  	_ =	shalt  }
0x84: {  	_ =	shalt  }
0x85: {  	_ =	shalt  }
0x86: {  	_ =	shalt  }
0x87: {  	_ =	shalt  }
.Lfunc_end0:
.L_simem_size_0:
called_computation.1_lowered:
.L_overlay_start_0:
0x88: {  	s2 =	sld [smem:$0x3FD9]  }
0x89: {  	s3 =	sld [smem:$0x3FFE];
	_ =	sdelay $0x1  }
0x8a: {  	s1 =	srdreg.scid  }
0x8b: {  	s0 =	sand.u32 $0x1, s1  }
0x8c: {  	s17 =	sshll.u32 s0, $0xA;
	s2 =	sadd.s32 s3, s2  }
0x8d: {  	s2 =	sadd.s32 s2, s17  }
0x8e: {  	[smem:$0x3FBD] =	sst s2  }
0x8f: {  	_ = 	snop  }
0x90: {  	s2 =	sld [smem:$0x3FD0];
	(tm) =	ssettm $0x1  }
0x91: {  	s18 =	sld [smem:$0x3FFB];
	_ =	sdelay $0x3  }
0x92: {  	_ =	strace s18  }
0x93: {  	s3 =	sld [smem:$0x3FFC];
	_ =	sdelay $0x3  }
0x94: {  	_ =	strace s3  }
0x95: {  	s3 =	sld [smem:$0x3FFD];
	_ =	sdelay $0x3  }
0x96: {  	_ =	strace s3  }
0x97: {  	_ =	strace $0x8FFFFFFF  }
0x98: {  	s19 =	sld [smem:$0x3FDB];
	_ =	sdelay $0x1  }
0x99: {  	s4 =	simm.s32 $_scs_section_size  }
0x9a: {  	s5 =	simm.s32 $_size__tile_overlayer_lowered;
	s6 =	simm.s32 $_tile_overlayer_lowered  }
0x9b: {  	s22 =	simm.s32 $0x1BFF;
	s21 =	sshll.u32 s6, $0x1;
	s3 =	sadd.s32 s4, s19  }
0x9c: {  	s7 =	simm.s32 $0x0;
	s20 =	sshll.u32 s5, $0x1;
	s5 =	sadd.s32 s21, s3  }
0x9d: {  	[timem:s7], [sflag:s22] =	dma.local [hbm:s5], s20  }
0x9e: {  	_ =	swait.ge [sflag:s22], s20  }
0x9f: {  	s4 =	ssub.s32 $0x0, s20;
	[sflag:s22] =	ssyncset.done $0x0  }
0xa0: {  	[sflag:s22] =	ssyncadd.s32 s4;
	_ =	sdelay $0x1  }
0xa1: {  	s23 =	simm.s32 $0x1B8B  }
0xa2: {  	_ =	swait.ge [sflag:s23], $0x1  }
0xa3: {  	[sflag:s23] =	ssyncset.done $0x0  }
0xa4: {  	s25 =	simm.s32 $0x1B8E;
	s24 =	sld [smem:$0x3FFE];
	[sflag:s23] =	ssyncadd.s32 $0xFFFFFFFF  }
0xa5: {  	s26 =	simm.s32 $execute0_lowered;
	[smem:$0x3FD2] =	sst s25  }
0xa6: {  	s5 =	sshll.u32 s26, $0x1;
	_ =	strace $0x80000049;
	[dreg:$0x1] =	wrdreg $0xFFFFFFFF  }
0xa7: {  	s28 =	simm.s32 $_size_execute0_lowered;
	s3 =	sadd.s32 s3, s5;
	[dreg:$0x0] =	wrdreg $0x0  }
0xa8: {  	s5 =	sshll.u32 s28, $0x1;
	[dreg:$0x2] =	wrdreg s3  }
0xa9: {  	[dreg:$0x3] =	wrdreg s5  }
0xaa: {  	[dreg:$0x4] =	wrdreg $0xC0  }
0xab: {  	_ =	task [dreg:s7], $0x5FFFF  }
0xac: {  	[dreg:$0x1] =	wrdreg $0xFFFFFFFF  }
0xad: {  	[dreg:$0x0] =	wrdreg $0x60  }
0xae: {  	[dreg:$0x2] =	wrdreg s24  }
0xaf: {  	[dreg:$0x3] =	wrdreg s2  }
0xb0: {  	[dreg:$0x4] =	wrdreg $0x9  }
0xb1: {  	_ =	task.clear_ibuf [dreg:s7], $0x5FFFF;
	_ =	strace $0x90000049  }
0xb2: {  	s29 =	simm.s32 $0x9;
	_ =	strace $0x8000004B  }
0xb3: {  	_ =	swait.ge [sflag:s29], $0x1  }
0xb4: {  	[sflag:s29] =	ssyncadd.s32 $0xFFFFFFFF  }
0xb5: {  	_ =	strace $0x9000004B  }
0xb6: {  	_ =	sfence  }
0xb7: {  	s30 =	sld [smem:$0x0];
	_ =	sdelay $0x2  }
0xb8: {  	s31 =	sshll.u32 s1, $0xD;
	s1 =	sshrl.u32 s1, $0x2  }
0xb9: {  	s3 =	sand.u32 $0x4000, s31;
	s1 =	sadd.s32 s1, s30  }
0xba: {  	s0 =	sor.u32 s3, s0;
	s1 =	sshll.u32 s1, $0x11  }
0xbb: {  	s0 =	sor.u32 s1, s0  }
0xbc: {  	s0 =	sadd.s32 $0x8F2B, s0  }
0xbd: {  	[sflag:s0] =	ssyncadd.remote.s32 $0x1  }
0xbe: {  	_ =	sfence.sel $0xFFFF  }
0xbf: {  	[dreg:$0x0] =	wrdreg $0xFFFFFFFF;
	(pc) =	sbr.abs _section_cstart, $3  }
0xc0: {  	[dreg:$0x1] =	wrdreg $0xFFFFFFFF  }
0xc1: {  	_ =	task.clear_ibuf [dreg:s7], $0x2FFFF;
	_ =	strace $0x9FFFFFFF  }
0xc2: {  	(tm) =	ssettm $0x7FFFFFFF  }
0xc3: {  	_ =	shalt  }
tec
execute0_lowered:
.L_overlay_start_1:
0x0: {  	(tag) =	ssettag $0x1  }
0x1: {  	s0 =	rddreg [dreg:$0x0]  }
0x2: {  	s1 =	rddreg [dreg:$0x1];
	s2 =	simm.s32 $0x0  }
0x3: {  	s3 =	srdreg.scid;
	s5 =	stileid.u32;
	s14 =	simm.s32 $0x3  }
0x4: {  	s16 =	simm.s32 $0x100;
	s15 =	simm.s32 $0x9900;
	s17 =	simm.s32 $0xA100  }
0x5: {  	s18 =	simm.s32 $0xA900;
	s19 =	simm.s32 $0xB100;
	s20 =	simm.s32 $0xC100  }
0x6: {  	s21 =	simm.s32 $0xC900;
	s22 =	simm.s32 $0xD900;
	s11 =	simm.s32 $0xE100  }
0x7: {  	s23 =	simm.s32 $0xE900;
	s24 =	simm.s32 $0xF100;
	s12 =	simm.s32 $0xF900  }
0x8: {  	s25 =	simm.s32 $0x1;
	s13 =	simm.s32 $0x2;
	s26 =	simm.s32 $0x0  }
0x9: {  	[smem:$0x7FF] =	sst s2;
	s3 =	sand.u32 $0x1, s3;
	s5 =	sshll.u32 s5, $0x7  }
0xa: {  	s9 =	sadd.s32 $0x200, s0;
	s8 =	sadd.s32 $0x700, s0;
	s6 =	sshll.u32 s3, $0x6  }
0xb: {  	_ =	strace $0x8000004A;
	s4 =	ssub.s32 $0x2, s3;
	s5 =	sor.u32 s6, s5  }
0xc: {  	s3 =	sadd.s32 $0x400, s0;
	s7 =	sshrl.u32 s4, $0x1;
	s6 =	sshrl.u32 s5, $0x3  }
0xd: {  	s4 =	ssub.s32 s4, s7;
	s7 =	sadd.s32 $0x600, s0;
	s28 =	sadd.s32 s9, s6  }
0xe: {  	s10 =	sshll.u32 s5, $0x7;
	s6 =	sadd.s32 s0, s6;
	[dreg:$0x3] =	wrdreg s28  }
0xf: {  	s5 =	sor.u32 $0x20, s5;
	s10 =	sadd.s32 s1, s10;
	[dreg:$0x4] =	wrdreg s6  }
0x10: {  	s29 =	sshrl.u32 s5, $0x3;
	s31 =	smax.u32 s4, $0x1;
	[dreg:$0x5] =	wrdreg s10  }
0x11: {  	s30 =	sshll.u32 s5, $0x7;
	s9 =	sadd.s32 s9, s29;
	[dreg:$0x9] =	wrdreg s31  }
0x12: {  	v2 =	vlaneseq.u32;
	s6 =	sadd.s32 $0x500, s0;
	s0 =	sadd.s32 s0, s29;
	[dreg:$0x6] =	wrdreg s9  }
0x13: {  	vm0 =	vmmov $0xffff;
	v1 =	vshrl.u32 v2, $0x3;
	s5 =	simm.s32 $0x9100;
	[dreg:$0x7] =	wrdreg s0;
	s0 =	sadd.s32 s1, s30  }
0x14: {  	v0 =	vand.u32 $0x7, v2;
	v2 =	vor.u32 $0x8, v2;
	v1 =	vmul.u32 $0x8, v1;
	s10 =	simm.s32 $0xD100;
	s9 =	simm.s32 $0xB900;
	[dreg:$0x8] =	wrdreg s0  }
.LBB2_1:
0x15: {  	s0 =	rddreg [dreg:$0x3]  }
0x16: {  	[tilespmem:s2], [sflag:$0x3] =	stream.linear.gather [hbm4b:s0+s2], $0x20, $0x38;
	[tilespmem:$0x10100] =	vst v63  }
0x17: {  	_ =	swait.ge [sflag:s14], $0x20  }
0x18: {  	[sflag:s14] =	ssyncset.done $0x0  }
0x19: {  	s1 =	simm.s32 $0x80;
	s4 =	rddreg [dreg:$0x4];
	[sflag:s14] =	ssyncadd.s32 $0xFFFFFFE0  }
0x1a: {  	[tilespmem:s1], [sflag:$0x3] =	stream.linear.gather [hbm4b:s4+s2], $0x20, $0x38;
	[tilespmem:$0x10100] =	vst v63  }
0x1b: {  	_ =	swait.ge [sflag:s14], $0x20  }
0x1c: {  	[sflag:s14] =	ssyncset.done $0x0  }
0x1d: {  	[sflag:s14] =	ssyncadd.s32 $0xFFFFFFE0  }
0x1e: {  	v3 =	vld [tilespmem:$0x0];
	_ =	sdelay $0x4  }
0x1f: {  	v4 =	vshll.u32 v3, $0x3  }
0x20: {  	v3 =	vand.u32 $0x7, v3;
	v4 =	vand.u32 $0xFFFFFFC0, v4  }
0x21: {  	v3 =	vor.u32 v3, v4  }
0x22: {  	v4 =	vperm.xlane v3, v0;
	_ =	sdelay $0x1  }
0x23: {  	v4 =	vadd.s32 v1, v4;
	_ =	sdelay $0x4  }
0x24: {  	[tilespmem:s16], [sflag:$0x1] =	stream.indirect_vreg.gather [hbm4b:s3+s2], $0x80, v4, vm0, $0xb8;
	[tilespmem:$0x10100] =	vst v63  }
0x25: {  	s4 =	simm.s32 $0x900;
	v3 =	vperm.xlane v3, v2  }
0x26: {  	[tilespmem:s4], [sflag:$0x1] =	stream.indirect_vreg.gather [hbm4b:s6+s2], $0x80, v4, vm0, $0xb8;
	[tilespmem:$0x10100] =	vst v63  }
0x27: {  	s1 =	simm.s32 $0x1100;
	v3 =	vadd.s32 v1, v3  }
0x28: {  	[tilespmem:s1], [sflag:$0x1] =	stream.indirect_vreg.gather [hbm4b:s7+s2], $0x80, v4, vm0, $0xb8;
	[tilespmem:$0x10100] =	vst v63  }
0x29: {  	s4 =	simm.s32 $0x1900  }
0x2a: {  	[tilespmem:s4], [sflag:$0x1] =	stream.indirect_vreg.gather [hbm4b:s8+s2], $0x80, v4, vm0, $0xb8;
	[tilespmem:$0x10100] =	vst v63  }
0x2b: {  	s1 =	simm.s32 $0x2100  }
0x2c: {  	[tilespmem:s1], [sflag:$0x1] =	stream.indirect_vreg.gather [hbm4b:s3+s2], $0x80, v3, vm0, $0xb8;
	[tilespmem:$0x10100] =	vst v63  }
0x2d: {  	s4 =	simm.s32 $0x2900  }
0x2e: {  	[tilespmem:s4], [sflag:$0x1] =	stream.indirect_vreg.gather [hbm4b:s6+s2], $0x80, v3, vm0, $0xb8;
	[tilespmem:$0x10100] =	vst v63  }
0x2f: {  	s1 =	simm.s32 $0x3100  }
0x30: {  	[tilespmem:s1], [sflag:$0x1] =	stream.indirect_vreg.gather [hbm4b:s7+s2], $0x80, v3, vm0, $0xb8;
	[tilespmem:$0x10100] =	vst v63  }
0x31: {  	s4 =	simm.s32 $0x3900  }
0x32: {  	[tilespmem:s4], [sflag:$0x1] =	stream.indirect_vreg.gather [hbm4b:s8+s2], $0x80, v3, vm0, $0xb8;
	[tilespmem:$0x10100] =	vst v63  }
0x33: {  	v3 =	vld [tilespmem:$0x10];
	_ =	sdelay $0x4  }
0x34: {  	v61 =	vshll.u32 v3, $0x3  }
0x35: {  	v3 =	vand.u32 $0x7, v3;
	v4 =	vand.u32 $0xFFFFFFC0, v61  }
0x36: {  	v3 =	vor.u32 v3, v4  }
0x37: {  	v4 =	vperm.xlane v3, v0;
	_ =	sdelay $0x1  }
0x38: {  	v4 =	vadd.s32 v1, v4;
	_ =	sdelay $0x3  }
0x39: {  	s1 =	simm.s32 $0x4100  }
0x3a: {  	[tilespmem:s1], [sflag:$0x1] =	stream.indirect_vreg.gather [hbm4b:s3+s2], $0x80, v4, vm0, $0xb8;
	[tilespmem:$0x10100] =	vst v63  }
0x3b: {  	s4 =	simm.s32 $0x4900;
	v3 =	vperm.xlane v3, v2  }
0x3c: {  	[tilespmem:s4], [sflag:$0x1] =	stream.indirect_vreg.gather [hbm4b:s6+s2], $0x80, v4, vm0, $0xb8;
	[tilespmem:$0x10100] =	vst v63  }
0x3d: {  	v3 =	vadd.s32 v1, v3;
	s1 =	simm.s32 $0x5100  }
0x3e: {  	[tilespmem:s1], [sflag:$0x1] =	stream.indirect_vreg.gather [hbm4b:s7+s2], $0x80, v4, vm0, $0xb8;
	[tilespmem:$0x10100] =	vst v63  }
0x3f: {  	s4 =	simm.s32 $0x5900  }
0x40: {  	[tilespmem:s4], [sflag:$0x1] =	stream.indirect_vreg.gather [hbm4b:s8+s2], $0x80, v4, vm0, $0xb8;
	[tilespmem:$0x10100] =	vst v63  }
0x41: {  	s1 =	simm.s32 $0x6100  }
0x42: {  	[tilespmem:s1], [sflag:$0x1] =	stream.indirect_vreg.gather [hbm4b:s3+s2], $0x80, v3, vm0, $0xb8;
	[tilespmem:$0x10100] =	vst v63  }
0x43: {  	s4 =	simm.s32 $0x6900  }
0x44: {  	[tilespmem:s4], [sflag:$0x1] =	stream.indirect_vreg.gather [hbm4b:s6+s2], $0x80, v3, vm0, $0xb8;
	[tilespmem:$0x10100] =	vst v63  }
0x45: {  	s1 =	simm.s32 $0x7100  }
0x46: {  	[tilespmem:s1], [sflag:$0x1] =	stream.indirect_vreg.gather [hbm4b:s7+s2], $0x80, v3, vm0, $0xb8;
	[tilespmem:$0x10100] =	vst v63  }
0x47: {  	s4 =	simm.s32 $0x7900  }
0x48: {  	[tilespmem:s4], [sflag:$0x1] =	stream.indirect_vreg.gather [hbm4b:s8+s2], $0x80, v3, vm0, $0xb8;
	[tilespmem:$0x10100] =	vst v63  }
0x49: {  	v3 =	vld [tilespmem:$0x80];
	_ =	sdelay $0x4  }
0x4a: {  	v62 =	vshll.u32 v3, $0x3  }
0x4b: {  	v3 =	vand.u32 $0x7, v3;
	v4 =	vand.u32 $0xFFFFFFC0, v62  }
0x4c: {  	v3 =	vor.u32 v3, v4  }
0x4d: {  	v4 =	vperm.xlane v3, v0;
	_ =	sdelay $0x1  }
0x4e: {  	v4 =	vadd.s32 v1, v4;
	_ =	sdelay $0x3  }
0x4f: {  	s1 =	simm.s32 $0x8100  }
0x50: {  	[tilespmem:s1], [sflag:$0x2] =	stream.indirect_vreg.gather [hbm4b:s3+s2], $0x80, v4, vm0, $0xb8;
	[tilespmem:$0x10100] =	vst v63  }
0x51: {  	s4 =	simm.s32 $0x8900;
	v3 =	vperm.xlane v3, v2  }
0x52: {  	[tilespmem:s4], [sflag:$0x2] =	stream.indirect_vreg.gather [hbm4b:s6+s2], $0x80, v4, vm0, $0xb8;
	[tilespmem:$0x10100] =	vst v63  }
0x53: {  	v3 =	vadd.s32 v1, v3  }
0x54: {  	[tilespmem:s5], [sflag:$0x2] =	stream.indirect_vreg.gather [hbm4b:s7+s2], $0x80, v4, vm0, $0xb8;
	[tilespmem:$0x10100] =	vst v63  }
0x55: {  	_ = 	snop  }
0x56: {  	[tilespmem:s15], [sflag:$0x2] =	stream.indirect_vreg.gather [hbm4b:s8+s2], $0x80, v4, vm0, $0xb8;
	[tilespmem:$0x10100] =	vst v63  }
0x57: {  	_ = 	snop  }
0x58: {  	[tilespmem:s17], [sflag:$0x2] =	stream.indirect_vreg.gather [hbm4b:s3+s2], $0x80, v3, vm0, $0xb8;
	[tilespmem:$0x10100] =	vst v63  }
0x59: {  	_ = 	snop  }
0x5a: {  	[tilespmem:s18], [sflag:$0x2] =	stream.indirect_vreg.gather [hbm4b:s6+s2], $0x80, v3, vm0, $0xb8;
	[tilespmem:$0x10100] =	vst v63  }
0x5b: {  	_ = 	snop  }
0x5c: {  	[tilespmem:s19], [sflag:$0x2] =	stream.indirect_vreg.gather [hbm4b:s7+s2], $0x80, v3, vm0, $0xb8;
	[tilespmem:$0x10100] =	vst v63  }
0x5d: {  	_ = 	snop  }
0x5e: {  	[tilespmem:s9], [sflag:$0x2] =	stream.indirect_vreg.gather [hbm4b:s8+s2], $0x80, v3, vm0, $0xb8;
	[tilespmem:$0x10100] =	vst v63  }
0x5f: {  	v3 =	vld [tilespmem:$0x90];
	_ =	sdelay $0x4  }
0x60: {  	v63 =	vshll.u32 v3, $0x3  }
0x61: {  	v3 =	vand.u32 $0x7, v3;
	v4 =	vand.u32 $0xFFFFFFC0, v63  }
0x62: {  	v3 =	vor.u32 v3, v4  }
0x63: {  	v4 =	vperm.xlane v3, v0;
	_ =	sdelay $0x1  }
0x64: {  	v4 =	vadd.s32 v1, v4;
	_ =	sdelay $0x4  }
0x65: {  	[tilespmem:s20], [sflag:$0x2] =	stream.indirect_vreg.gather [hbm4b:s3+s2], $0x80, v4, vm0, $0xb8;
	[tilespmem:$0x10100] =	vst v63  }
0x66: {  	v3 =	vperm.xlane v3, v2  }
0x67: {  	[tilespmem:s21], [sflag:$0x2] =	stream.indirect_vreg.gather [hbm4b:s6+s2], $0x80, v4, vm0, $0xb8;
	[tilespmem:$0x10100] =	vst v63  }
0x68: {  	v3 =	vadd.s32 v1, v3  }
0x69: {  	[tilespmem:s10], [sflag:$0x2] =	stream.indirect_vreg.gather [hbm4b:s7+s2], $0x80, v4, vm0, $0xb8;
	[tilespmem:$0x10100] =	vst v63  }
0x6a: {  	_ = 	snop  }
0x6b: {  	[tilespmem:s22], [sflag:$0x2] =	stream.indirect_vreg.gather [hbm4b:s8+s2], $0x80, v4, vm0, $0xb8;
	[tilespmem:$0x10100] =	vst v63  }
0x6c: {  	_ = 	snop  }
0x6d: {  	[tilespmem:s11], [sflag:$0x2] =	stream.indirect_vreg.gather [hbm4b:s3+s2], $0x80, v3, vm0, $0xb8;
	[tilespmem:$0x10100] =	vst v63  }
0x6e: {  	_ = 	snop  }
0x6f: {  	[tilespmem:s23], [sflag:$0x2] =	stream.indirect_vreg.gather [hbm4b:s6+s2], $0x80, v3, vm0, $0xb8;
	[tilespmem:$0x10100] =	vst v63  }
0x70: {  	_ = 	snop  }
0x71: {  	[tilespmem:s24], [sflag:$0x2] =	stream.indirect_vreg.gather [hbm4b:s7+s2], $0x80, v3, vm0, $0xb8;
	[tilespmem:$0x10100] =	vst v63  }
0x72: {  	_ = 	snop  }
0x73: {  	[tilespmem:s12], [sflag:$0x2] =	stream.indirect_vreg.gather [hbm4b:s8+s2], $0x80, v3, vm0, $0xb8;
	[tilespmem:$0x10100] =	vst v63  }
0x74: {  	_ =	swait.ge [sflag:s25], $0x8000  }
0x75: {  	[sflag:s25] =	ssyncset.done $0x0  }
0x76: {  	[sflag:s25] =	ssyncadd.s32 $0xFFFF8000  }
0x77: {  	_ =	swait.ge [sflag:s13], $0x8000  }
0x78: {  	s28 =	simm.s32 $0xFFFF8000;
	s29 =	simm.s32 $0x0;
	[sflag:s13] =	ssyncset.done $0x0  }
0x79: {  	s30 =	simm.s32 $0x0;
	s31 =	simm.s32 $0x0;
	[sflag:s13] =	ssyncadd.s32 $0xFFFF8000  }
.LBB2_2:
0x7a: {  	s0 =	sadd.s32 $0x8000, s28  }
0x7b: {  	s1 =	sand.u32 $0x380, s31;
	s0 =	sand.u32 $0x6000, s0  }
0x7c: {  	s0 =	sor.u32 s1, s0  }
0x7d: {  	v3 =	vld [tilespmem:s0+$0x100]  }
0x7e: {  	v4 =	vld [tilespmem:s0+$0x8100]  }
0x7f: {  	v5 =	vld [tilespmem:s0+$0x110]  }
0x80: {  	v6 =	vld [tilespmem:s0+$0x8110]  }
0x81: {  	v7 =	vld [tilespmem:s0+$0x120]  }
0x82: {  	v8 =	vld [tilespmem:s0+$0x8120]  }
0x83: {  	v9 =	vld [tilespmem:s0+$0x130]  }
0x84: {  	v10 =	vld [tilespmem:s0+$0x8130]  }
0x85: {  	v11 =	vld [tilespmem:s0+$0x140]  }
0x86: {  	v12 =	vld [tilespmem:s0+$0x8140]  }
0x87: {  	v13 =	vld [tilespmem:s0+$0x150]  }
0x88: {  	v14 =	vld [tilespmem:s0+$0x8150]  }
0x89: {  	v15 =	vld [tilespmem:s0+$0x160]  }
0x8a: {  	v16 =	vld [tilespmem:s0+$0x8160]  }
0x8b: {  	v17 =	vld [tilespmem:s0+$0x170]  }
0x8c: {  	v18 =	vld [tilespmem:s0+$0x8170]  }
0x8d: {  	v19 =	vld [tilespmem:s0+$0x500]  }
0x8e: {  	v20 =	vld [tilespmem:s0+$0x8500]  }
0x8f: {  	v21 =	vld [tilespmem:s0+$0x510]  }
0x90: {  	v22 =	vld [tilespmem:s0+$0x8510]  }
0x91: {  	v23 =	vld [tilespmem:s0+$0x520]  }
0x92: {  	v24 =	vld [tilespmem:s0+$0x8520]  }
0x93: {  	v25 =	vld [tilespmem:s0+$0x530]  }
0x94: {  	v26 =	vld [tilespmem:s0+$0x8530]  }
0x95: {  	v27 =	vld [tilespmem:s0+$0x540]  }
0x96: {  	v28 =	vld [tilespmem:s0+$0x8540]  }
0x97: {  	v29 =	vld [tilespmem:s0+$0x550]  }
0x98: {  	v30 =	vld [tilespmem:s0+$0x8550]  }
0x99: {  	v31 =	vld [tilespmem:s0+$0x560]  }
0x9a: {  	v32 =	vld [tilespmem:s0+$0x8560]  }
0x9b: {  	v33 =	vld [tilespmem:s0+$0x570]  }
0x9c: {  	v34 =	vld [tilespmem:s0+$0x8570]  }
0x9d: {  	v35 =	vld [tilespmem:s0+$0x900]  }
0x9e: {  	v36 =	vld [tilespmem:s0+$0x8900]  }
0x9f: {  	v37 =	vld [tilespmem:s0+$0x910]  }
0xa0: {  	v38 =	vld [tilespmem:s0+$0x8910]  }
0xa1: {  	v39 =	vld [tilespmem:s0+$0x920]  }
0xa2: {  	v40 =	vld [tilespmem:s0+$0x8920]  }
0xa3: {  	v41 =	vld [tilespmem:s0+$0x930]  }
0xa4: {  	v42 =	vld [tilespmem:s0+$0x8930]  }
0xa5: {  	v43 =	vld [tilespmem:s0+$0x940]  }
0xa6: {  	v44 =	vld [tilespmem:s0+$0x8940]  }
0xa7: {  	v45 =	vld [tilespmem:s0+$0x950]  }
0xa8: {  	v46 =	vld [tilespmem:s0+$0x8950]  }
0xa9: {  	v47 =	vld [tilespmem:s0+$0x960]  }
0xaa: {  	v48 =	vld [tilespmem:s0+$0x8960]  }
0xab: {  	v49 =	vld [tilespmem:s0+$0x970]  }
0xac: {  	v50 =	vld [tilespmem:s0+$0x8970]  }
0xad: {  	v51 =	vld [tilespmem:s0+$0xD00]  }
0xae: {  	v52 =	vld [tilespmem:s0+$0x8D00]  }
0xaf: {  	v53 =	vld [tilespmem:s0+$0xD10]  }
0xb0: {  	v54 =	vld [tilespmem:s0+$0x8D10]  }
0xb1: {  	v55 =	vld [tilespmem:s0+$0xD20]  }
0xb2: {  	v56 =	vld [tilespmem:s0+$0x8D20]  }
0xb3: {  	v57 =	vld [tilespmem:s0+$0xD30]  }
0xb4: {  	v58 =	vld [tilespmem:s0+$0x8D30]  }
0xb5: {  	v59 =	vld [tilespmem:s0+$0xD40]  }
0xb6: {  	v60 =	vld [tilespmem:s0+$0x8D40]  }
0xb7: {  	v61 =	vld [tilespmem:s0+$0xD50]  }
0xb8: {  	v62 =	vld [tilespmem:s0+$0x8D50]  }
0xb9: {  	v63 =	vld [tilespmem:s0+$0xD60]  }
0xba: {  	v3 =	vadd.f32 v4, v3;
	v4 =	vld [tilespmem:s0+$0x8D60]  }
0xbb: {  	v5 =	vadd.f32 v6, v5;
	v6 =	vld [tilespmem:s0+$0xD70]  }
0xbc: {  	v14 =	vadd.f32 v14, v13;
	v13 =	vld [tilespmem:s0+$0x9120];
	[tilespmem:s0+$0x100] =	vst v3;
	v3 =	vadd.f32 v8, v7  }
0xbd: {  	v18 =	vadd.f32 v18, v17;
	v17 =	vld [tilespmem:s0+$0x9140];
	[tilespmem:s0+$0x110] =	vst v5  }
0xbe: {  	v22 =	vadd.f32 v22, v21;
	v21 =	vld [tilespmem:s0+$0x9160];
	[tilespmem:s0+$0x120] =	vst v3;
	v3 =	vadd.f32 v12, v11  }
0xbf: {  	v7 =	vld [tilespmem:s0+$0x8D70];
	[tilespmem:s0+$0x150] =	vst v14  }
0xc0: {  	v8 =	vld [tilespmem:s0+$0x1100];
	[tilespmem:s0+$0x140] =	vst v3;
	v3 =	vadd.f32 v16, v15  }
0xc1: {  	v5 =	vadd.f32 v10, v9;
	v9 =	vld [tilespmem:s0+$0x9100];
	[tilespmem:s0+$0x170] =	vst v18  }
0xc2: {  	v10 =	vld [tilespmem:s0+$0x1110];
	[tilespmem:s0+$0x160] =	vst v3;
	v3 =	vadd.f32 v20, v19  }
0xc3: {  	v26 =	vadd.f32 v26, v25;
	v14 =	vld [tilespmem:s0+$0x1130];
	[tilespmem:s0+$0x510] =	vst v22  }
0xc4: {  	v18 =	vld [tilespmem:s0+$0x1150];
	[tilespmem:s0+$0x500] =	vst v3;
	v3 =	vadd.f32 v24, v23  }
0xc5: {  	v30 =	vadd.f32 v30, v29;
	[tilespmem:s0+$0x530] =	vst v26;
	v22 =	vld [tilespmem:s0+$0x1170]  }
0xc6: {  	v19 =	vld [tilespmem:s0+$0x9150];
	[tilespmem:s0+$0x520] =	vst v3;
	v3 =	vadd.f32 v28, v27  }
0xc7: {  	v34 =	vadd.f32 v34, v33;
	[tilespmem:s0+$0x550] =	vst v30;
	v11 =	vld [tilespmem:s0+$0x9110]  }
0xc8: {  	v12 =	vld [tilespmem:s0+$0x1120];
	[tilespmem:s0+$0x540] =	vst v3;
	v3 =	vadd.f32 v32, v31  }
0xc9: {  	[tilespmem:s0+$0x570] =	vst v34;
	v15 =	vld [tilespmem:s0+$0x9130]  }
0xca: {  	v16 =	vld [tilespmem:s0+$0x1140];
	[tilespmem:s0+$0x560] =	vst v3;
	v3 =	vadd.f32 v36, v35  }
0xcb: {  	[tilespmem:s0+$0x130] =	vst v5;
	v20 =	vld [tilespmem:s0+$0x1160];
	v19 =	vadd.f32 v19, v18  }
0xcc: {  	v24 =	vld [tilespmem:s0+$0x1500];
	[tilespmem:s0+$0x900] =	vst v3;
	v3 =	vadd.f32 v40, v39  }
0xcd: {  	[tilespmem:s0+$0x1150] =	vst v19;
	v36 =	vadd.f32 v38, v37;
	v37 =	vld [tilespmem:s0+$0x9170]  }
0xce: {  	v38 =	vadd.f32 v42, v41;
	v41 =	vld [tilespmem:s0+$0x1510];
	[tilespmem:s0+$0x920] =	vst v3;
	v3 =	vadd.f32 v44, v43  }
0xcf: {  	v42 =	vld [tilespmem:s0+$0x9510];
	[tilespmem:s0+$0x910] =	vst v36  }
0xd0: {  	v35 =	vld [tilespmem:s0+$0x1910];
	[tilespmem:s0+$0x940] =	vst v3;
	v3 =	vadd.f32 v48, v47  }
0xd1: {  	v39 =	vld [tilespmem:s0+$0x9500];
	[tilespmem:s0+$0x930] =	vst v38;
	v40 =	vadd.f32 v46, v45  }
0xd2: {  	v45 =	vld [tilespmem:s0+$0x9520];
	[tilespmem:s0+$0x960] =	vst v3;
	v3 =	vadd.f32 v52, v51  }
0xd3: {  	v46 =	vadd.f32 v54, v53;
	v53 =	vld [tilespmem:s0+$0x1550];
	[tilespmem:s0+$0x950] =	vst v40  }
0xd4: {  	v54 =	vld [tilespmem:s0+$0x9550];
	[tilespmem:s0+$0xD00] =	vst v3;
	v3 =	vadd.f32 v56, v55  }
0xd5: {  	v36 =	vld [tilespmem:s0+$0x9910];
	v43 =	vadd.f32 v50, v49;
	[tilespmem:s0+$0xD10] =	vst v46  }
0xd6: {  	v38 =	vld [tilespmem:s0+$0x1920];
	[tilespmem:s0+$0xD20] =	vst v3;
	v3 =	vadd.f32 v60, v59  }
0xd7: {  	v44 =	vld [tilespmem:s0+$0x1520];
	v49 =	vadd.f32 v58, v57;
	[tilespmem:s0+$0x970] =	vst v43  }
0xd8: {  	v50 =	vld [tilespmem:s0+$0x1540];
	[tilespmem:s0+$0xD40] =	vst v3;
	v3 =	vadd.f32 v4, v63  }
0xd9: {  	v57 =	vld [tilespmem:s0+$0x9560];
	v58 =	vadd.f32 v11, v10;
	[tilespmem:s0+$0xD30] =	vst v49  }
0xda: {  	v46 =	vld [tilespmem:s0+$0x9950];
	[tilespmem:s0+$0xD60] =	vst v3;
	v3 =	vadd.f32 v9, v8  }
0xdb: {  	v37 =	vadd.f32 v37, v22;
	v40 =	vadd.f32 v42, v41;
	v41 =	vld [tilespmem:s0+$0x1930];
	[tilespmem:s0+$0x1110] =	vst v58  }
0xdc: {  	v42 =	vld [tilespmem:s0+$0x9930];
	[tilespmem:s0+$0x1100] =	vst v3;
	v3 =	vadd.f32 v13, v12  }
0xdd: {  	v47 =	vld [tilespmem:s0+$0x1530];
	[tilespmem:s0+$0x1170] =	vst v37  }
0xde: {  	v48 =	vld [tilespmem:s0+$0x9530];
	[tilespmem:s0+$0x1120] =	vst v3;
	v3 =	vadd.f32 v17, v16  }
0xdf: {  	v49 =	vld [tilespmem:s0+$0x9960];
	[tilespmem:s0+$0x1510] =	vst v40;
	v52 =	vadd.f32 v62, v61  }
0xe0: {  	v51 =	vld [tilespmem:s0+$0x9540];
	[tilespmem:s0+$0x1140] =	vst v3;
	v3 =	vadd.f32 v21, v20  }
0xe1: {  	v61 =	vadd.f32 v15, v14;
	v62 =	vld [tilespmem:s0+$0x1900];
	[tilespmem:s0+$0xD50] =	vst v52  }
0xe2: {  	v56 =	vld [tilespmem:s0+$0x1560];
	[tilespmem:s0+$0x1160] =	vst v3;
	v3 =	vadd.f32 v39, v24  }
0xe3: {  	v55 =	vadd.f32 v7, v6;
	[tilespmem:s0+$0x1130] =	vst v61;
	v52 =	vld [tilespmem:s0+$0x9970]  }
0xe4: {  	v43 =	vadd.f32 v48, v47;
	v47 =	vld [tilespmem:s0+$0x1960];
	[tilespmem:s0+$0x1500] =	vst v3;
	v3 =	vadd.f32 v45, v44  }
0xe5: {  	[tilespmem:s0+$0xD70] =	vst v55;
	v63 =	vld [tilespmem:s0+$0x9900]  }
0xe6: {  	v59 =	vld [tilespmem:s0+$0x1570];
	[tilespmem:s0+$0x1520] =	vst v3;
	v3 =	vadd.f32 v51, v50  }
0xe7: {  	[tilespmem:s0+$0x1530] =	vst v43;
	v4 =	vadd.f32 v54, v53;
	v39 =	vld [tilespmem:s0+$0x9920]  }
0xe8: {  	v60 =	vld [tilespmem:s0+$0x9570];
	[tilespmem:s0+$0x1540] =	vst v3;
	v3 =	vadd.f32 v57, v56  }
0xe9: {  	v54 =	vadd.f32 v42, v41;
	[tilespmem:s0+$0x1550] =	vst v4;
	v45 =	vld [tilespmem:s0+$0x1950]  }
0xea: {  	v53 =	vld [tilespmem:s0+$0x9940];
	[tilespmem:s0+$0x1560] =	vst v3;
	v3 =	vadd.f32 v63, v62  }
0xeb: {  	[tilespmem:s0+$0x1930] =	vst v54;
	v55 =	vadd.f32 v49, v47;
	v50 =	vld [tilespmem:s0+$0x1970]  }
0xec: {  	v44 =	vld [tilespmem:s0+$0x1940];
	[tilespmem:s0+$0x1900] =	vst v3;
	v3 =	vadd.f32 v39, v38  }
0xed: {  	v48 =	vadd.f32 v60, v59;
	[tilespmem:s0+$0x1960] =	vst v55  }
0xee: {  	[tilespmem:s0+$0x1920] =	vst v3;
	v3 =	vadd.f32 v46, v45  }
0xef: {  	s4 =	sand.u32 $0x7, s29;
	[tilespmem:s0+$0x1570] =	vst v48;
	v51 =	vadd.f32 v36, v35  }
0xf0: {  	s1 =	sshll.u32 s4, $0x7;
	[tilespmem:s0+$0x1950] =	vst v3;
	v3 =	vadd.f32 v52, v50  }
0xf1: {  	s1 =	sadd.s32 s1, s30;
	[tilespmem:s0+$0x1910] =	vst v51;
	v56 =	vadd.f32 v53, v44  }
0xf2: {  	s4 =	sor.u32 $0x1C00, s1;
	[tilespmem:s0+$0x1970] =	vst v3  }
0xf3: {  	[tilespmem:s0+$0x1940] =	vst v56;
	v3 =	vld [tilespmem:s4+$0x100]  }
0xf4: {  	v4 =	vld [tilespmem:s4+$0x8100];
	_ =	sdelay $0x4  }
0xf5: {  	v3 =	vadd.f32 v4, v3;
	_ =	sdelay $0x1  }
0xf6: {  	[tilespmem:s4+$0x100] =	vst v3;
	s4 =	sor.u32 $0x1C10, s1  }
0xf7: {  	v3 =	vld [tilespmem:s4+$0x100]  }
0xf8: {  	v57 =	vld [tilespmem:s4+$0x8100];
	_ =	sdelay $0x4  }
0xf9: {  	v3 =	vadd.f32 v57, v3;
	_ =	sdelay $0x1  }
0xfa: {  	[tilespmem:s4+$0x100] =	vst v3;
	s4 =	sor.u32 $0x1C20, s1  }
0xfb: {  	v3 =	vld [tilespmem:s4+$0x100]  }
0xfc: {  	v58 =	vld [tilespmem:s4+$0x8100];
	_ =	sdelay $0x4  }
0xfd: {  	v3 =	vadd.f32 v58, v3;
	_ =	sdelay $0x1  }
0xfe: {  	[tilespmem:s4+$0x100] =	vst v3;
	s4 =	sor.u32 $0x1C30, s1  }
0xff: {  	v3 =	vld [tilespmem:s4+$0x100]  }
0x100: {  	v59 =	vld [tilespmem:s4+$0x8100];
	_ =	sdelay $0x4  }
0x101: {  	v3 =	vadd.f32 v59, v3;
	_ =	sdelay $0x1  }
0x102: {  	[tilespmem:s4+$0x100] =	vst v3;
	s4 =	sor.u32 $0x1C40, s1  }
0x103: {  	v3 =	vld [tilespmem:s4+$0x100]  }
0x104: {  	v60 =	vld [tilespmem:s4+$0x8100];
	_ =	sdelay $0x4  }
0x105: {  	v3 =	vadd.f32 v60, v3;
	_ =	sdelay $0x1  }
0x106: {  	[tilespmem:s4+$0x100] =	vst v3;
	s4 =	sor.u32 $0x1C50, s1  }
0x107: {  	v3 =	vld [tilespmem:s4+$0x100]  }
0x108: {  	v61 =	vld [tilespmem:s4+$0x8100];
	_ =	sdelay $0x4  }
0x109: {  	v3 =	vadd.f32 v61, v3;
	_ =	sdelay $0x1  }
0x10a: {  	[tilespmem:s4+$0x100] =	vst v3;
	s4 =	sor.u32 $0x1C60, s1  }
0x10b: {  	v3 =	vld [tilespmem:s4+$0x100]  }
0x10c: {  	v62 =	vld [tilespmem:s4+$0x8100];
	_ =	sdelay $0x4  }
0x10d: {  	v3 =	vadd.f32 v62, v3;
	_ =	sdelay $0x1  }
0x10e: {  	[tilespmem:s4+$0x100] =	vst v3;
	s4 =	sor.u32 $0x1C70, s1  }
0x10f: {  	v3 =	vld [tilespmem:s4+$0x100]  }
0x110: {  	v63 =	vld [tilespmem:s4+$0x8100];
	_ =	sdelay $0x1  }
0x111: {  	p0 =	sne.s32 s31, $0xF80  }
.Ltmp0:
0x112: {  	_ = 	snop;
	(pc) =	sbr.rel @p0 .LBB2_2-.Ltmp0, $4  }
0x113: {  	_ = 	snop  }
0x114: {  	v3 =	vadd.f32 v63, v3  }
0x115: {  	s29 =	sadd.s32 $0x1, s29  }
0x116: {  	s28 =	sadd.s32 $0x400, s28;
	s31 =	sadd.s32 $0x80, s31;
	s30 =	sadd.s32 $0x400, s30;
	[tilespmem:s4+$0x100] =	vst v3  }
0x117: {  	s28 =	simm.s32 $0x0;
	s0 =	rddreg [dreg:$0x5]  }
0x118: {  	[hbm4b:s0+s28] =	stream.linear.scatter [tilespmem:s16], [sflag:$0x3], $0x8000, $0x38;
	[tilespmem:$0x10100] =	vst v63  }
0x119: {  	_ =	swait.ge [sflag:s14], $0x8000  }
0x11a: {  	[sflag:s14] =	ssyncset.done $0x0  }
0x11b: {  	s1 =	rddreg [dreg:$0x6];
	[sflag:s14] =	ssyncadd.s32 $0xFFFF8000  }
0x11c: {  	[tilespmem:s28], [sflag:$0x3] =	stream.linear.gather [hbm4b:s1+s28], $0x20, $0x38;
	[tilespmem:$0x10100] =	vst v63  }
0x11d: {  	_ =	swait.ge [sflag:s14], $0x20  }
0x11e: {  	[sflag:s14] =	ssyncset.done $0x0  }
0x11f: {  	s1 =	simm.s32 $0x80;
	s4 =	rddreg [dreg:$0x7];
	[sflag:s14] =	ssyncadd.s32 $0xFFFFFFE0  }
0x120: {  	[tilespmem:s1], [sflag:$0x3] =	stream.linear.gather [hbm4b:s4+s28], $0x20, $0x38;
	[tilespmem:$0x10100] =	vst v63  }
0x121: {  	_ =	swait.ge [sflag:s14], $0x20  }
0x122: {  	[sflag:s14] =	ssyncset.done $0x0  }
0x123: {  	[sflag:s14] =	ssyncadd.s32 $0xFFFFFFE0  }
0x124: {  	v3 =	vld [tilespmem:$0x0];
	_ =	sdelay $0x4  }
0x125: {  	v4 =	vshll.u32 v3, $0x3  }
0x126: {  	v3 =	vand.u32 $0x7, v3;
	v4 =	vand.u32 $0xFFFFFFC0, v4  }
0x127: {  	v3 =	vor.u32 v3, v4  }
0x128: {  	v4 =	vperm.xlane v3, v0;
	_ =	sdelay $0x1  }
0x129: {  	v4 =	vadd.s32 v1, v4;
	_ =	sdelay $0x4  }
0x12a: {  	[tilespmem:s16], [sflag:$0x1] =	stream.indirect_vreg.gather [hbm4b:s3+s28], $0x80, v4, vm0, $0xb8;
	[tilespmem:$0x10100] =	vst v63  }
0x12b: {  	s4 =	simm.s32 $0x900;
	v3 =	vperm.xlane v3, v2  }
0x12c: {  	[tilespmem:s4], [sflag:$0x1] =	stream.indirect_vreg.gather [hbm4b:s6+s28], $0x80, v4, vm0, $0xb8;
	[tilespmem:$0x10100] =	vst v63  }
0x12d: {  	s1 =	simm.s32 $0x1100;
	v3 =	vadd.s32 v1, v3  }
0x12e: {  	[tilespmem:s1], [sflag:$0x1] =	stream.indirect_vreg.gather [hbm4b:s7+s28], $0x80, v4, vm0, $0xb8;
	[tilespmem:$0x10100] =	vst v63  }
0x12f: {  	s4 =	simm.s32 $0x1900  }
0x130: {  	[tilespmem:s4], [sflag:$0x1] =	stream.indirect_vreg.gather [hbm4b:s8+s28], $0x80, v4, vm0, $0xb8;
	[tilespmem:$0x10100] =	vst v63  }
0x131: {  	s1 =	simm.s32 $0x2100  }
0x132: {  	[tilespmem:s1], [sflag:$0x1] =	stream.indirect_vreg.gather [hbm4b:s3+s28], $0x80, v3, vm0, $0xb8;
	[tilespmem:$0x10100] =	vst v63  }
0x133: {  	s4 =	simm.s32 $0x2900  }
0x134: {  	[tilespmem:s4], [sflag:$0x1] =	stream.indirect_vreg.gather [hbm4b:s6+s28], $0x80, v3, vm0, $0xb8;
	[tilespmem:$0x10100] =	vst v63  }
0x135: {  	s1 =	simm.s32 $0x3100  }
0x136: {  	[tilespmem:s1], [sflag:$0x1] =	stream.indirect_vreg.gather [hbm4b:s7+s28], $0x80, v3, vm0, $0xb8;
	[tilespmem:$0x10100] =	vst v63  }
0x137: {  	s4 =	simm.s32 $0x3900  }
0x138: {  	[tilespmem:s4], [sflag:$0x1] =	stream.indirect_vreg.gather [hbm4b:s8+s28], $0x80, v3, vm0, $0xb8;
	[tilespmem:$0x10100] =	vst v63  }
0x139: {  	v3 =	vld [tilespmem:$0x10];
	_ =	sdelay $0x4  }
0x13a: {  	v61 =	vshll.u32 v3, $0x3  }
0x13b: {  	v3 =	vand.u32 $0x7, v3;
	v4 =	vand.u32 $0xFFFFFFC0, v61  }
0x13c: {  	v3 =	vor.u32 v3, v4  }
0x13d: {  	v4 =	vperm.xlane v3, v0;
	_ =	sdelay $0x1  }
0x13e: {  	v4 =	vadd.s32 v1, v4;
	_ =	sdelay $0x3  }
0x13f: {  	s1 =	simm.s32 $0x4100  }
0x140: {  	[tilespmem:s1], [sflag:$0x1] =	stream.indirect_vreg.gather [hbm4b:s3+s28], $0x80, v4, vm0, $0xb8;
	[tilespmem:$0x10100] =	vst v63  }
0x141: {  	s4 =	simm.s32 $0x4900;
	v3 =	vperm.xlane v3, v2  }
0x142: {  	[tilespmem:s4], [sflag:$0x1] =	stream.indirect_vreg.gather [hbm4b:s6+s28], $0x80, v4, vm0, $0xb8;
	[tilespmem:$0x10100] =	vst v63  }
0x143: {  	v3 =	vadd.s32 v1, v3;
	s1 =	simm.s32 $0x5100  }
0x144: {  	[tilespmem:s1], [sflag:$0x1] =	stream.indirect_vreg.gather [hbm4b:s7+s28], $0x80, v4, vm0, $0xb8;
	[tilespmem:$0x10100] =	vst v63  }
0x145: {  	s4 =	simm.s32 $0x5900  }
0x146: {  	[tilespmem:s4], [sflag:$0x1] =	stream.indirect_vreg.gather [hbm4b:s8+s28], $0x80, v4, vm0, $0xb8;
	[tilespmem:$0x10100] =	vst v63  }
0x147: {  	s1 =	simm.s32 $0x6100  }
0x148: {  	[tilespmem:s1], [sflag:$0x1] =	stream.indirect_vreg.gather [hbm4b:s3+s28], $0x80, v3, vm0, $0xb8;
	[tilespmem:$0x10100] =	vst v63  }
0x149: {  	s4 =	simm.s32 $0x6900  }
0x14a: {  	[tilespmem:s4], [sflag:$0x1] =	stream.indirect_vreg.gather [hbm4b:s6+s28], $0x80, v3, vm0, $0xb8;
	[tilespmem:$0x10100] =	vst v63  }
0x14b: {  	s1 =	simm.s32 $0x7100  }
0x14c: {  	[tilespmem:s1], [sflag:$0x1] =	stream.indirect_vreg.gather [hbm4b:s7+s28], $0x80, v3, vm0, $0xb8;
	[tilespmem:$0x10100] =	vst v63  }
0x14d: {  	s4 =	simm.s32 $0x7900  }
0x14e: {  	[tilespmem:s4], [sflag:$0x1] =	stream.indirect_vreg.gather [hbm4b:s8+s28], $0x80, v3, vm0, $0xb8;
	[tilespmem:$0x10100] =	vst v63  }
0x14f: {  	v3 =	vld [tilespmem:$0x80];
	_ =	sdelay $0x4  }
0x150: {  	v62 =	vshll.u32 v3, $0x3  }
0x151: {  	v3 =	vand.u32 $0x7, v3;
	v4 =	vand.u32 $0xFFFFFFC0, v62  }
0x152: {  	v3 =	vor.u32 v3, v4  }
0x153: {  	v4 =	vperm.xlane v3, v0;
	_ =	sdelay $0x1  }
0x154: {  	v4 =	vadd.s32 v1, v4;
	_ =	sdelay $0x3  }
0x155: {  	s1 =	simm.s32 $0x8100  }
0x156: {  	[tilespmem:s1], [sflag:$0x2] =	stream.indirect_vreg.gather [hbm4b:s3+s28], $0x80, v4, vm0, $0xb8;
	[tilespmem:$0x10100] =	vst v63  }
0x157: {  	s4 =	simm.s32 $0x8900;
	v3 =	vperm.xlane v3, v2  }
0x158: {  	[tilespmem:s4], [sflag:$0x2] =	stream.indirect_vreg.gather [hbm4b:s6+s28], $0x80, v4, vm0, $0xb8;
	[tilespmem:$0x10100] =	vst v63  }
0x159: {  	v3 =	vadd.s32 v1, v3  }
0x15a: {  	[tilespmem:s5], [sflag:$0x2] =	stream.indirect_vreg.gather [hbm4b:s7+s28], $0x80, v4, vm0, $0xb8;
	[tilespmem:$0x10100] =	vst v63  }
0x15b: {  	_ = 	snop  }
0x15c: {  	[tilespmem:s15], [sflag:$0x2] =	stream.indirect_vreg.gather [hbm4b:s8+s28], $0x80, v4, vm0, $0xb8;
	[tilespmem:$0x10100] =	vst v63  }
0x15d: {  	_ = 	snop  }
0x15e: {  	[tilespmem:s17], [sflag:$0x2] =	stream.indirect_vreg.gather [hbm4b:s3+s28], $0x80, v3, vm0, $0xb8;
	[tilespmem:$0x10100] =	vst v63  }
0x15f: {  	_ = 	snop  }
0x160: {  	[tilespmem:s18], [sflag:$0x2] =	stream.indirect_vreg.gather [hbm4b:s6+s28], $0x80, v3, vm0, $0xb8;
	[tilespmem:$0x10100] =	vst v63  }
0x161: {  	_ = 	snop  }
0x162: {  	[tilespmem:s19], [sflag:$0x2] =	stream.indirect_vreg.gather [hbm4b:s7+s28], $0x80, v3, vm0, $0xb8;
	[tilespmem:$0x10100] =	vst v63  }
0x163: {  	_ = 	snop  }
0x164: {  	[tilespmem:s9], [sflag:$0x2] =	stream.indirect_vreg.gather [hbm4b:s8+s28], $0x80, v3, vm0, $0xb8;
	[tilespmem:$0x10100] =	vst v63  }
0x165: {  	v3 =	vld [tilespmem:$0x90];
	_ =	sdelay $0x4  }
0x166: {  	v63 =	vshll.u32 v3, $0x3  }
0x167: {  	v3 =	vand.u32 $0x7, v3;
	v4 =	vand.u32 $0xFFFFFFC0, v63  }
0x168: {  	v3 =	vor.u32 v3, v4  }
0x169: {  	v4 =	vperm.xlane v3, v0;
	_ =	sdelay $0x1  }
0x16a: {  	v4 =	vadd.s32 v1, v4;
	_ =	sdelay $0x4  }
0x16b: {  	[tilespmem:s20], [sflag:$0x2] =	stream.indirect_vreg.gather [hbm4b:s3+s28], $0x80, v4, vm0, $0xb8;
	[tilespmem:$0x10100] =	vst v63  }
0x16c: {  	v3 =	vperm.xlane v3, v2  }
0x16d: {  	[tilespmem:s21], [sflag:$0x2] =	stream.indirect_vreg.gather [hbm4b:s6+s28], $0x80, v4, vm0, $0xb8;
	[tilespmem:$0x10100] =	vst v63  }
0x16e: {  	v3 =	vadd.s32 v1, v3  }
0x16f: {  	[tilespmem:s10], [sflag:$0x2] =	stream.indirect_vreg.gather [hbm4b:s7+s28], $0x80, v4, vm0, $0xb8;
	[tilespmem:$0x10100] =	vst v63  }
0x170: {  	_ = 	snop  }
0x171: {  	[tilespmem:s22], [sflag:$0x2] =	stream.indirect_vreg.gather [hbm4b:s8+s28], $0x80, v4, vm0, $0xb8;
	[tilespmem:$0x10100] =	vst v63  }
0x172: {  	_ = 	snop  }
0x173: {  	[tilespmem:s11], [sflag:$0x2] =	stream.indirect_vreg.gather [hbm4b:s3+s28], $0x80, v3, vm0, $0xb8;
	[tilespmem:$0x10100] =	vst v63  }
0x174: {  	_ = 	snop  }
0x175: {  	[tilespmem:s23], [sflag:$0x2] =	stream.indirect_vreg.gather [hbm4b:s6+s28], $0x80, v3, vm0, $0xb8;
	[tilespmem:$0x10100] =	vst v63  }
0x176: {  	_ = 	snop  }
0x177: {  	[tilespmem:s24], [sflag:$0x2] =	stream.indirect_vreg.gather [hbm4b:s7+s28], $0x80, v3, vm0, $0xb8;
	[tilespmem:$0x10100] =	vst v63  }
0x178: {  	_ = 	snop  }
0x179: {  	[tilespmem:s12], [sflag:$0x2] =	stream.indirect_vreg.gather [hbm4b:s8+s28], $0x80, v3, vm0, $0xb8;
	[tilespmem:$0x10100] =	vst v63  }
0x17a: {  	_ =	swait.ge [sflag:s25], $0x8000  }
0x17b: {  	[sflag:s25] =	ssyncset.done $0x0  }
0x17c: {  	[sflag:s25] =	ssyncadd.s32 $0xFFFF8000  }
0x17d: {  	_ =	swait.ge [sflag:s13], $0x8000  }
0x17e: {  	s29 =	simm.s32 $0xFFFF8000;
	[sflag:s13] =	ssyncset.done $0x0  }
0x17f: {  	s30 =	simm.s32 $0x0;
	s31 =	simm.s32 $0x0;
	[sflag:s13] =	ssyncadd.s32 $0xFFFF8000  }
.LBB2_4:
0x180: {  	s0 =	sadd.s32 $0x8000, s29  }
0x181: {  	s1 =	sand.u32 $0x380, s31;
	s0 =	sand.u32 $0x6000, s0  }
0x182: {  	s0 =	sor.u32 s1, s0  }
0x183: {  	v3 =	vld [tilespmem:s0+$0x100]  }
0x184: {  	v4 =	vld [tilespmem:s0+$0x8100]  }
0x185: {  	v5 =	vld [tilespmem:s0+$0x110]  }
0x186: {  	v6 =	vld [tilespmem:s0+$0x8110]  }
0x187: {  	v7 =	vld [tilespmem:s0+$0x120]  }
0x188: {  	v8 =	vld [tilespmem:s0+$0x8120]  }
0x189: {  	v9 =	vld [tilespmem:s0+$0x130]  }
0x18a: {  	v10 =	vld [tilespmem:s0+$0x8130]  }
0x18b: {  	v11 =	vld [tilespmem:s0+$0x140]  }
0x18c: {  	v12 =	vld [tilespmem:s0+$0x8140]  }
0x18d: {  	v13 =	vld [tilespmem:s0+$0x150]  }
0x18e: {  	v14 =	vld [tilespmem:s0+$0x8150]  }
0x18f: {  	v15 =	vld [tilespmem:s0+$0x160]  }
0x190: {  	v16 =	vld [tilespmem:s0+$0x8160]  }
0x191: {  	v17 =	vld [tilespmem:s0+$0x170]  }
0x192: {  	v18 =	vld [tilespmem:s0+$0x8170]  }
0x193: {  	v19 =	vld [tilespmem:s0+$0x500]  }
0x194: {  	v20 =	vld [tilespmem:s0+$0x8500]  }
0x195: {  	v21 =	vld [tilespmem:s0+$0x510]  }
0x196: {  	v22 =	vld [tilespmem:s0+$0x8510]  }
0x197: {  	v23 =	vld [tilespmem:s0+$0x520]  }
0x198: {  	v24 =	vld [tilespmem:s0+$0x8520]  }
0x199: {  	v25 =	vld [tilespmem:s0+$0x530]  }
0x19a: {  	v26 =	vld [tilespmem:s0+$0x8530]  }
0x19b: {  	v27 =	vld [tilespmem:s0+$0x540]  }
0x19c: {  	v28 =	vld [tilespmem:s0+$0x8540]  }
0x19d: {  	v29 =	vld [tilespmem:s0+$0x550]  }
0x19e: {  	v30 =	vld [tilespmem:s0+$0x8550]  }
0x19f: {  	v31 =	vld [tilespmem:s0+$0x560]  }
0x1a0: {  	v32 =	vld [tilespmem:s0+$0x8560]  }
0x1a1: {  	v33 =	vld [tilespmem:s0+$0x570]  }
0x1a2: {  	v34 =	vld [tilespmem:s0+$0x8570]  }
0x1a3: {  	v35 =	vld [tilespmem:s0+$0x900]  }
0x1a4: {  	v36 =	vld [tilespmem:s0+$0x8900]  }
0x1a5: {  	v37 =	vld [tilespmem:s0+$0x910]  }
0x1a6: {  	v38 =	vld [tilespmem:s0+$0x8910]  }
0x1a7: {  	v39 =	vld [tilespmem:s0+$0x920]  }
0x1a8: {  	v40 =	vld [tilespmem:s0+$0x8920]  }
0x1a9: {  	v41 =	vld [tilespmem:s0+$0x930]  }
0x1aa: {  	v42 =	vld [tilespmem:s0+$0x8930]  }
0x1ab: {  	v43 =	vld [tilespmem:s0+$0x940]  }
0x1ac: {  	v44 =	vld [tilespmem:s0+$0x8940]  }
0x1ad: {  	v45 =	vld [tilespmem:s0+$0x950]  }
0x1ae: {  	v46 =	vld [tilespmem:s0+$0x8950]  }
0x1af: {  	v47 =	vld [tilespmem:s0+$0x960]  }
0x1b0: {  	v48 =	vld [tilespmem:s0+$0x8960]  }
0x1b1: {  	v49 =	vld [tilespmem:s0+$0x970]  }
0x1b2: {  	v50 =	vld [tilespmem:s0+$0x8970]  }
0x1b3: {  	v51 =	vld [tilespmem:s0+$0xD00]  }
0x1b4: {  	v52 =	vld [tilespmem:s0+$0x8D00]  }
0x1b5: {  	v53 =	vld [tilespmem:s0+$0xD10]  }
0x1b6: {  	v54 =	vld [tilespmem:s0+$0x8D10]  }
0x1b7: {  	v55 =	vld [tilespmem:s0+$0xD20]  }
0x1b8: {  	v56 =	vld [tilespmem:s0+$0x8D20]  }
0x1b9: {  	v57 =	vld [tilespmem:s0+$0xD30]  }
0x1ba: {  	v58 =	vld [tilespmem:s0+$0x8D30]  }
0x1bb: {  	v59 =	vld [tilespmem:s0+$0xD40]  }
0x1bc: {  	v60 =	vld [tilespmem:s0+$0x8D40]  }
0x1bd: {  	v61 =	vld [tilespmem:s0+$0xD50]  }
0x1be: {  	v62 =	vld [tilespmem:s0+$0x8D50]  }
0x1bf: {  	v63 =	vld [tilespmem:s0+$0xD60]  }
0x1c0: {  	v3 =	vadd.f32 v4, v3;
	v4 =	vld [tilespmem:s0+$0x8D60]  }
0x1c1: {  	v5 =	vadd.f32 v6, v5;
	v6 =	vld [tilespmem:s0+$0xD70]  }
0x1c2: {  	v14 =	vadd.f32 v14, v13;
	v13 =	vld [tilespmem:s0+$0x9120];
	[tilespmem:s0+$0x100] =	vst v3;
	v3 =	vadd.f32 v8, v7  }
0x1c3: {  	v18 =	vadd.f32 v18, v17;
	v17 =	vld [tilespmem:s0+$0x9140];
	[tilespmem:s0+$0x110] =	vst v5  }
0x1c4: {  	v22 =	vadd.f32 v22, v21;
	v21 =	vld [tilespmem:s0+$0x9160];
	[tilespmem:s0+$0x120] =	vst v3;
	v3 =	vadd.f32 v12, v11  }
0x1c5: {  	v7 =	vld [tilespmem:s0+$0x8D70];
	[tilespmem:s0+$0x150] =	vst v14  }
0x1c6: {  	v8 =	vld [tilespmem:s0+$0x1100];
	[tilespmem:s0+$0x140] =	vst v3;
	v3 =	vadd.f32 v16, v15  }
0x1c7: {  	v5 =	vadd.f32 v10, v9;
	v9 =	vld [tilespmem:s0+$0x9100];
	[tilespmem:s0+$0x170] =	vst v18  }
0x1c8: {  	v10 =	vld [tilespmem:s0+$0x1110];
	[tilespmem:s0+$0x160] =	vst v3;
	v3 =	vadd.f32 v20, v19  }
0x1c9: {  	v26 =	vadd.f32 v26, v25;
	v14 =	vld [tilespmem:s0+$0x1130];
	[tilespmem:s0+$0x510] =	vst v22  }
0x1ca: {  	v18 =	vld [tilespmem:s0+$0x1150];
	[tilespmem:s0+$0x500] =	vst v3;
	v3 =	vadd.f32 v24, v23  }
0x1cb: {  	v30 =	vadd.f32 v30, v29;
	[tilespmem:s0+$0x530] =	vst v26;
	v22 =	vld [tilespmem:s0+$0x1170]  }
0x1cc: {  	v19 =	vld [tilespmem:s0+$0x9150];
	[tilespmem:s0+$0x520] =	vst v3;
	v3 =	vadd.f32 v28, v27  }
0x1cd: {  	v34 =	vadd.f32 v34, v33;
	[tilespmem:s0+$0x550] =	vst v30;
	v11 =	vld [tilespmem:s0+$0x9110]  }
0x1ce: {  	v12 =	vld [tilespmem:s0+$0x1120];
	[tilespmem:s0+$0x540] =	vst v3;
	v3 =	vadd.f32 v32, v31  }
0x1cf: {  	[tilespmem:s0+$0x570] =	vst v34;
	v15 =	vld [tilespmem:s0+$0x9130]  }
0x1d0: {  	v16 =	vld [tilespmem:s0+$0x1140];
	[tilespmem:s0+$0x560] =	vst v3;
	v3 =	vadd.f32 v36, v35  }
0x1d1: {  	[tilespmem:s0+$0x130] =	vst v5;
	v20 =	vld [tilespmem:s0+$0x1160];
	v19 =	vadd.f32 v19, v18  }
0x1d2: {  	v24 =	vld [tilespmem:s0+$0x1500];
	[tilespmem:s0+$0x900] =	vst v3;
	v3 =	vadd.f32 v40, v39  }
0x1d3: {  	[tilespmem:s0+$0x1150] =	vst v19;
	v36 =	vadd.f32 v38, v37;
	v37 =	vld [tilespmem:s0+$0x9170]  }
0x1d4: {  	v38 =	vadd.f32 v42, v41;
	v41 =	vld [tilespmem:s0+$0x1510];
	[tilespmem:s0+$0x920] =	vst v3;
	v3 =	vadd.f32 v44, v43  }
0x1d5: {  	v42 =	vld [tilespmem:s0+$0x9510];
	[tilespmem:s0+$0x910] =	vst v36  }
0x1d6: {  	v35 =	vld [tilespmem:s0+$0x1910];
	[tilespmem:s0+$0x940] =	vst v3;
	v3 =	vadd.f32 v48, v47  }
0x1d7: {  	v39 =	vld [tilespmem:s0+$0x9500];
	[tilespmem:s0+$0x930] =	vst v38;
	v40 =	vadd.f32 v46, v45  }
0x1d8: {  	v45 =	vld [tilespmem:s0+$0x9520];
	[tilespmem:s0+$0x960] =	vst v3;
	v3 =	vadd.f32 v52, v51  }
0x1d9: {  	v46 =	vadd.f32 v54, v53;
	v53 =	vld [tilespmem:s0+$0x1550];
	[tilespmem:s0+$0x950] =	vst v40  }
0x1da: {  	v54 =	vld [tilespmem:s0+$0x9550];
	[tilespmem:s0+$0xD00] =	vst v3;
	v3 =	vadd.f32 v56, v55  }
0x1db: {  	v36 =	vld [tilespmem:s0+$0x9910];
	v43 =	vadd.f32 v50, v49;
	[tilespmem:s0+$0xD10] =	vst v46  }
0x1dc: {  	v38 =	vld [tilespmem:s0+$0x1920];
	[tilespmem:s0+$0xD20] =	vst v3;
	v3 =	vadd.f32 v60, v59  }
0x1dd: {  	v44 =	vld [tilespmem:s0+$0x1520];
	v49 =	vadd.f32 v58, v57;
	[tilespmem:s0+$0x970] =	vst v43  }
0x1de: {  	v50 =	vld [tilespmem:s0+$0x1540];
	[tilespmem:s0+$0xD40] =	vst v3;
	v3 =	vadd.f32 v4, v63  }
0x1df: {  	v57 =	vld [tilespmem:s0+$0x9560];
	v58 =	vadd.f32 v11, v10;
	[tilespmem:s0+$0xD30] =	vst v49  }
0x1e0: {  	v46 =	vld [tilespmem:s0+$0x9950];
	[tilespmem:s0+$0xD60] =	vst v3;
	v3 =	vadd.f32 v9, v8  }
0x1e1: {  	v37 =	vadd.f32 v37, v22;
	v40 =	vadd.f32 v42, v41;
	v41 =	vld [tilespmem:s0+$0x1930];
	[tilespmem:s0+$0x1110] =	vst v58  }
0x1e2: {  	v42 =	vld [tilespmem:s0+$0x9930];
	[tilespmem:s0+$0x1100] =	vst v3;
	v3 =	vadd.f32 v13, v12  }
0x1e3: {  	v47 =	vld [tilespmem:s0+$0x1530];
	[tilespmem:s0+$0x1170] =	vst v37  }
0x1e4: {  	v48 =	vld [tilespmem:s0+$0x9530];
	[tilespmem:s0+$0x1120] =	vst v3;
	v3 =	vadd.f32 v17, v16  }
0x1e5: {  	v49 =	vld [tilespmem:s0+$0x9960];
	[tilespmem:s0+$0x1510] =	vst v40;
	v52 =	vadd.f32 v62, v61  }
0x1e6: {  	v51 =	vld [tilespmem:s0+$0x9540];
	[tilespmem:s0+$0x1140] =	vst v3;
	v3 =	vadd.f32 v21, v20  }
0x1e7: {  	v61 =	vadd.f32 v15, v14;
	v62 =	vld [tilespmem:s0+$0x1900];
	[tilespmem:s0+$0xD50] =	vst v52  }
0x1e8: {  	v56 =	vld [tilespmem:s0+$0x1560];
	[tilespmem:s0+$0x1160] =	vst v3;
	v3 =	vadd.f32 v39, v24  }
0x1e9: {  	v55 =	vadd.f32 v7, v6;
	[tilespmem:s0+$0x1130] =	vst v61;
	v52 =	vld [tilespmem:s0+$0x9970]  }
0x1ea: {  	v43 =	vadd.f32 v48, v47;
	v47 =	vld [tilespmem:s0+$0x1960];
	[tilespmem:s0+$0x1500] =	vst v3;
	v3 =	vadd.f32 v45, v44  }
0x1eb: {  	[tilespmem:s0+$0xD70] =	vst v55;
	v63 =	vld [tilespmem:s0+$0x9900]  }
0x1ec: {  	v59 =	vld [tilespmem:s0+$0x1570];
	[tilespmem:s0+$0x1520] =	vst v3;
	v3 =	vadd.f32 v51, v50  }
0x1ed: {  	[tilespmem:s0+$0x1530] =	vst v43;
	v4 =	vadd.f32 v54, v53;
	v39 =	vld [tilespmem:s0+$0x9920]  }
0x1ee: {  	v60 =	vld [tilespmem:s0+$0x9570];
	[tilespmem:s0+$0x1540] =	vst v3;
	v3 =	vadd.f32 v57, v56  }
0x1ef: {  	v54 =	vadd.f32 v42, v41;
	[tilespmem:s0+$0x1550] =	vst v4;
	v45 =	vld [tilespmem:s0+$0x1950]  }
0x1f0: {  	v53 =	vld [tilespmem:s0+$0x9940];
	[tilespmem:s0+$0x1560] =	vst v3;
	v3 =	vadd.f32 v63, v62  }
0x1f1: {  	[tilespmem:s0+$0x1930] =	vst v54;
	v55 =	vadd.f32 v49, v47;
	v50 =	vld [tilespmem:s0+$0x1970]  }
0x1f2: {  	v44 =	vld [tilespmem:s0+$0x1940];
	[tilespmem:s0+$0x1900] =	vst v3;
	v3 =	vadd.f32 v39, v38  }
0x1f3: {  	v48 =	vadd.f32 v60, v59;
	[tilespmem:s0+$0x1960] =	vst v55  }
0x1f4: {  	[tilespmem:s0+$0x1920] =	vst v3;
	v3 =	vadd.f32 v46, v45  }
0x1f5: {  	s4 =	sand.u32 $0x7, s28;
	[tilespmem:s0+$0x1570] =	vst v48;
	v51 =	vadd.f32 v36, v35  }
0x1f6: {  	s1 =	sshll.u32 s4, $0x7;
	[tilespmem:s0+$0x1950] =	vst v3;
	v3 =	vadd.f32 v52, v50  }
0x1f7: {  	s1 =	sadd.s32 s1, s30;
	[tilespmem:s0+$0x1910] =	vst v51;
	v56 =	vadd.f32 v53, v44  }
0x1f8: {  	s4 =	sor.u32 $0x1C00, s1;
	[tilespmem:s0+$0x1970] =	vst v3  }
0x1f9: {  	[tilespmem:s0+$0x1940] =	vst v56;
	v3 =	vld [tilespmem:s4+$0x100]  }
0x1fa: {  	v4 =	vld [tilespmem:s4+$0x8100];
	_ =	sdelay $0x4  }
0x1fb: {  	v3 =	vadd.f32 v4, v3;
	_ =	sdelay $0x1  }
0x1fc: {  	[tilespmem:s4+$0x100] =	vst v3;
	s4 =	sor.u32 $0x1C10, s1  }
0x1fd: {  	v3 =	vld [tilespmem:s4+$0x100]  }
0x1fe: {  	v57 =	vld [tilespmem:s4+$0x8100];
	_ =	sdelay $0x4  }
0x1ff: {  	v3 =	vadd.f32 v57, v3;
	_ =	sdelay $0x1  }
0x200: {  	[tilespmem:s4+$0x100] =	vst v3;
	s4 =	sor.u32 $0x1C20, s1  }
0x201: {  	v3 =	vld [tilespmem:s4+$0x100]  }
0x202: {  	v58 =	vld [tilespmem:s4+$0x8100];
	_ =	sdelay $0x4  }
0x203: {  	v3 =	vadd.f32 v58, v3;
	_ =	sdelay $0x1  }
0x204: {  	[tilespmem:s4+$0x100] =	vst v3;
	s4 =	sor.u32 $0x1C30, s1  }
0x205: {  	v3 =	vld [tilespmem:s4+$0x100]  }
0x206: {  	v59 =	vld [tilespmem:s4+$0x8100];
	_ =	sdelay $0x4  }
0x207: {  	v3 =	vadd.f32 v59, v3;
	_ =	sdelay $0x1  }
0x208: {  	[tilespmem:s4+$0x100] =	vst v3;
	s4 =	sor.u32 $0x1C40, s1  }
0x209: {  	v3 =	vld [tilespmem:s4+$0x100]  }
0x20a: {  	v60 =	vld [tilespmem:s4+$0x8100];
	_ =	sdelay $0x4  }
0x20b: {  	v3 =	vadd.f32 v60, v3;
	_ =	sdelay $0x1  }
0x20c: {  	[tilespmem:s4+$0x100] =	vst v3;
	s4 =	sor.u32 $0x1C50, s1  }
0x20d: {  	v3 =	vld [tilespmem:s4+$0x100]  }
0x20e: {  	v61 =	vld [tilespmem:s4+$0x8100];
	_ =	sdelay $0x4  }
0x20f: {  	v3 =	vadd.f32 v61, v3;
	_ =	sdelay $0x1  }
0x210: {  	[tilespmem:s4+$0x100] =	vst v3;
	s4 =	sor.u32 $0x1C60, s1  }
0x211: {  	v3 =	vld [tilespmem:s4+$0x100]  }
0x212: {  	v62 =	vld [tilespmem:s4+$0x8100];
	_ =	sdelay $0x4  }
0x213: {  	v3 =	vadd.f32 v62, v3;
	_ =	sdelay $0x1  }
0x214: {  	[tilespmem:s4+$0x100] =	vst v3;
	s4 =	sor.u32 $0x1C70, s1  }
0x215: {  	v3 =	vld [tilespmem:s4+$0x100]  }
0x216: {  	v63 =	vld [tilespmem:s4+$0x8100];
	_ =	sdelay $0x1  }
0x217: {  	p0 =	sne.s32 s31, $0xF80  }
.Ltmp1:
0x218: {  	_ = 	snop;
	(pc) =	sbr.rel @p0 .LBB2_4-.Ltmp1, $4  }
0x219: {  	_ = 	snop  }
0x21a: {  	v3 =	vadd.f32 v63, v3  }
0x21b: {  	s28 =	sadd.s32 $0x1, s28  }
0x21c: {  	s29 =	sadd.s32 $0x400, s29;
	s31 =	sadd.s32 $0x80, s31;
	s30 =	sadd.s32 $0x400, s30;
	[tilespmem:s4+$0x100] =	vst v3  }
0x21d: {  	s0 =	rddreg [dreg:$0x8]  }
0x21e: {  	[hbm4b:s0+s2] =	stream.linear.scatter [tilespmem:s16], [sflag:$0x3], $0x8000, $0x38;
	[tilespmem:$0x10100] =	vst v63  }
0x21f: {  	_ =	swait.ge [sflag:s14], $0x8000  }
0x220: {  	s26 =	sadd.s32 $0x1, s26;
	s31 =	rddreg [dreg:$0x9]  }
0x221: {  	p0 =	sne.s32 s26, s31  }
.Ltmp2:
0x222: {  	_ = 	snop;
	(pc) =	sbr.rel @p0 .LBB2_1-.Ltmp2, $3  }
0x223: {  	_ =	sdelay $0x1  }
0x224: {  	[sflag:s14] =	ssyncset.done $0x0  }
0x225: {  	[sflag:s14] =	ssyncadd.s32 $0xFFFF8000  }
0x226: {  	_ =	sfence.sel $0x180000  }
0x227: {  	[bflag:$0x0] =	sbarrier.arrive $0xFFFF  }
0x228: {  	_ =	strace $0x9000004A  }
0x229: {  	s0 =	stileid.u32;
	[bflag:$0x2] =	sbarrier.arrive $0xFFFF  }
0x22a: {  	p0 =	sne.s32 s0, $0x0;
	s0 =	rddreg [dreg:$0x2]  }
0x22b: {  	s0 =	sadd.s32 @!p0 $0x100000, s0  }
0x22c: {  	[sflag:s0] =	ssyncadd.tile.s32 @!p0 $0x1;
	_ =	shalt  }
.Lfunc_end2:
_tile_overlayer_lowered:
.L_overlay_start_2:
0x22d: {  	(tag) =	ssettag $0x2  }
0x22e: {  	s0 =	rddreg [dreg:$0x0];
	s2 =	stileid.u32  }
0x22f: {  	s1 =	rddreg [dreg:$0x1];
	p0 =	sne.s32 s2, $0x0  }
0x230: {  	s3 =	rddreg [dreg:$0x2];
	[bflag:$0x3] =	sbarrier.arrive $0xFFFF;
	s2 =	simm.s32 @!p0 $0x1C03  }
0x231: {  	[timem:s3], [sflag:s2] =	dma.local @!p0 [hbm:s0], s1  }
0x232: {  	s0 =	simm.s32 @!p0 $0x3  }
0x233: {  	_ =	swait.ge @!p0 [sflag:s0], s1  }
0x234: {  	s1 =	ssub.s32 @!p0 $0x0, s1;
	[sflag:s0] =	ssyncset.done @!p0 $0x0  }
0x235: {  	[sflag:s0] =	ssyncadd.s32 @!p0 s1  }
0x236: {  	[bflag:$0x3] =	sbarrier.arrive $0xFFFF  }
0x237: {  	_ =	shalt  }

// kernel: kernel.7.cloned.1.call-start
scs
__scs_entry_jumppad:
0x0: {  	(pc) =	sbr.rel $0x88, $3  }
0x1: {  	(tag) =	ssettag $0x0;
	lr =	simm.s32 $0x1  }
0x2: {  	[smem:$0x3F96] =	sst lr;
	_ =	strace $0xD0000000  }
0x3: {  	_ = 	snop  }
0x4: {  	_ = 	snop  }
0x5: {  	_ = 	snop  }
0x6: {  	_ = 	snop  }
0x7: {  	_ = 	snop  }
__scs_overlays_trampoline_lowered:
0x8: {  	[smem:$0x3FA5] =	sst s0  }
0x9: {  	[smem:$0x3FA6] =	sst s1  }
0xa: {  	[smem:$0x3FA7] =	sst s2  }
0xb: {  	[smem:$0x3FA8] =	sst s3  }
0xc: {  	[smem:$0x3FA9] =	sst s4  }
0xd: {  	[smem:$0x3FAA] =	sst s5  }
0xe: {  	[smem:$0x3FAB] =	sst s6  }
0xf: {  	[smem:$0x3FAC] =	sst s7  }
0x10: {  	[smem:$0x3FAD] =	sst s8  }
0x11: {  	[smem:$0x3FAE] =	sst s9;
	s0 =	simm.s32 @!p0 $0x0  }
0x12: {  	s1 =	sld [smem:$0x3F94];
	s0 =	simm.s32 @p0 $0x1  }
0x13: {  	[smem:$0x3FAF] =	sst s0;
	s0 =	simm.s32 @!p1 $0x0  }
0x14: {  	s2 =	sld [smem:$0x3F93];
	s0 =	simm.s32 @p1 $0x1  }
0x15: {  	[smem:$0x3FB0] =	sst s0;
	s0 =	simm.s32 @!p2 $0x0  }
0x16: {  	s3 =	sld [smem:$0x3FDB];
	s0 =	simm.s32 @p2 $0x1  }
0x17: {  	s4 =	simm.s32 $0x1BF5;
	[smem:$0x3FB2] =	sst s0  }
0x18: {  	s0 =	sld [smem:$0x3F95];
	_ =	swait.ge [sflag:s4], $0x0  }
0x19: {  	s7 =	sld [smem:$0x3F96]  }
0x1a: {  	s8 =	sadd.s32 $0xFFFFE003, lr  }
0x1b: {  	s9 =	sadd.s32 $0xFFFFFEF7, lr;
	s5 =	simm.s32 $0xFFFFFFFF;
	p2 =	slt.u32 s8, $0xFFFFF086  }
0x1c: {  	p1 =	slt.u32 s9, $0xF7A;
	s5 =	simm.s32 @!p2 $0x0  }
0x1d: {  	s5 =	simm.s32 @p1 $0x1;
	p0 =	seq.s32 s7, s2  }
0x1e: {  	s7 =	smul.u32 @!p0 $0xF7A, s2;
	p2 =	seq.s32 @!p0 s5, $0x0  }
0x1f: {  	s9 =	smul.u32 $0xF7A, s1;
	s8 =	simm.s32 @!p0 $0x1BF5;
	p2 =	por !p2, p0  }
0x20: {  	[sflag:s8] =	ssyncset.s32 @!p0 $0xFFFFF086;
	s6 =	sadd.s32 @!p0 s3, s7;
	s7 =	simm.s32 @!p0 $0x108  }
0x21: {  	s3 =	sadd.s32 s3, s9;
	s6 =	sadd.s32 @!p0 $0x88, s6;
	s7 =	simm.s32 @p2 $0x1082  }
0x22: {  	[simem:s7], [sflag:s8] =	dma.local @!p0 [hbm:s6], $0xF7A  }
0x23: {  	s9 =	sor.u32 $0xD0000000, s2;
	s6 =	simm.s32 $0x108;
	_ =	swait.ge @!p0 [sflag:s8], $0x0  }
0x24: {  	s3 =	sadd.s32 $0x88, s3;
	s6 =	simm.s32 @!p1 $0x1082;
	[sflag:s4] =	ssyncset.s32 $0xFFFFF086  }
0x25: {  	[simem:s6], [sflag:s4] =	dma.local [hbm:s3], $0xF7A  }
0x26: {  	[smem:$0x3F96] =	sst s1;
	(tag) =	ssettag s2;
	_ =	strace s9  }
0x27: {  	s1 =	sld [smem:$0x3FA6]  }
0x28: {  	s2 =	sld [smem:$0x3FA7]  }
0x29: {  	s4 =	sld [smem:$0x3FA9]  }
0x2a: {  	p0 =	seq.s32 s5, $0x0;
	s5 =	sld [smem:$0x3FAA]  }
0x2b: {  	s6 =	sld [smem:$0x3FAB]  }
0x2c: {  	s7 =	sld [smem:$0x3FAC]  }
0x2d: {  	s3 =	simm.s32 $0x108;
	s8 =	sld [smem:$0x3FAD]  }
0x2e: {  	s3 =	simm.s32 @!p0 $0x1082;
	s9 =	sld [smem:$0x3FAE]  }
0x2f: {  	lr =	sadd.s32 s0, s3;
	s0 =	sld [smem:$0x3FA5]  }
0x30: {  	s3 =	sld [smem:$0x3FA8]  }
0x31: {  	[smem:$0x3FB1] =	sst s10  }
0x32: {  	s10 =	sld [smem:$0x3FAF];
	_ =	sdelay $0x3  }
0x33: {  	p0 =	seq.s32 s10, $0x1;
	s10 =	sld [smem:$0x3FB1];
	_ =	sdelay $0x3  }
0x34: {  	[smem:$0x3FB1] =	sst s10  }
0x35: {  	s10 =	sld [smem:$0x3FB0];
	_ =	sdelay $0x3  }
0x36: {  	p1 =	seq.s32 s10, $0x1;
	s10 =	sld [smem:$0x3FB1];
	_ =	sdelay $0x3  }
0x37: {  	[smem:$0x3FB1] =	sst s10  }
0x38: {  	s10 =	sld [smem:$0x3FB2]  }
0x39: {  	_ = 	snop;
	(pc) =	sbr.ind lr, $3  }
0x3a: {  	_ = 	snop  }
0x3b: {  	_ = 	snop  }
0x3c: {  	p2 =	seq.s32 s10, $0x1;
	s10 =	sld [smem:$0x3FB1]  }
0x3d: {  	_ =	shalt  }
0x3e: {  	_ =	shalt  }
0x3f: {  	_ =	shalt  }
0x40: {  	_ =	shalt  }
0x41: {  	_ =	shalt  }
0x42: {  	_ =	shalt  }
0x43: {  	_ =	shalt  }
0x44: {  	_ =	shalt  }
0x45: {  	_ =	shalt  }
0x46: {  	_ =	shalt  }
0x47: {  	_ =	shalt  }
0x48: {  	_ =	shalt  }
0x49: {  	_ =	shalt  }
0x4a: {  	_ =	shalt  }
0x4b: {  	_ =	shalt  }
0x4c: {  	_ =	shalt  }
0x4d: {  	_ =	shalt  }
0x4e: {  	_ =	shalt  }
0x4f: {  	_ =	shalt  }
0x50: {  	_ =	shalt  }
0x51: {  	_ =	shalt  }
0x52: {  	_ =	shalt  }
0x53: {  	_ =	shalt  }
0x54: {  	_ =	shalt  }
0x55: {  	_ =	shalt  }
0x56: {  	_ =	shalt  }
0x57: {  	_ =	shalt  }
0x58: {  	_ =	shalt  }
0x59: {  	_ =	shalt  }
0x5a: {  	_ =	shalt  }
0x5b: {  	_ =	shalt  }
0x5c: {  	_ =	shalt  }
0x5d: {  	_ =	shalt  }
0x5e: {  	_ =	shalt  }
0x5f: {  	_ =	shalt  }
0x60: {  	_ =	shalt  }
0x61: {  	_ =	shalt  }
0x62: {  	_ =	shalt  }
0x63: {  	_ =	shalt  }
0x64: {  	_ =	shalt  }
0x65: {  	_ =	shalt  }
0x66: {  	_ =	shalt  }
0x67: {  	_ =	shalt  }
0x68: {  	_ =	shalt  }
0x69: {  	_ =	shalt  }
0x6a: {  	_ =	shalt  }
0x6b: {  	_ =	shalt  }
0x6c: {  	_ =	shalt  }
0x6d: {  	_ =	shalt  }
0x6e: {  	_ =	shalt  }
0x6f: {  	_ =	shalt  }
0x70: {  	_ =	shalt  }
0x71: {  	_ =	shalt  }
0x72: {  	_ =	shalt  }
0x73: {  	_ =	shalt  }
0x74: {  	_ =	shalt  }
0x75: {  	_ =	shalt  }
0x76: {  	_ =	shalt  }
0x77: {  	_ =	shalt  }
0x78: {  	_ =	shalt  }
0x79: {  	_ =	shalt  }
0x7a: {  	_ =	shalt  }
0x7b: {  	_ =	shalt  }
0x7c: {  	_ =	shalt  }
0x7d: {  	_ =	shalt  }
0x7e: {  	_ =	shalt  }
0x7f: {  	_ =	shalt  }
0x80: {  	_ =	shalt  }
0x81: {  	_ =	shalt  }
0x82: {  	_ =	shalt  }
0x83: {  	_ =	shalt  }
0x84: {  	_ =	shalt  }
0x85: {  	_ =	shalt  }
0x86: {  	_ =	shalt  }
0x87: {  	_ =	shalt  }
.Lfunc_end0:
.L_simem_size_0:
called_computation_lowered:
.L_overlay_start_0:
0x88: {  	s2 =	sld [smem:$0x3FD9]  }
0x89: {  	s3 =	sld [smem:$0x3FFE];
	_ =	sdelay $0x1  }
0x8a: {  	s1 =	srdreg.scid  }
0x8b: {  	s0 =	sand.u32 $0x1, s1  }
0x8c: {  	s17 =	sshll.u32 s0, $0xA;
	s2 =	sadd.s32 s3, s2  }
0x8d: {  	s2 =	sadd.s32 s2, s17  }
0x8e: {  	[smem:$0x3FBD] =	sst s2  }
0x8f: {  	_ = 	snop  }
0x90: {  	s2 =	sld [smem:$0x3FC9];
	(tm) =	ssettm $0x1  }
0x91: {  	s18 =	sld [smem:$0x3FFB];
	_ =	sdelay $0x3  }
0x92: {  	_ =	strace s18  }
0x93: {  	s3 =	sld [smem:$0x3FFC];
	_ =	sdelay $0x3  }
0x94: {  	_ =	strace s3  }
0x95: {  	s3 =	sld [smem:$0x3FFD];
	_ =	sdelay $0x3  }
0x96: {  	_ =	strace s3  }
0x97: {  	_ =	strace $0x8FFFFFFF  }
0x98: {  	s19 =	sld [smem:$0x3FDB];
	_ =	sdelay $0x1  }
0x99: {  	s4 =	simm.s32 $_scs_section_size  }
0x9a: {  	s5 =	simm.s32 $_size__tile_overlayer_lowered;
	s6 =	simm.s32 $_tile_overlayer_lowered  }
0x9b: {  	s22 =	simm.s32 $0x1BFF;
	s21 =	sshll.u32 s6, $0x1;
	s3 =	sadd.s32 s4, s19  }
0x9c: {  	s7 =	simm.s32 $0x0;
	s20 =	sshll.u32 s5, $0x1;
	s5 =	sadd.s32 s21, s3  }
0x9d: {  	[timem:s7], [sflag:s22] =	dma.local [hbm:s5], s20  }
0x9e: {  	_ =	swait.ge [sflag:s22], s20  }
0x9f: {  	s4 =	ssub.s32 $0x0, s20;
	[sflag:s22] =	ssyncset.done $0x0  }
0xa0: {  	[sflag:s22] =	ssyncadd.s32 s4;
	_ =	sdelay $0x1  }
0xa1: {  	s23 =	simm.s32 $0x1B8B  }
0xa2: {  	_ =	swait.ge [sflag:s23], $0x1  }
0xa3: {  	[sflag:s23] =	ssyncset.done $0x0  }
0xa4: {  	s25 =	simm.s32 $0x1B8E;
	s24 =	sld [smem:$0x3FFE];
	[sflag:s23] =	ssyncadd.s32 $0xFFFFFFFF  }
0xa5: {  	s26 =	simm.s32 $execute0_lowered;
	[smem:$0x3FD2] =	sst s25  }
0xa6: {  	s5 =	sshll.u32 s26, $0x1;
	_ =	strace $0x80000046;
	[dreg:$0x1] =	wrdreg $0xFFFFFFFF  }
0xa7: {  	s28 =	simm.s32 $_size_execute0_lowered;
	s3 =	sadd.s32 s3, s5;
	[dreg:$0x0] =	wrdreg $0x0  }
0xa8: {  	s5 =	sshll.u32 s28, $0x1;
	[dreg:$0x2] =	wrdreg s3  }
0xa9: {  	[dreg:$0x3] =	wrdreg s5  }
0xaa: {  	[dreg:$0x4] =	wrdreg $0xC0  }
0xab: {  	_ =	task [dreg:s7], $0x5FFFF  }
0xac: {  	[dreg:$0x1] =	wrdreg $0xFFFFFFFF  }
0xad: {  	[dreg:$0x0] =	wrdreg $0x60  }
0xae: {  	[dreg:$0x2] =	wrdreg s2  }
0xaf: {  	[dreg:$0x3] =	wrdreg s24  }
0xb0: {  	[dreg:$0x4] =	wrdreg $0x9  }
0xb1: {  	_ =	task.clear_ibuf [dreg:s7], $0x5FFFF;
	_ =	strace $0x90000046  }
0xb2: {  	s29 =	simm.s32 $0x9;
	_ =	strace $0x80000048  }
0xb3: {  	_ =	swait.ge [sflag:s29], $0x1  }
0xb4: {  	[sflag:s29] =	ssyncadd.s32 $0xFFFFFFFF  }
0xb5: {  	_ =	strace $0x90000048  }
0xb6: {  	_ =	sfence  }
0xb7: {  	s30 =	sld [smem:$0x0];
	_ =	sdelay $0x2  }
0xb8: {  	s31 =	sshll.u32 s1, $0xD;
	s1 =	sshrl.u32 s1, $0x2  }
0xb9: {  	s3 =	sand.u32 $0x4000, s31;
	s1 =	sadd.s32 s1, s30  }
0xba: {  	s0 =	sor.u32 s3, s0;
	s1 =	sshll.u32 s1, $0x11  }
0xbb: {  	s0 =	sor.u32 s1, s0  }
0xbc: {  	s0 =	sadd.s32 $0x8F2B, s0  }
0xbd: {  	[sflag:s0] =	ssyncadd.remote.s32 $0x1  }
0xbe: {  	_ =	sfence.sel $0xFFFF  }
0xbf: {  	[dreg:$0x0] =	wrdreg $0xFFFFFFFF;
	(pc) =	sbr.abs _section_cstart, $3  }
0xc0: {  	[dreg:$0x1] =	wrdreg $0xFFFFFFFF  }
0xc1: {  	_ =	task.clear_ibuf [dreg:s7], $0x2FFFF;
	_ =	strace $0x9FFFFFFF  }
0xc2: {  	(tm) =	ssettm $0x7FFFFFFF  }
0xc3: {  	_ =	shalt  }
tec
execute0_lowered:
.L_overlay_start_1:
0x0: {  	(tag) =	ssettag $0x1  }
0x1: {  	s0 =	rddreg [dreg:$0x0]  }
0x2: {  	s1 =	rddreg [dreg:$0x1];
	s3 =	srdreg.scid;
	s2 =	simm.s32 $0x0  }
0x3: {  	s5 =	stileid.u32;
	s26 =	simm.s32 $0x80;
	s10 =	simm.s32 $0x3  }
0x4: {  	s23 =	simm.s32 $0x1900;
	s24 =	simm.s32 $0x2100;
	s28 =	simm.s32 $0x3900  }
0x5: {  	s29 =	simm.s32 $0x4100;
	s30 =	simm.s32 $0x4900;
	s31 =	simm.s32 $0x5100  }
0x6: {  	s11 =	simm.s32 $0x7100;
	s12 =	simm.s32 $0x7900;
	s13 =	simm.s32 $0x8100  }
0x7: {  	s14 =	simm.s32 $0x8900;
	s15 =	simm.s32 $0x9100;
	s16 =	simm.s32 $0x9900  }
0x8: {  	s17 =	simm.s32 $0xA100;
	s18 =	simm.s32 $0xA900;
	s9 =	simm.s32 $0xB100  }
0x9: {  	s20 =	simm.s32 $0xB900;
	s4 =	sand.u32 $0x1, s3;
	[smem:$0x7FF] =	sst s2  }
0xa: {  	s5 =	sshll.u32 s5, $0x7;
	s3 =	sadd.s32 $0x400, s1;
	s6 =	sshll.u32 s4, $0x6  }
0xb: {  	_ =	strace $0x80000047;
	s4 =	ssub.s32 $0x2, s4;
	[dreg:$0x5] =	wrdreg s26  }
0xc: {  	s26 =	simm.s32 $0x3100;
	s5 =	sor.u32 s6, s5;
	s7 =	sshrl.u32 s4, $0x1  }
0xd: {  	s6 =	sshll.u32 s5, $0x7;
	s5 =	sshrl.u32 s5, $0x3;
	s4 =	ssub.s32 s4, s7  }
0xe: {  	s7 =	sadd.s32 $0x700, s1;
	s0 =	sadd.s32 s0, s6;
	s5 =	sadd.s32 s1, s5  }
0xf: {  	v2 =	vlaneseq.u32;
	s6 =	sadd.s32 $0x600, s1;
	s8 =	smax.u32 s4, $0x1;
	[dreg:$0x3] =	wrdreg s0  }
0x10: {  	vm0 =	vmmov $0xffff;
	v1 =	vshrl.u32 v2, $0x3;
	s4 =	simm.s32 $0x6900;
	[dreg:$0x6] =	wrdreg s5;
	s25 =	sadd.s32 $0x200, s5  }
0x11: {  	v0 =	vand.u32 $0x7, v2;
	v2 =	vor.u32 $0x8, v2;
	v1 =	vmul.u32 $0x8, v1;
	s5 =	sadd.s32 $0x500, s1;
	[dreg:$0x4] =	wrdreg s25;
	s25 =	simm.s32 $0x2900  }
.LBB2_1:
0x12: {  	s21 =	rddreg [dreg:$0x3];
	s19 =	simm.s32 $0x100  }
0x13: {  	[tilespmem:s19], [sflag:$0x3] =	stream.linear.gather [hbm4b:s21+s2], $0x10000, $0x38;
	[tilespmem:$0x10100] =	vst v63  }
0x14: {  	_ =	swait.ge [sflag:s10], $0x10000  }
0x15: {  	[sflag:s10] =	ssyncset.done $0x0  }
0x16: {  	s0 =	rddreg [dreg:$0x4];
	[sflag:s10] =	ssyncadd.s32 $0xFFFF0000  }
0x17: {  	[tilespmem:s2], [sflag:$0x3] =	stream.linear.gather [hbm4b:s0+s2], $0x40, $0x38;
	[tilespmem:$0x10100] =	vst v63  }
0x18: {  	_ =	swait.ge [sflag:s10], $0x40  }
0x19: {  	s1 =	rddreg [dreg:$0x5];
	[sflag:s10] =	ssyncset.done $0x0  }
0x1a: {  	s22 =	rddreg [dreg:$0x6];
	[sflag:s10] =	ssyncadd.s32 $0xFFFFFFC0  }
0x1b: {  	[tilespmem:s1], [sflag:$0x3] =	stream.linear.gather [hbm4b:s22+s2], $0x40, $0x38;
	[tilespmem:$0x10100] =	vst v63  }
0x1c: {  	_ =	swait.ge [sflag:s10], $0x40  }
0x1d: {  	[sflag:s10] =	ssyncset.done $0x0  }
0x1e: {  	[sflag:s10] =	ssyncadd.s32 $0xFFFFFFC0  }
0x1f: {  	v3 =	vld [tilespmem:$0x0];
	_ =	sdelay $0x4  }
0x20: {  	v4 =	vshll.u32 v3, $0x3  }
0x21: {  	v3 =	vand.u32 $0x7, v3;
	v4 =	vand.u32 $0xFFFFFFC0, v4  }
0x22: {  	v3 =	vor.u32 v3, v4  }
0x23: {  	v4 =	vperm.xlane v3, v0;
	_ =	sdelay $0x1  }
0x24: {  	v4 =	vadd.s32 v1, v4;
	_ =	sdelay $0x4  }
0x25: {  	[hbm4b:s3+s2] =	stream.indirect_vreg.scatter [tilespmem:s19], [sflag:$0x1], $0x80, v4, vm0, $0xb8;
	[tilespmem:$0x10100] =	vst v63  }
0x26: {  	s21 =	simm.s32 $0x900;
	v3 =	vperm.xlane v3, v2  }
0x27: {  	[hbm4b:s5+s2] =	stream.indirect_vreg.scatter [tilespmem:s21], [sflag:$0x1], $0x80, v4, vm0, $0xb8;
	[tilespmem:$0x10100] =	vst v63  }
0x28: {  	s22 =	simm.s32 $0x1100;
	v3 =	vadd.s32 v1, v3  }
0x29: {  	[hbm4b:s6+s2] =	stream.indirect_vreg.scatter [tilespmem:s22], [sflag:$0x1], $0x80, v4, vm0, $0xb8;
	[tilespmem:$0x10100] =	vst v63  }
0x2a: {  	_ = 	snop  }
0x2b: {  	[hbm4b:s7+s2] =	stream.indirect_vreg.scatter [tilespmem:s23], [sflag:$0x1], $0x80, v4, vm0, $0xb8;
	[tilespmem:$0x10100] =	vst v63  }
0x2c: {  	_ = 	snop  }
0x2d: {  	[hbm4b:s3+s2] =	stream.indirect_vreg.scatter [tilespmem:s24], [sflag:$0x1], $0x80, v3, vm0, $0xb8;
	[tilespmem:$0x10100] =	vst v63  }
0x2e: {  	_ = 	snop  }
0x2f: {  	[hbm4b:s5+s2] =	stream.indirect_vreg.scatter [tilespmem:s25], [sflag:$0x1], $0x80, v3, vm0, $0xb8;
	[tilespmem:$0x10100] =	vst v63  }
0x30: {  	_ = 	snop  }
0x31: {  	[hbm4b:s6+s2] =	stream.indirect_vreg.scatter [tilespmem:s26], [sflag:$0x1], $0x80, v3, vm0, $0xb8;
	[tilespmem:$0x10100] =	vst v63  }
0x32: {  	_ = 	snop  }
0x33: {  	[hbm4b:s7+s2] =	stream.indirect_vreg.scatter [tilespmem:s28], [sflag:$0x1], $0x80, v3, vm0, $0xb8;
	[tilespmem:$0x10100] =	vst v63  }
0x34: {  	v3 =	vld [tilespmem:$0x10];
	_ =	sdelay $0x4  }
0x35: {  	v57 =	vshll.u32 v3, $0x3  }
0x36: {  	v3 =	vand.u32 $0x7, v3;
	v4 =	vand.u32 $0xFFFFFFC0, v57  }
0x37: {  	v3 =	vor.u32 v3, v4  }
0x38: {  	v4 =	vperm.xlane v3, v0;
	_ =	sdelay $0x1  }
0x39: {  	v4 =	vadd.s32 v1, v4;
	_ =	sdelay $0x4  }
0x3a: {  	[hbm4b:s3+s2] =	stream.indirect_vreg.scatter [tilespmem:s29], [sflag:$0x1], $0x80, v4, vm0, $0xb8;
	[tilespmem:$0x10100] =	vst v63  }
0x3b: {  	v3 =	vperm.xlane v3, v2  }
0x3c: {  	[hbm4b:s5+s2] =	stream.indirect_vreg.scatter [tilespmem:s30], [sflag:$0x1], $0x80, v4, vm0, $0xb8;
	[tilespmem:$0x10100] =	vst v63  }
0x3d: {  	v3 =	vadd.s32 v1, v3  }
0x3e: {  	[hbm4b:s6+s2] =	stream.indirect_vreg.scatter [tilespmem:s31], [sflag:$0x1], $0x80, v4, vm0, $0xb8;
	[tilespmem:$0x10100] =	vst v63  }
0x3f: {  	s0 =	simm.s32 $0x5900  }
0x40: {  	[hbm4b:s7+s2] =	stream.indirect_vreg.scatter [tilespmem:s0], [sflag:$0x1], $0x80, v4, vm0, $0xb8;
	[tilespmem:$0x10100] =	vst v63  }
0x41: {  	s1 =	simm.s32 $0x6100  }
0x42: {  	[hbm4b:s3+s2] =	stream.indirect_vreg.scatter [tilespmem:s1], [sflag:$0x1], $0x80, v3, vm0, $0xb8;
	[tilespmem:$0x10100] =	vst v63  }
0x43: {  	_ = 	snop  }
0x44: {  	[hbm4b:s5+s2] =	stream.indirect_vreg.scatter [tilespmem:s4], [sflag:$0x1], $0x80, v3, vm0, $0xb8;
	[tilespmem:$0x10100] =	vst v63  }
0x45: {  	_ = 	snop  }
0x46: {  	[hbm4b:s6+s2] =	stream.indirect_vreg.scatter [tilespmem:s11], [sflag:$0x1], $0x80, v3, vm0, $0xb8;
	[tilespmem:$0x10100] =	vst v63  }
0x47: {  	_ = 	snop  }
0x48: {  	[hbm4b:s7+s2] =	stream.indirect_vreg.scatter [tilespmem:s12], [sflag:$0x1], $0x80, v3, vm0, $0xb8;
	[tilespmem:$0x10100] =	vst v63  }
0x49: {  	v3 =	vld [tilespmem:$0x20];
	_ =	sdelay $0x4  }
0x4a: {  	v58 =	vshll.u32 v3, $0x3  }
0x4b: {  	v3 =	vand.u32 $0x7, v3;
	v4 =	vand.u32 $0xFFFFFFC0, v58  }
0x4c: {  	v3 =	vor.u32 v3, v4  }
0x4d: {  	v4 =	vperm.xlane v3, v0;
	_ =	sdelay $0x1  }
0x4e: {  	v4 =	vadd.s32 v1, v4;
	_ =	sdelay $0x4  }
0x4f: {  	[hbm4b:s3+s2] =	stream.indirect_vreg.scatter [tilespmem:s13], [sflag:$0x1], $0x80, v4, vm0, $0xb8;
	[tilespmem:$0x10100] =	vst v63  }
0x50: {  	v3 =	vperm.xlane v3, v2  }
0x51: {  	[hbm4b:s5+s2] =	stream.indirect_vreg.scatter [tilespmem:s14], [sflag:$0x1], $0x80, v4, vm0, $0xb8;
	[tilespmem:$0x10100] =	vst v63  }
0x52: {  	v3 =	vadd.s32 v1, v3  }
0x53: {  	[hbm4b:s6+s2] =	stream.indirect_vreg.scatter [tilespmem:s15], [sflag:$0x1], $0x80, v4, vm0, $0xb8;
	[tilespmem:$0x10100] =	vst v63  }
0x54: {  	_ = 	snop  }
0x55: {  	[hbm4b:s7+s2] =	stream.indirect_vreg.scatter [tilespmem:s16], [sflag:$0x1], $0x80, v4, vm0, $0xb8;
	[tilespmem:$0x10100] =	vst v63  }
0x56: {  	_ = 	snop  }
0x57: {  	[hbm4b:s3+s2] =	stream.indirect_vreg.scatter [tilespmem:s17], [sflag:$0x1], $0x80, v3, vm0, $0xb8;
	[tilespmem:$0x10100] =	vst v63  }
0x58: {  	_ = 	snop  }
0x59: {  	[hbm4b:s5+s2] =	stream.indirect_vreg.scatter [tilespmem:s18], [sflag:$0x1], $0x80, v3, vm0, $0xb8;
	[tilespmem:$0x10100] =	vst v63  }
0x5a: {  	_ = 	snop  }
0x5b: {  	[hbm4b:s6+s2] =	stream.indirect_vreg.scatter [tilespmem:s9], [sflag:$0x1], $0x80, v3, vm0, $0xb8;
	[tilespmem:$0x10100] =	vst v63  }
0x5c: {  	_ = 	snop  }
0x5d: {  	[hbm4b:s7+s2] =	stream.indirect_vreg.scatter [tilespmem:s20], [sflag:$0x1], $0x80, v3, vm0, $0xb8;
	[tilespmem:$0x10100] =	vst v63  }
0x5e: {  	v3 =	vld [tilespmem:$0x30];
	_ =	sdelay $0x4  }
0x5f: {  	v59 =	vshll.u32 v3, $0x3  }
0x60: {  	v3 =	vand.u32 $0x7, v3;
	v4 =	vand.u32 $0xFFFFFFC0, v59  }
0x61: {  	v3 =	vor.u32 v3, v4  }
0x62: {  	v4 =	vperm.xlane v3, v0;
	_ =	sdelay $0x1  }
0x63: {  	v4 =	vadd.s32 v1, v4;
	_ =	sdelay $0x3  }
0x64: {  	s0 =	simm.s32 $0xC100  }
0x65: {  	[hbm4b:s3+s2] =	stream.indirect_vreg.scatter [tilespmem:s0], [sflag:$0x1], $0x80, v4, vm0, $0xb8;
	[tilespmem:$0x10100] =	vst v63  }
0x66: {  	v3 =	vperm.xlane v3, v2;
	s0 =	simm.s32 $0xC900  }
0x67: {  	[hbm4b:s5+s2] =	stream.indirect_vreg.scatter [tilespmem:s0], [sflag:$0x1], $0x80, v4, vm0, $0xb8;
	[tilespmem:$0x10100] =	vst v63  }
0x68: {  	v3 =	vadd.s32 v1, v3;
	s0 =	simm.s32 $0xD100  }
0x69: {  	[hbm4b:s6+s2] =	stream.indirect_vreg.scatter [tilespmem:s0], [sflag:$0x1], $0x80, v4, vm0, $0xb8;
	[tilespmem:$0x10100] =	vst v63  }
0x6a: {  	s0 =	simm.s32 $0xD900  }
0x6b: {  	[hbm4b:s7+s2] =	stream.indirect_vreg.scatter [tilespmem:s0], [sflag:$0x1], $0x80, v4, vm0, $0xb8;
	[tilespmem:$0x10100] =	vst v63  }
0x6c: {  	s0 =	simm.s32 $0xE100  }
0x6d: {  	[hbm4b:s3+s2] =	stream.indirect_vreg.scatter [tilespmem:s0], [sflag:$0x1], $0x80, v3, vm0, $0xb8;
	[tilespmem:$0x10100] =	vst v63  }
0x6e: {  	s0 =	simm.s32 $0xE900  }
0x6f: {  	[hbm4b:s5+s2] =	stream.indirect_vreg.scatter [tilespmem:s0], [sflag:$0x1], $0x80, v3, vm0, $0xb8;
	[tilespmem:$0x10100] =	vst v63  }
0x70: {  	s0 =	simm.s32 $0xF100  }
0x71: {  	[hbm4b:s6+s2] =	stream.indirect_vreg.scatter [tilespmem:s0], [sflag:$0x1], $0x80, v3, vm0, $0xb8;
	[tilespmem:$0x10100] =	vst v63  }
0x72: {  	s0 =	simm.s32 $0xF900  }
0x73: {  	[hbm4b:s7+s2] =	stream.indirect_vreg.scatter [tilespmem:s0], [sflag:$0x1], $0x80, v3, vm0, $0xb8;
	[tilespmem:$0x10100] =	vst v63  }
0x74: {  	v3 =	vld [tilespmem:$0x80];
	_ =	sdelay $0x4  }
0x75: {  	v60 =	vshll.u32 v3, $0x3  }
0x76: {  	v3 =	vand.u32 $0x7, v3;
	v4 =	vand.u32 $0xFFFFFFC0, v60  }
0x77: {  	v3 =	vor.u32 v3, v4  }
0x78: {  	v4 =	vperm.xlane v3, v0;
	_ =	sdelay $0x1  }
0x79: {  	v4 =	vadd.s32 v1, v4;
	_ =	sdelay $0x4  }
0x7a: {  	[hbm4b:s3+s2] =	stream.indirect_vreg.scatter [tilespmem:s19], [sflag:$0x2], $0x80, v4, vm0, $0xb8;
	[tilespmem:$0x10100] =	vst v63  }
0x7b: {  	v3 =	vperm.xlane v3, v2  }
0x7c: {  	[hbm4b:s5+s2] =	stream.indirect_vreg.scatter [tilespmem:s21], [sflag:$0x2], $0x80, v4, vm0, $0xb8;
	[tilespmem:$0x10100] =	vst v63  }
0x7d: {  	v3 =	vadd.s32 v1, v3  }
0x7e: {  	[hbm4b:s6+s2] =	stream.indirect_vreg.scatter [tilespmem:s22], [sflag:$0x2], $0x80, v4, vm0, $0xb8;
	[tilespmem:$0x10100] =	vst v63  }
0x7f: {  	_ = 	snop  }
0x80: {  	[hbm4b:s7+s2] =	stream.indirect_vreg.scatter [tilespmem:s23], [sflag:$0x2], $0x80, v4, vm0, $0xb8;
	[tilespmem:$0x10100] =	vst v63  }
0x81: {  	_ = 	snop  }
0x82: {  	[hbm4b:s3+s2] =	stream.indirect_vreg.scatter [tilespmem:s24], [sflag:$0x2], $0x80, v3, vm0, $0xb8;
	[tilespmem:$0x10100] =	vst v63  }
0x83: {  	_ = 	snop  }
0x84: {  	[hbm4b:s5+s2] =	stream.indirect_vreg.scatter [tilespmem:s25], [sflag:$0x2], $0x80, v3, vm0, $0xb8;
	[tilespmem:$0x10100] =	vst v63  }
0x85: {  	_ = 	snop  }
0x86: {  	[hbm4b:s6+s2] =	stream.indirect_vreg.scatter [tilespmem:s26], [sflag:$0x2], $0x80, v3, vm0, $0xb8;
	[tilespmem:$0x10100] =	vst v63  }
0x87: {  	_ = 	snop  }
0x88: {  	[hbm4b:s7+s2] =	stream.indirect_vreg.scatter [tilespmem:s28], [sflag:$0x2], $0x80, v3, vm0, $0xb8;
	[tilespmem:$0x10100] =	vst v63  }
0x89: {  	v3 =	vld [tilespmem:$0x90];
	_ =	sdelay $0x4  }
0x8a: {  	v61 =	vshll.u32 v3, $0x3  }
0x8b: {  	v3 =	vand.u32 $0x7, v3;
	v4 =	vand.u32 $0xFFFFFFC0, v61  }
0x8c: {  	v3 =	vor.u32 v3, v4  }
0x8d: {  	v4 =	vperm.xlane v3, v0;
	_ =	sdelay $0x1  }
0x8e: {  	v4 =	vadd.s32 v1, v4;
	_ =	sdelay $0x4  }
0x8f: {  	[hbm4b:s3+s2] =	stream.indirect_vreg.scatter [tilespmem:s29], [sflag:$0x2], $0x80, v4, vm0, $0xb8;
	[tilespmem:$0x10100] =	vst v63  }
0x90: {  	v3 =	vperm.xlane v3, v2  }
0x91: {  	[hbm4b:s5+s2] =	stream.indirect_vreg.scatter [tilespmem:s30], [sflag:$0x2], $0x80, v4, vm0, $0xb8;
	[tilespmem:$0x10100] =	vst v63  }
0x92: {  	v3 =	vadd.s32 v1, v3  }
0x93: {  	[hbm4b:s6+s2] =	stream.indirect_vreg.scatter [tilespmem:s31], [sflag:$0x2], $0x80, v4, vm0, $0xb8;
	[tilespmem:$0x10100] =	vst v63  }
0x94: {  	s22 =	simm.s32 $0x5900  }
0x95: {  	[hbm4b:s7+s2] =	stream.indirect_vreg.scatter [tilespmem:s22], [sflag:$0x2], $0x80, v4, vm0, $0xb8;
	[tilespmem:$0x10100] =	vst v63  }
0x96: {  	_ = 	snop  }
0x97: {  	[hbm4b:s3+s2] =	stream.indirect_vreg.scatter [tilespmem:s1], [sflag:$0x2], $0x80, v3, vm0, $0xb8;
	[tilespmem:$0x10100] =	vst v63  }
0x98: {  	_ = 	snop  }
0x99: {  	[hbm4b:s5+s2] =	stream.indirect_vreg.scatter [tilespmem:s4], [sflag:$0x2], $0x80, v3, vm0, $0xb8;
	[tilespmem:$0x10100] =	vst v63  }
0x9a: {  	_ = 	snop  }
0x9b: {  	[hbm4b:s6+s2] =	stream.indirect_vreg.scatter [tilespmem:s11], [sflag:$0x2], $0x80, v3, vm0, $0xb8;
	[tilespmem:$0x10100] =	vst v63  }
0x9c: {  	_ = 	snop  }
0x9d: {  	[hbm4b:s7+s2] =	stream.indirect_vreg.scatter [tilespmem:s12], [sflag:$0x2], $0x80, v3, vm0, $0xb8;
	[tilespmem:$0x10100] =	vst v63  }
0x9e: {  	v3 =	vld [tilespmem:$0xA0];
	_ =	sdelay $0x4  }
0x9f: {  	v62 =	vshll.u32 v3, $0x3  }
0xa0: {  	v3 =	vand.u32 $0x7, v3;
	v4 =	vand.u32 $0xFFFFFFC0, v62  }
0xa1: {  	v3 =	vor.u32 v3, v4  }
0xa2: {  	v4 =	vperm.xlane v3, v0;
	_ =	sdelay $0x1  }
0xa3: {  	v4 =	vadd.s32 v1, v4;
	_ =	sdelay $0x4  }
0xa4: {  	[hbm4b:s3+s2] =	stream.indirect_vreg.scatter [tilespmem:s13], [sflag:$0x2], $0x80, v4, vm0, $0xb8;
	[tilespmem:$0x10100] =	vst v63  }
0xa5: {  	v3 =	vperm.xlane v3, v2  }
0xa6: {  	[hbm4b:s5+s2] =	stream.indirect_vreg.scatter [tilespmem:s14], [sflag:$0x2], $0x80, v4, vm0, $0xb8;
	[tilespmem:$0x10100] =	vst v63  }
0xa7: {  	v3 =	vadd.s32 v1, v3  }
0xa8: {  	[hbm4b:s6+s2] =	stream.indirect_vreg.scatter [tilespmem:s15], [sflag:$0x2], $0x80, v4, vm0, $0xb8;
	[tilespmem:$0x10100] =	vst v63  }
0xa9: {  	_ = 	snop  }
0xaa: {  	[hbm4b:s7+s2] =	stream.indirect_vreg.scatter [tilespmem:s16], [sflag:$0x2], $0x80, v4, vm0, $0xb8;
	[tilespmem:$0x10100] =	vst v63  }
0xab: {  	_ = 	snop  }
0xac: {  	[hbm4b:s3+s2] =	stream.indirect_vreg.scatter [tilespmem:s17], [sflag:$0x2], $0x80, v3, vm0, $0xb8;
	[tilespmem:$0x10100] =	vst v63  }
0xad: {  	_ = 	snop  }
0xae: {  	[hbm4b:s5+s2] =	stream.indirect_vreg.scatter [tilespmem:s18], [sflag:$0x2], $0x80, v3, vm0, $0xb8;
	[tilespmem:$0x10100] =	vst v63  }
0xaf: {  	_ = 	snop  }
0xb0: {  	[hbm4b:s6+s2] =	stream.indirect_vreg.scatter [tilespmem:s9], [sflag:$0x2], $0x80, v3, vm0, $0xb8;
	[tilespmem:$0x10100] =	vst v63  }
0xb1: {  	_ = 	snop  }
0xb2: {  	[hbm4b:s7+s2] =	stream.indirect_vreg.scatter [tilespmem:s20], [sflag:$0x2], $0x80, v3, vm0, $0xb8;
	[tilespmem:$0x10100] =	vst v63  }
0xb3: {  	v3 =	vld [tilespmem:$0xB0];
	_ =	sdelay $0x4  }
0xb4: {  	v63 =	vshll.u32 v3, $0x3  }
0xb5: {  	v3 =	vand.u32 $0x7, v3;
	v4 =	vand.u32 $0xFFFFFFC0, v63  }
0xb6: {  	v3 =	vor.u32 v3, v4  }
0xb7: {  	v4 =	vperm.xlane v3, v0;
	_ =	sdelay $0x1  }
0xb8: {  	v4 =	vadd.s32 v1, v4;
	_ =	sdelay $0x3  }
0xb9: {  	s19 =	simm.s32 $0xC100  }
0xba: {  	[hbm4b:s3+s2] =	stream.indirect_vreg.scatter [tilespmem:s19], [sflag:$0x2], $0x80, v4, vm0, $0xb8;
	[tilespmem:$0x10100] =	vst v63  }
0xbb: {  	s21 =	simm.s32 $0xC900;
	v3 =	vperm.xlane v3, v2  }
0xbc: {  	[hbm4b:s5+s2] =	stream.indirect_vreg.scatter [tilespmem:s21], [sflag:$0x2], $0x80, v4, vm0, $0xb8;
	[tilespmem:$0x10100] =	vst v63  }
0xbd: {  	s22 =	simm.s32 $0xD100;
	v3 =	vadd.s32 v1, v3  }
0xbe: {  	[hbm4b:s6+s2] =	stream.indirect_vreg.scatter [tilespmem:s22], [sflag:$0x2], $0x80, v4, vm0, $0xb8;
	[tilespmem:$0x10100] =	vst v63  }
0xbf: {  	s19 =	simm.s32 $0xD900  }
0xc0: {  	[hbm4b:s7+s2] =	stream.indirect_vreg.scatter [tilespmem:s19], [sflag:$0x2], $0x80, v4, vm0, $0xb8;
	[tilespmem:$0x10100] =	vst v63  }
0xc1: {  	s21 =	simm.s32 $0xE100  }
0xc2: {  	[hbm4b:s3+s2] =	stream.indirect_vreg.scatter [tilespmem:s21], [sflag:$0x2], $0x80, v3, vm0, $0xb8;
	[tilespmem:$0x10100] =	vst v63  }
0xc3: {  	s22 =	simm.s32 $0xE900  }
0xc4: {  	[hbm4b:s5+s2] =	stream.indirect_vreg.scatter [tilespmem:s22], [sflag:$0x2], $0x80, v3, vm0, $0xb8;
	[tilespmem:$0x10100] =	vst v63  }
0xc5: {  	s19 =	simm.s32 $0xF100  }
0xc6: {  	[hbm4b:s6+s2] =	stream.indirect_vreg.scatter [tilespmem:s19], [sflag:$0x2], $0x80, v3, vm0, $0xb8;
	[tilespmem:$0x10100] =	vst v63  }
0xc7: {  	s21 =	simm.s32 $0x1  }
0xc8: {  	[hbm4b:s7+s2] =	stream.indirect_vreg.scatter [tilespmem:s0], [sflag:$0x2], $0x80, v3, vm0, $0xb8;
	[tilespmem:$0x10100] =	vst v63  }
0xc9: {  	p0 =	sne.s32 s8, $0x1;
	_ =	swait.ge [sflag:s21], $0x10000  }
.Ltmp0:
0xca: {  	[sflag:s21] =	ssyncset.done $0x0;
	(pc) =	sbr.rel @p0 .LBB2_1-.Ltmp0, $4  }
0xcb: {  	s22 =	simm.s32 $0x2;
	[sflag:s21] =	ssyncadd.s32 $0xFFFF0000  }
0xcc: {  	_ =	swait.ge [sflag:s22], $0x10000  }
0xcd: {  	[sflag:s22] =	ssyncset.done $0x0  }
0xce: {  	s8 =	sadd.s32 $0xFFFFFFFF, s8;
	[sflag:s22] =	ssyncadd.s32 $0xFFFF0000  }
0xcf: {  	_ =	sfence.sel $0x180000  }
0xd0: {  	[bflag:$0x0] =	sbarrier.arrive $0xFFFF  }
0xd1: {  	_ =	strace $0x90000047  }
0xd2: {  	s0 =	stileid.u32;
	[bflag:$0x2] =	sbarrier.arrive $0xFFFF  }
0xd3: {  	p0 =	sne.s32 s0, $0x0;
	s0 =	rddreg [dreg:$0x2]  }
0xd4: {  	s0 =	sadd.s32 @!p0 $0x100000, s0  }
0xd5: {  	[sflag:s0] =	ssyncadd.tile.s32 @!p0 $0x1;
	_ =	shalt  }
.Lfunc_end2:
_tile_overlayer_lowered:
.L_overlay_start_2:
0xd6: {  	(tag) =	ssettag $0x2  }
0xd7: {  	s0 =	rddreg [dreg:$0x0];
	s2 =	stileid.u32  }
0xd8: {  	s1 =	rddreg [dreg:$0x1];
	p0 =	sne.s32 s2, $0x0  }
0xd9: {  	s3 =	rddreg [dreg:$0x2];
	[bflag:$0x3] =	sbarrier.arrive $0xFFFF;
	s2 =	simm.s32 @!p0 $0x1C03  }
0xda: {  	[timem:s3], [sflag:s2] =	dma.local @!p0 [hbm:s0], s1  }
0xdb: {  	s0 =	simm.s32 @!p0 $0x3  }
0xdc: {  	_ =	swait.ge @!p0 [sflag:s0], s1  }
0xdd: {  	s1 =	ssub.s32 @!p0 $0x0, s1;
	[sflag:s0] =	ssyncset.done @!p0 $0x0  }
0xde: {  	[sflag:s0] =	ssyncadd.s32 @!p0 s1  }
0xdf: {  	[bflag:$0x3] =	sbarrier.arrive $0xFFFF  }
0xe0: {  	_ =	shalt  }

</sc_bundles>
